<compile_context>
chip_gen: v7x
topology: tpu7x:2x2x1
jax: 0.10.2.dev20260603
libtpu: 0.0.44.dev20260713+nightly
codegen_flags: <defaults>
</compile_context>

<pallas_src>
import functools

import jax
import jax.numpy as jnp
from jax import lax
from jax.experimental import pallas as pl
from jax.experimental.pallas import tpu as pltpu
from jax.experimental.pallas import tpu_sc as plsc

U, T, Q, K = 4096, 50, 100000, 8
TP = 64
TABW = 16
NW = 32
UPW = U // NW
PER_W = UPW * T
NP = K + 2
NCHK = 4
UH = UPW // NCHK
PH = UH * T


def _sc_gather(qid2, tab):
    mesh = plsc.VectorSubcoreMesh(core_axis_name="c", subcore_axis_name="s")

    @functools.partial(
        pl.kernel,
        mesh=mesh,
        out_type=jax.ShapeDtypeStruct((NP, U, TP), jnp.float32),
        scratch_types=[
            pltpu.VMEM((PER_W,), jnp.int32),
            pltpu.VMEM((PH, TABW), jnp.float32),
            pltpu.VMEM((PH, TABW), jnp.float32),
            pltpu.VMEM((NP, UH, TP), jnp.float32),
            pltpu.SemaphoreType.DMA,
            pltpu.SemaphoreType.DMA,
        ],
        compiler_params=pltpu.CompilerParams(use_tc_tiling_on_sc=False,
                                             needs_layout_passes=False),
    )
    def k(qid_hbm, tab_hbm, out_hbm, idx_v, rows_a, rows_b, pl_v, sem_a, sem_b):
        wid = lax.axis_index("s") * 2 + lax.axis_index("c")
        ubase = wid * UPW
        pltpu.sync_copy(qid_hbm.at[wid], idx_v)
        lanes = lax.broadcasted_iota(jnp.int32, (16,), 0)
        rowoff = [jnp.minimum(cc * 16 + lanes, T - 1) for cc in range(TP // 16)]
        bufs = [(rows_a, sem_a), (rows_b, sem_b)]

        def fire(q):
            rv, sm = bufs[q % 2]
            pltpu.async_copy(tab_hbm.at[idx_v.at[pl.ds(q * PH, PH)]], rv, sm)

        fire(0)
        fire(1)
        for q in range(NCHK):
            rows_v, sm = bufs[q % 2]
            pltpu.make_async_copy(tab_hbm.at[pl.ds(0, PH)], rows_v, sm).wait()

            def regroup(u, carry):
                rbase = u * T
                for cc in range(TP // 16):
                    row_idx = rbase + rowoff[cc]
                    for kk in range(NP):
                        v = plsc.load_gather(
                            rows_v, [row_idx, jnp.full((16,), kk, jnp.int32)])
                        pl_v[kk, u, pl.ds(cc * 16, 16)] = v
                return carry

            lax.fori_loop(0, UH, regroup, 0)
            if q + 2 < NCHK:
                fire(q + 2)
            pltpu.sync_copy(pl_v, out_hbm.at[:, pl.ds(ubase + q * UH, UH)])

    return k(qid2, tab)


def _tc_dense(planes, eps_t, Ltri):
    UB = 512
    prec = lax.Precision.HIGHEST

    def body(pl_ref, eps_ref, l_ref, out_ref):
        Lm = l_ref[...]
        num = jnp.zeros((UB, T), jnp.float32)
        den = jnp.zeros((UB, T), jnp.float32)
        for kk in range(K):
            mk = pl_ref[kk][:, :T]
            ek = eps_ref[kk]
            yk = lax.dot(mk * ek, Lm, precision=prec,
                         preferred_element_type=jnp.float32)
            num += yk * mk
            den += mk
        dgv = pl_ref[K][:, :T]
        cgv = pl_ref[K + 1][:, :T]
        ability = num / jnp.maximum(den, 1e-8)
        out_ref[...] = cgv * (ability - dgv)

    return pl.pallas_call(
        body,
        grid=(U // UB,),
        in_specs=[
            pl.BlockSpec((NP, UB, TP), lambda i: (0, i, 0)),
            pl.BlockSpec((K, UB, T), lambda i: (0, i, 0)),
            pl.BlockSpec((T, T), lambda i: (0, 0)),
        ],
        out_specs=pl.BlockSpec((UB, T), lambda i: (i, 0)),
        out_shape=jax.ShapeDtypeStruct((U, T), jnp.float32),
        compiler_params=pltpu.CompilerParams(dimension_semantics=("arbitrary",)),
    )(planes, eps_t, Ltri)


def kernel(mask, q_id, kmap, resp, eps, diff_w, disc_w):
    tab = jnp.concatenate(
        [kmap.astype(jnp.float32), diff_w[:, None], disc_w[:, None],
         jnp.zeros((Q, TABW - K - 2), jnp.float32)], axis=1)
    qid2 = q_id.astype(jnp.int32).reshape(NW, PER_W)
    planes = _sc_gather(qid2, tab)
    eps_t = jnp.transpose(eps, (2, 0, 1))
    r = lax.broadcasted_iota(jnp.int32, (T, T), 0)
    c = lax.broadcasted_iota(jnp.int32, (T, T), 1)
    Ltri = (r <= c).astype(jnp.float32)
    return _tc_dense(planes, eps_t, Ltri)

# --- scband reference (transcript-rebuilt; emitter-appended) ---
"""Pipeline reference for scband-vtirt-62345745269582 (READ-ONLY COPY).

The authoritative reference and input builder live on the scoring server;
editing this copy changes nothing except your own understanding.
"""

import jax, jax.numpy as jnp
import numpy as np

U, T, Q, K = 4096, 50, 100000, 8
STD_THETA = 1.0

def setup_inputs(seed: int = 0) -> dict:
    key = jax.random.key(seed)
    ks = jax.random.split(key, 6)
    mask = jnp.ones((U, T), dtype=bool)
    q_id = jax.random.randint(ks[0], (U, T), 0, Q)
    kmap = jax.random.randint(ks[1], (Q, K), 0, 2).astype(bool)
    resp = jax.random.uniform(ks[2], (U, T), dtype=jnp.float32)
    # reparameterized noise for the per-step ability samples (pyro.sample Normal(curr, std_theta))
    eps = jax.random.normal(ks[3], (U, T, K), dtype=jnp.float32)
    # posterior-mean parameters for diff/disc (guide embedding tables, squeezed to (Q,))
    diff_w = jax.random.normal(ks[4], (Q,), dtype=jnp.float32) * 0.1
    disc_w = jax.random.normal(ks[5], (Q,), dtype=jnp.float32) * 0.1
    return {"mask": mask, "q_id": q_id, "kmap": kmap, "resp": resp,
            "eps": eps, "diff_w": diff_w, "disc_w": disc_w}

def reference(mask, q_id, kmap, resp, eps, diff_w, disc_w):
    # trial_kc_mask = kmap[q_id, :]  -> (U, T, K) gather
    trial_kc_mask = jnp.take(kmap, q_id, axis=0)
    curr = jnp.zeros((U, K), dtype=jnp.float32)
    abil = []
    for i in range(T):
        m_t = trial_kc_mask[:, i, :]
        # masked_select + Normal(curr, std_theta) sample + masked_scatter, reparameterized:
        nxt = curr + STD_THETA * eps[:, i, :]
        curr = jnp.where(m_t, nxt, curr)
        abil.append(curr)
    trial_ability_kc = jnp.stack(abil, axis=1)  # (U, T, K)
    mkf = trial_kc_mask.astype(jnp.float32)
    trial_ability = (trial_ability_kc * mkf).sum(axis=-1) / jnp.clip(mkf.sum(axis=-1), 1e-8, None)
    trial_diff = jnp.take(diff_w, q_id, axis=0)
    trial_disc = jnp.take(disc_w, q_id, axis=0)
    trial_logits = trial_disc * (trial_ability - trial_diff)
    return trial_logits

if __name__ == "__main__":
    import jax
    _d = setup_inputs()
    print(jax.jit(kernel)(*tuple(_d.values())))

</pallas_src>

<mosaic_0001>
#map = affine_map<(d0, d1) -> (0, 0)>
#map1 = affine_map<(d0, d1) -> (0, 0, 0)>
module attributes {stable_mosaic.version = 14 : i64} {
  func.func @k(%arg0: i32, %arg1: i32, %arg2: memref<32x6400xi32, #tpu.memory_space<hbm>>, %arg3: memref<100000x16xf32, #tpu.memory_space<hbm>>, %arg4: memref<10x4096x64xf32, #tpu.memory_space<hbm>>, %arg5: memref<6400xi32, #tpu.memory_space<vmem>>, %arg6: memref<1600x16xf32, #tpu.memory_space<vmem>>, %arg7: memref<1600x16xf32, #tpu.memory_space<vmem>>, %arg8: memref<10x32x64xf32, #tpu.memory_space<vmem>>, %arg9: memref<!tpu.dma_semaphore, #tpu.memory_space<semaphore_mem>>, %arg10: memref<!tpu.dma_semaphore, #tpu.memory_space<semaphore_mem>>) attributes {dimension_semantics = [#tpu.dimension_semantics<core_parallel>, #tpu.dimension_semantics<subcore_parallel>], iteration_bounds = array<i64: 2, 16>, scalar_prefetch = 0 : i64, scratch_operands = 6 : i64, tpu.core_type = #tpu.core_type<sc_vector_subcore>, window_params = [{transform_indices = #map}, {transform_indices = #map}, {transform_indices = #map1}]} {
    %mul3A = arith.constant 2 : i32
    %mul3A_0 = arith.muli %arg1, %mul3A : i32
    %add3A = arith.addi %mul3A_0, %arg0 : i32
    %mul3A_1 = arith.constant 128 : i32
    %mul3A_2 = arith.muli %add3A, %mul3A_1 : i32
    "tpu.region"() ({
      %run_scoped3A = tpu.sem_alloc : memref<!tpu.dma_semaphore, #tpu.memory_space<semaphore_mem>>
      %dma_start3A_99 = arith.constant 0 : i32
      %dma_start3A_100 = tpu.memref_slice %arg2[%add3A, %dma_start3A_99] : memref<32x6400xi32, #tpu.memory_space<hbm>> -> memref<1x6400xi32, #tpu.memory_space<hbm>>
      %dma_start3A_101 = tpu.memref_squeeze %dma_start3A_100 : memref<1x6400xi32, #tpu.memory_space<hbm>> -> memref<6400xi32, #tpu.memory_space<hbm>>
      %dma_start3A_102 = arith.constant 0 : i32
      %dma_start3A_103 = tpu.memref_slice %arg2[%add3A, %dma_start3A_102] : memref<32x6400xi32, #tpu.memory_space<hbm>> -> memref<1x6400xi32, #tpu.memory_space<hbm>>
      %dma_start3A_104 = tpu.memref_squeeze %dma_start3A_103 : memref<1x6400xi32, #tpu.memory_space<hbm>> -> memref<6400xi32, #tpu.memory_space<hbm>>
      tpu.enqueue_dma source(%dma_start3A_104 : memref<6400xi32, #tpu.memory_space<hbm>>) target(%arg5 : memref<6400xi32, #tpu.memory_space<vmem>>) target_semaphore(%run_scoped3A : memref<!tpu.dma_semaphore, #tpu.memory_space<semaphore_mem>>)
      %dma_wait3A_105 = arith.constant 0 : i32
      %dma_wait3A_106 = tpu.memref_slice %arg2[%add3A, %dma_wait3A_105] : memref<32x6400xi32, #tpu.memory_space<hbm>> -> memref<1x6400xi32, #tpu.memory_space<hbm>>
      %dma_wait3A_107 = tpu.memref_squeeze %dma_wait3A_106 : memref<1x6400xi32, #tpu.memory_space<hbm>> -> memref<6400xi32, #tpu.memory_space<hbm>>
      %dma_wait3A_108 = arith.constant 0 : i32
      %dma_wait3A_109 = tpu.memref_slice %arg2[%add3A, %dma_wait3A_108] : memref<32x6400xi32, #tpu.memory_space<hbm>> -> memref<1x6400xi32, #tpu.memory_space<hbm>>
      %dma_wait3A_110 = tpu.memref_squeeze %dma_wait3A_109 : memref<1x6400xi32, #tpu.memory_space<hbm>> -> memref<6400xi32, #tpu.memory_space<hbm>>
      tpu.wait_dma2 semaphore(%run_scoped3A : memref<!tpu.dma_semaphore, #tpu.memory_space<semaphore_mem>>) src(%dma_wait3A_110 : memref<6400xi32, #tpu.memory_space<hbm>>) dst(%arg5 : memref<6400xi32, #tpu.memory_space<vmem>>)
      tpu.yield
    }) : () -> ()
    %iota3A = tpu.iota {dimensions = array<i32: 0>} : vector<16xi32>
    %add3A_3 = arith.constant 0 : i32
    %add3A_4 = vector.broadcast %add3A_3 : i32 to vector<16xi32>
    %add3A_5 = arith.addi %add3A_4, %iota3A : vector<16xi32>
    %min3A = arith.constant 49 : i32
    %min3A_6 = vector.broadcast %min3A : i32 to vector<16xi32>
    %min3A_7 = arith.minsi %add3A_5, %min3A_6 : vector<16xi32>
    %add3A_8 = arith.constant 16 : i32
    %add3A_9 = vector.broadcast %add3A_8 : i32 to vector<16xi32>
    %add3A_10 = arith.addi %add3A_9, %iota3A : vector<16xi32>
    %min3A_11 = arith.constant 49 : i32
    %min3A_12 = vector.broadcast %min3A_11 : i32 to vector<16xi32>
    %min3A_13 = arith.minsi %add3A_10, %min3A_12 : vector<16xi32>
    %add3A_14 = arith.constant 32 : i32
    %add3A_15 = vector.broadcast %add3A_14 : i32 to vector<16xi32>
    %add3A_16 = arith.addi %add3A_15, %iota3A : vector<16xi32>
    %min3A_17 = arith.constant 49 : i32
    %min3A_18 = vector.broadcast %min3A_17 : i32 to vector<16xi32>
    %min3A_19 = arith.minsi %add3A_16, %min3A_18 : vector<16xi32>
    %add3A_20 = arith.constant 48 : i32
    %add3A_21 = vector.broadcast %add3A_20 : i32 to vector<16xi32>
    %add3A_22 = arith.addi %add3A_21, %iota3A : vector<16xi32>
    %min3A_23 = arith.constant 49 : i32
    %min3A_24 = vector.broadcast %min3A_23 : i32 to vector<16xi32>
    %min3A_25 = arith.minsi %add3A_22, %min3A_24 : vector<16xi32>
    %dma_start3A = arith.constant 0 : i32
    %dma_start3A_26 = tpu.memref_slice %arg5[%dma_start3A] : memref<6400xi32, #tpu.memory_space<vmem>> -> memref<1600xi32, #tpu.memory_space<vmem>>
    %dma_start3A_27 = arith.constant 0 : i32
    %dma_start3A_28 = arith.constant 0 : i32
    %dma_start3A_29 = tpu.memref_slice %arg3[%dma_start3A_27, %dma_start3A_28] : memref<100000x16xf32, #tpu.memory_space<hbm>> -> memref<100000x16xf32, #tpu.memory_space<hbm>>
    tpu.enqueue_indirect_dma source(%dma_start3A_29 : memref<100000x16xf32, #tpu.memory_space<hbm>>) target(%arg6 : memref<1600x16xf32, #tpu.memory_space<vmem>>) offsets(%dma_start3A_26 : memref<1600xi32, #tpu.memory_space<vmem>>) semaphore(%arg9 : memref<!tpu.dma_semaphore, #tpu.memory_space<semaphore_mem>>)
    %dma_start3A_30 = arith.constant 1600 : i32
    %dma_start3A_31 = tpu.memref_slice %arg5[%dma_start3A_30] : memref<6400xi32, #tpu.memory_space<vmem>> -> memref<1600xi32, #tpu.memory_space<vmem>>
    %dma_start3A_32 = arith.constant 0 : i32
    %dma_start3A_33 = arith.constant 0 : i32
    %dma_start3A_34 = tpu.memref_slice %arg3[%dma_start3A_32, %dma_start3A_33] : memref<100000x16xf32, #tpu.memory_space<hbm>> -> memref<100000x16xf32, #tpu.memory_space<hbm>>
    tpu.enqueue_indirect_dma source(%dma_start3A_34 : memref<100000x16xf32, #tpu.memory_space<hbm>>) target(%arg7 : memref<1600x16xf32, #tpu.memory_space<vmem>>) offsets(%dma_start3A_31 : memref<1600xi32, #tpu.memory_space<vmem>>) semaphore(%arg10 : memref<!tpu.dma_semaphore, #tpu.memory_space<semaphore_mem>>)
    %dma_wait3A = arith.constant 0 : i32
    %dma_wait3A_35 = arith.constant 0 : i32
    %dma_wait3A_36 = tpu.memref_slice %arg3[%dma_wait3A, %dma_wait3A_35] : memref<100000x16xf32, #tpu.memory_space<hbm>> -> memref<1600x16xf32, #tpu.memory_space<hbm>>
    %dma_wait3A_37 = arith.constant 0 : i32
    %dma_wait3A_38 = arith.constant 0 : i32
    %dma_wait3A_39 = tpu.memref_slice %arg3[%dma_wait3A_37, %dma_wait3A_38] : memref<100000x16xf32, #tpu.memory_space<hbm>> -> memref<1600x16xf32, #tpu.memory_space<hbm>>
    tpu.wait_dma2 semaphore(%arg9 : memref<!tpu.dma_semaphore, #tpu.memory_space<semaphore_mem>>) src(%dma_wait3A_39 : memref<1600x16xf32, #tpu.memory_space<hbm>>) dst(%arg6 : memref<1600x16xf32, #tpu.memory_space<vmem>>)
    %scan3A = arith.constant 0 : i32
    %scan3A_40 = arith.constant 0 : i32
    %scan3A_41 = arith.constant 32 : i32
    %scan3A_42 = arith.addi %scan3A_40, %scan3A_41 : i32
    %scan3A_43 = arith.constant 1 : i32
    scf.for %scan3A_99 = %scan3A_40 to %scan3A_42 step %scan3A_43  : i32 {
      %mul3A_100 = arith.constant 50 : i32
      %mul3A_101 = arith.muli %scan3A_99, %mul3A_100 : i32
      %add3A_102 = vector.broadcast %mul3A_101 : i32 to vector<16xi32>
      %add3A_103 = arith.addi %add3A_102, %min3A_7 : vector<16xi32>
      %broadcast_in_dim3A = arith.constant 0 : i32
      %broadcast_in_dim3A_104 = vector.broadcast %broadcast_in_dim3A : i32 to vector<16xi32>
      %gather3A = tpu.vector_load_idx %arg6[%add3A_103, %broadcast_in_dim3A_104] : memref<1600x16xf32, #tpu.memory_space<vmem>>[vector<16xi32>, vector<16xi32>], vector<16xf32>,
      %swap3A = arith.constant 0 : i32
      %swap3A_105 = arith.index_cast %swap3A : i32 to index
      %swap3A_106 = arith.index_cast %scan3A_99 : i32 to index
      %swap3A_107 = arith.constant 0 : index
      %swap3A_108 = tpu.vector_load %arg8[%swap3A_105, %swap3A_106, %swap3A_107] {strides = array<i32>} : memref<10x32x64xf32, #tpu.memory_space<vmem>>, vector<16xf32>,
      tpu.vector_store %arg8[%swap3A_105, %swap3A_106, %swap3A_107], %gather3A {strides = array<i32>} : memref<10x32x64xf32, #tpu.memory_space<vmem>>, vector<16xf32>,
      %broadcast_in_dim3A_109 = arith.constant 1 : i32
      %broadcast_in_dim3A_110 = vector.broadcast %broadcast_in_dim3A_109 : i32 to vector<16xi32>
      %gather3A_111 = tpu.vector_load_idx %arg6[%add3A_103, %broadcast_in_dim3A_110] : memref<1600x16xf32, #tpu.memory_space<vmem>>[vector<16xi32>, vector<16xi32>], vector<16xf32>,
      %swap3A_112 = arith.constant 1 : i32
      %swap3A_113 = arith.index_cast %swap3A_112 : i32 to index
      %swap3A_114 = arith.index_cast %scan3A_99 : i32 to index
      %swap3A_115 = arith.constant 0 : index
      %swap3A_116 = tpu.vector_load %arg8[%swap3A_113, %swap3A_114, %swap3A_115] {strides = array<i32>} : memref<10x32x64xf32, #tpu.memory_space<vmem>>, vector<16xf32>,
      tpu.vector_store %arg8[%swap3A_113, %swap3A_114, %swap3A_115], %gather3A_111 {strides = array<i32>} : memref<10x32x64xf32, #tpu.memory_space<vmem>>, vector<16xf32>,
      %broadcast_in_dim3A_117 = arith.constant 2 : i32
      %broadcast_in_dim3A_118 = vector.broadcast %broadcast_in_dim3A_117 : i32 to vector<16xi32>
      %gather3A_119 = tpu.vector_load_idx %arg6[%add3A_103, %broadcast_in_dim3A_118] : memref<1600x16xf32, #tpu.memory_space<vmem>>[vector<16xi32>, vector<16xi32>], vector<16xf32>,
      %swap3A_120 = arith.constant 2 : i32
      %swap3A_121 = arith.index_cast %swap3A_120 : i32 to index
      %swap3A_122 = arith.index_cast %scan3A_99 : i32 to index
      %swap3A_123 = arith.constant 0 : index
      %swap3A_124 = tpu.vector_load %arg8[%swap3A_121, %swap3A_122, %swap3A_123] {strides = array<i32>} : memref<10x32x64xf32, #tpu.memory_space<vmem>>, vector<16xf32>,
      tpu.vector_store %arg8[%swap3A_121, %swap3A_122, %swap3A_123], %gather3A_119 {strides = array<i32>} : memref<10x32x64xf32, #tpu.memory_space<vmem>>, vector<16xf32>,
      %broadcast_in_dim3A_125 = arith.constant 3 : i32
      %broadcast_in_dim3A_126 = vector.broadcast %broadcast_in_dim3A_125 : i32 to vector<16xi32>
      %gather3A_127 = tpu.vector_load_idx %arg6[%add3A_103, %broadcast_in_dim3A_126] : memref<1600x16xf32, #tpu.memory_space<vmem>>[vector<16xi32>, vector<16xi32>], vector<16xf32>,
      %swap3A_128 = arith.constant 3 : i32
      %swap3A_129 = arith.index_cast %swap3A_128 : i32 to index
      %swap3A_130 = arith.index_cast %scan3A_99 : i32 to index
      %swap3A_131 = arith.constant 0 : index
      %swap3A_132 = tpu.vector_load %arg8[%swap3A_129, %swap3A_130, %swap3A_131] {strides = array<i32>} : memref<10x32x64xf32, #tpu.memory_space<vmem>>, vector<16xf32>,
      tpu.vector_store %arg8[%swap3A_129, %swap3A_130, %swap3A_131], %gather3A_127 {strides = array<i32>} : memref<10x32x64xf32, #tpu.memory_space<vmem>>, vector<16xf32>,
      %broadcast_in_dim3A_133 = arith.constant 4 : i32
      %broadcast_in_dim3A_134 = vector.broadcast %broadcast_in_dim3A_133 : i32 to vector<16xi32>
      %gather3A_135 = tpu.vector_load_idx %arg6[%add3A_103, %broadcast_in_dim3A_134] : memref<1600x16xf32, #tpu.memory_space<vmem>>[vector<16xi32>, vector<16xi32>], vector<16xf32>,
      %swap3A_136 = arith.constant 4 : i32
      %swap3A_137 = arith.index_cast %swap3A_136 : i32 to index
      %swap3A_138 = arith.index_cast %scan3A_99 : i32 to index
      %swap3A_139 = arith.constant 0 : index
      %swap3A_140 = tpu.vector_load %arg8[%swap3A_137, %swap3A_138, %swap3A_139] {strides = array<i32>} : memref<10x32x64xf32, #tpu.memory_space<vmem>>, vector<16xf32>,
      tpu.vector_store %arg8[%swap3A_137, %swap3A_138, %swap3A_139], %gather3A_135 {strides = array<i32>} : memref<10x32x64xf32, #tpu.memory_space<vmem>>, vector<16xf32>,
      %broadcast_in_dim3A_141 = arith.constant 5 : i32
      %broadcast_in_dim3A_142 = vector.broadcast %broadcast_in_dim3A_141 : i32 to vector<16xi32>
      %gather3A_143 = tpu.vector_load_idx %arg6[%add3A_103, %broadcast_in_dim3A_142] : memref<1600x16xf32, #tpu.memory_space<vmem>>[vector<16xi32>, vector<16xi32>], vector<16xf32>,
      %swap3A_144 = arith.constant 5 : i32
      %swap3A_145 = arith.index_cast %swap3A_144 : i32 to index
      %swap3A_146 = arith.index_cast %scan3A_99 : i32 to index
      %swap3A_147 = arith.constant 0 : index
      %swap3A_148 = tpu.vector_load %arg8[%swap3A_145, %swap3A_146, %swap3A_147] {strides = array<i32>} : memref<10x32x64xf32, #tpu.memory_space<vmem>>, vector<16xf32>,
      tpu.vector_store %arg8[%swap3A_145, %swap3A_146, %swap3A_147], %gather3A_143 {strides = array<i32>} : memref<10x32x64xf32, #tpu.memory_space<vmem>>, vector<16xf32>,
      %broadcast_in_dim3A_149 = arith.constant 6 : i32
      %broadcast_in_dim3A_150 = vector.broadcast %broadcast_in_dim3A_149 : i32 to vector<16xi32>
      %gather3A_151 = tpu.vector_load_idx %arg6[%add3A_103, %broadcast_in_dim3A_150] : memref<1600x16xf32, #tpu.memory_space<vmem>>[vector<16xi32>, vector<16xi32>], vector<16xf32>,
      %swap3A_152 = arith.constant 6 : i32
      %swap3A_153 = arith.index_cast %swap3A_152 : i32 to index
      %swap3A_154 = arith.index_cast %scan3A_99 : i32 to index
      %swap3A_155 = arith.constant 0 : index
      %swap3A_156 = tpu.vector_load %arg8[%swap3A_153, %swap3A_154, %swap3A_155] {strides = array<i32>} : memref<10x32x64xf32, #tpu.memory_space<vmem>>, vector<16xf32>,
      tpu.vector_store %arg8[%swap3A_153, %swap3A_154, %swap3A_155], %gather3A_151 {strides = array<i32>} : memref<10x32x64xf32, #tpu.memory_space<vmem>>, vector<16xf32>,
      %broadcast_in_dim3A_157 = arith.constant 7 : i32
      %broadcast_in_dim3A_158 = vector.broadcast %broadcast_in_dim3A_157 : i32 to vector<16xi32>
      %gather3A_159 = tpu.vector_load_idx %arg6[%add3A_103, %broadcast_in_dim3A_158] : memref<1600x16xf32, #tpu.memory_space<vmem>>[vector<16xi32>, vector<16xi32>], vector<16xf32>,
      %swap3A_160 = arith.constant 7 : i32
      %swap3A_161 = arith.index_cast %swap3A_160 : i32 to index
      %swap3A_162 = arith.index_cast %scan3A_99 : i32 to index
      %swap3A_163 = arith.constant 0 : index
      %swap3A_164 = tpu.vector_load %arg8[%swap3A_161, %swap3A_162, %swap3A_163] {strides = array<i32>} : memref<10x32x64xf32, #tpu.memory_space<vmem>>, vector<16xf32>,
      tpu.vector_store %arg8[%swap3A_161, %swap3A_162, %swap3A_163], %gather3A_159 {strides = array<i32>} : memref<10x32x64xf32, #tpu.memory_space<vmem>>, vector<16xf32>,
      %broadcast_in_dim3A_165 = arith.constant 8 : i32
      %broadcast_in_dim3A_166 = vector.broadcast %broadcast_in_dim3A_165 : i32 to vector<16xi32>
      %gather3A_167 = tpu.vector_load_idx %arg6[%add3A_103, %broadcast_in_dim3A_166] : memref<1600x16xf32, #tpu.memory_space<vmem>>[vector<16xi32>, vector<16xi32>], vector<16xf32>,
      %swap3A_168 = arith.constant 8 : i32
      %swap3A_169 = arith.index_cast %swap3A_168 : i32 to index
      %swap3A_170 = arith.index_cast %scan3A_99 : i32 to index
      %swap3A_171 = arith.constant 0 : index
      %swap3A_172 = tpu.vector_load %arg8[%swap3A_169, %swap3A_170, %swap3A_171] {strides = array<i32>} : memref<10x32x64xf32, #tpu.memory_space<vmem>>, vector<16xf32>,
      tpu.vector_store %arg8[%swap3A_169, %swap3A_170, %swap3A_171], %gather3A_167 {strides = array<i32>} : memref<10x32x64xf32, #tpu.memory_space<vmem>>, vector<16xf32>,
      %broadcast_in_dim3A_173 = arith.constant 9 : i32
      %broadcast_in_dim3A_174 = vector.broadcast %broadcast_in_dim3A_173 : i32 to vector<16xi32>
      %gather3A_175 = tpu.vector_load_idx %arg6[%add3A_103, %broadcast_in_dim3A_174] : memref<1600x16xf32, #tpu.memory_space<vmem>>[vector<16xi32>, vector<16xi32>], vector<16xf32>,
      %swap3A_176 = arith.constant 9 : i32
      %swap3A_177 = arith.index_cast %swap3A_176 : i32 to index
      %swap3A_178 = arith.index_cast %scan3A_99 : i32 to index
      %swap3A_179 = arith.constant 0 : index
      %swap3A_180 = tpu.vector_load %arg8[%swap3A_177, %swap3A_178, %swap3A_179] {strides = array<i32>} : memref<10x32x64xf32, #tpu.memory_space<vmem>>, vector<16xf32>,
      tpu.vector_store %arg8[%swap3A_177, %swap3A_178, %swap3A_179], %gather3A_175 {strides = array<i32>} : memref<10x32x64xf32, #tpu.memory_space<vmem>>, vector<16xf32>,
      %add3A_181 = vector.broadcast %mul3A_101 : i32 to vector<16xi32>
      %add3A_182 = arith.addi %add3A_181, %min3A_13 : vector<16xi32>
      %broadcast_in_dim3A_183 = arith.constant 0 : i32
      %broadcast_in_dim3A_184 = vector.broadcast %broadcast_in_dim3A_183 : i32 to vector<16xi32>
      %gather3A_185 = tpu.vector_load_idx %arg6[%add3A_182, %broadcast_in_dim3A_184] : memref<1600x16xf32, #tpu.memory_space<vmem>>[vector<16xi32>, vector<16xi32>], vector<16xf32>,
      %swap3A_186 = arith.constant 0 : i32
      %swap3A_187 = arith.index_cast %swap3A_186 : i32 to index
      %swap3A_188 = arith.index_cast %scan3A_99 : i32 to index
      %swap3A_189 = arith.constant 16 : index
      %swap3A_190 = tpu.vector_load %arg8[%swap3A_187, %swap3A_188, %swap3A_189] {strides = array<i32>} : memref<10x32x64xf32, #tpu.memory_space<vmem>>, vector<16xf32>,
      tpu.vector_store %arg8[%swap3A_187, %swap3A_188, %swap3A_189], %gather3A_185 {strides = array<i32>} : memref<10x32x64xf32, #tpu.memory_space<vmem>>, vector<16xf32>,
      %broadcast_in_dim3A_191 = arith.constant 1 : i32
      %broadcast_in_dim3A_192 = vector.broadcast %broadcast_in_dim3A_191 : i32 to vector<16xi32>
      %gather3A_193 = tpu.vector_load_idx %arg6[%add3A_182, %broadcast_in_dim3A_192] : memref<1600x16xf32, #tpu.memory_space<vmem>>[vector<16xi32>, vector<16xi32>], vector<16xf32>,
      %swap3A_194 = arith.constant 1 : i32
      %swap3A_195 = arith.index_cast %swap3A_194 : i32 to index
      %swap3A_196 = arith.index_cast %scan3A_99 : i32 to index
      %swap3A_197 = arith.constant 16 : index
      %swap3A_198 = tpu.vector_load %arg8[%swap3A_195, %swap3A_196, %swap3A_197] {strides = array<i32>} : memref<10x32x64xf32, #tpu.memory_space<vmem>>, vector<16xf32>,
      tpu.vector_store %arg8[%swap3A_195, %swap3A_196, %swap3A_197], %gather3A_193 {strides = array<i32>} : memref<10x32x64xf32, #tpu.memory_space<vmem>>, vector<16xf32>,
      %broadcast_in_dim3A_199 = arith.constant 2 : i32
      %broadcast_in_dim3A_200 = vector.broadcast %broadcast_in_dim3A_199 : i32 to vector<16xi32>
      %gather3A_201 = tpu.vector_load_idx %arg6[%add3A_182, %broadcast_in_dim3A_200] : memref<1600x16xf32, #tpu.memory_space<vmem>>[vector<16xi32>, vector<16xi32>], vector<16xf32>,
      %swap3A_202 = arith.constant 2 : i32
      %swap3A_203 = arith.index_cast %swap3A_202 : i32 to index
      %swap3A_204 = arith.index_cast %scan3A_99 : i32 to index
      %swap3A_205 = arith.constant 16 : index
      %swap3A_206 = tpu.vector_load %arg8[%swap3A_203, %swap3A_204, %swap3A_205] {strides = array<i32>} : memref<10x32x64xf32, #tpu.memory_space<vmem>>, vector<16xf32>,
      tpu.vector_store %arg8[%swap3A_203, %swap3A_204, %swap3A_205], %gather3A_201 {strides = array<i32>} : memref<10x32x64xf32, #tpu.memory_space<vmem>>, vector<16xf32>,
      %broadcast_in_dim3A_207 = arith.constant 3 : i32
      %broadcast_in_dim3A_208 = vector.broadcast %broadcast_in_dim3A_207 : i32 to vector<16xi32>
      %gather3A_209 = tpu.vector_load_idx %arg6[%add3A_182, %broadcast_in_dim3A_208] : memref<1600x16xf32, #tpu.memory_space<vmem>>[vector<16xi32>, vector<16xi32>], vector<16xf32>,
      %swap3A_210 = arith.constant 3 : i32
      %swap3A_211 = arith.index_cast %swap3A_210 : i32 to index
      %swap3A_212 = arith.index_cast %scan3A_99 : i32 to index
      %swap3A_213 = arith.constant 16 : index
      %swap3A_214 = tpu.vector_load %arg8[%swap3A_211, %swap3A_212, %swap3A_213] {strides = array<i32>} : memref<10x32x64xf32, #tpu.memory_space<vmem>>, vector<16xf32>,
      tpu.vector_store %arg8[%swap3A_211, %swap3A_212, %swap3A_213], %gather3A_209 {strides = array<i32>} : memref<10x32x64xf32, #tpu.memory_space<vmem>>, vector<16xf32>,
      %broadcast_in_dim3A_215 = arith.constant 4 : i32
      %broadcast_in_dim3A_216 = vector.broadcast %broadcast_in_dim3A_215 : i32 to vector<16xi32>
      %gather3A_217 = tpu.vector_load_idx %arg6[%add3A_182, %broadcast_in_dim3A_216] : memref<1600x16xf32, #tpu.memory_space<vmem>>[vector<16xi32>, vector<16xi32>], vector<16xf32>,
      %swap3A_218 = arith.constant 4 : i32
      %swap3A_219 = arith.index_cast %swap3A_218 : i32 to index
      %swap3A_220 = arith.index_cast %scan3A_99 : i32 to index
      %swap3A_221 = arith.constant 16 : index
      %swap3A_222 = tpu.vector_load %arg8[%swap3A_219, %swap3A_220, %swap3A_221] {strides = array<i32>} : memref<10x32x64xf32, #tpu.memory_space<vmem>>, vector<16xf32>,
      tpu.vector_store %arg8[%swap3A_219, %swap3A_220, %swap3A_221], %gather3A_217 {strides = array<i32>} : memref<10x32x64xf32, #tpu.memory_space<vmem>>, vector<16xf32>,
      %broadcast_in_dim3A_223 = arith.constant 5 : i32
      %broadcast_in_dim3A_224 = vector.broadcast %broadcast_in_dim3A_223 : i32 to vector<16xi32>
      %gather3A_225 = tpu.vector_load_idx %arg6[%add3A_182, %broadcast_in_dim3A_224] : memref<1600x16xf32, #tpu.memory_space<vmem>>[vector<16xi32>, vector<16xi32>], vector<16xf32>,
      %swap3A_226 = arith.constant 5 : i32
      %swap3A_227 = arith.index_cast %swap3A_226 : i32 to index
      %swap3A_228 = arith.index_cast %scan3A_99 : i32 to index
      %swap3A_229 = arith.constant 16 : index
      %swap3A_230 = tpu.vector_load %arg8[%swap3A_227, %swap3A_228, %swap3A_229] {strides = array<i32>} : memref<10x32x64xf32, #tpu.memory_space<vmem>>, vector<16xf32>,
      tpu.vector_store %arg8[%swap3A_227, %swap3A_228, %swap3A_229], %gather3A_225 {strides = array<i32>} : memref<10x32x64xf32, #tpu.memory_space<vmem>>, vector<16xf32>,
      %broadcast_in_dim3A_231 = arith.constant 6 : i32
      %broadcast_in_dim3A_232 = vector.broadcast %broadcast_in_dim3A_231 : i32 to vector<16xi32>
      %gather3A_233 = tpu.vector_load_idx %arg6[%add3A_182, %broadcast_in_dim3A_232] : memref<1600x16xf32, #tpu.memory_space<vmem>>[vector<16xi32>, vector<16xi32>], vector<16xf32>,
      %swap3A_234 = arith.constant 6 : i32
      %swap3A_235 = arith.index_cast %swap3A_234 : i32 to index
      %swap3A_236 = arith.index_cast %scan3A_99 : i32 to index
      %swap3A_237 = arith.constant 16 : index
      %swap3A_238 = tpu.vector_load %arg8[%swap3A_235, %swap3A_236, %swap3A_237] {strides = array<i32>} : memref<10x32x64xf32, #tpu.memory_space<vmem>>, vector<16xf32>,
      tpu.vector_store %arg8[%swap3A_235, %swap3A_236, %swap3A_237], %gather3A_233 {strides = array<i32>} : memref<10x32x64xf32, #tpu.memory_space<vmem>>, vector<16xf32>,
      %broadcast_in_dim3A_239 = arith.constant 7 : i32
      %broadcast_in_dim3A_240 = vector.broadcast %broadcast_in_dim3A_239 : i32 to vector<16xi32>
      %gather3A_241 = tpu.vector_load_idx %arg6[%add3A_182, %broadcast_in_dim3A_240] : memref<1600x16xf32, #tpu.memory_space<vmem>>[vector<16xi32>, vector<16xi32>], vector<16xf32>,
      %swap3A_242 = arith.constant 7 : i32
      %swap3A_243 = arith.index_cast %swap3A_242 : i32 to index
      %swap3A_244 = arith.index_cast %scan3A_99 : i32 to index
      %swap3A_245 = arith.constant 16 : index
      %swap3A_246 = tpu.vector_load %arg8[%swap3A_243, %swap3A_244, %swap3A_245] {strides = array<i32>} : memref<10x32x64xf32, #tpu.memory_space<vmem>>, vector<16xf32>,
      tpu.vector_store %arg8[%swap3A_243, %swap3A_244, %swap3A_245], %gather3A_241 {strides = array<i32>} : memref<10x32x64xf32, #tpu.memory_space<vmem>>, vector<16xf32>,
      %broadcast_in_dim3A_247 = arith.constant 8 : i32
      %broadcast_in_dim3A_248 = vector.broadcast %broadcast_in_dim3A_247 : i32 to vector<16xi32>
      %gather3A_249 = tpu.vector_load_idx %arg6[%add3A_182, %broadcast_in_dim3A_248] : memref<1600x16xf32, #tpu.memory_space<vmem>>[vector<16xi32>, vector<16xi32>], vector<16xf32>,
      %swap3A_250 = arith.constant 8 : i32
      %swap3A_251 = arith.index_cast %swap3A_250 : i32 to index
      %swap3A_252 = arith.index_cast %scan3A_99 : i32 to index
      %swap3A_253 = arith.constant 16 : index
      %swap3A_254 = tpu.vector_load %arg8[%swap3A_251, %swap3A_252, %swap3A_253] {strides = array<i32>} : memref<10x32x64xf32, #tpu.memory_space<vmem>>, vector<16xf32>,
      tpu.vector_store %arg8[%swap3A_251, %swap3A_252, %swap3A_253], %gather3A_249 {strides = array<i32>} : memref<10x32x64xf32, #tpu.memory_space<vmem>>, vector<16xf32>,
      %broadcast_in_dim3A_255 = arith.constant 9 : i32
      %broadcast_in_dim3A_256 = vector.broadcast %broadcast_in_dim3A_255 : i32 to vector<16xi32>
      %gather3A_257 = tpu.vector_load_idx %arg6[%add3A_182, %broadcast_in_dim3A_256] : memref<1600x16xf32, #tpu.memory_space<vmem>>[vector<16xi32>, vector<16xi32>], vector<16xf32>,
      %swap3A_258 = arith.constant 9 : i32
      %swap3A_259 = arith.index_cast %swap3A_258 : i32 to index
      %swap3A_260 = arith.index_cast %scan3A_99 : i32 to index
      %swap3A_261 = arith.constant 16 : index
      %swap3A_262 = tpu.vector_load %arg8[%swap3A_259, %swap3A_260, %swap3A_261] {strides = array<i32>} : memref<10x32x64xf32, #tpu.memory_space<vmem>>, vector<16xf32>,
      tpu.vector_store %arg8[%swap3A_259, %swap3A_260, %swap3A_261], %gather3A_257 {strides = array<i32>} : memref<10x32x64xf32, #tpu.memory_space<vmem>>, vector<16xf32>,
      %add3A_263 = vector.broadcast %mul3A_101 : i32 to vector<16xi32>
      %add3A_264 = arith.addi %add3A_263, %min3A_19 : vector<16xi32>
      %broadcast_in_dim3A_265 = arith.constant 0 : i32
      %broadcast_in_dim3A_266 = vector.broadcast %broadcast_in_dim3A_265 : i32 to vector<16xi32>
      %gather3A_267 = tpu.vector_load_idx %arg6[%add3A_264, %broadcast_in_dim3A_266] : memref<1600x16xf32, #tpu.memory_space<vmem>>[vector<16xi32>, vector<16xi32>], vector<16xf32>,
      %swap3A_268 = arith.constant 0 : i32
      %swap3A_269 = arith.index_cast %swap3A_268 : i32 to index
      %swap3A_270 = arith.index_cast %scan3A_99 : i32 to index
      %swap3A_271 = arith.constant 32 : index
      %swap3A_272 = tpu.vector_load %arg8[%swap3A_269, %swap3A_270, %swap3A_271] {strides = array<i32>} : memref<10x32x64xf32, #tpu.memory_space<vmem>>, vector<16xf32>,
      tpu.vector_store %arg8[%swap3A_269, %swap3A_270, %swap3A_271], %gather3A_267 {strides = array<i32>} : memref<10x32x64xf32, #tpu.memory_space<vmem>>, vector<16xf32>,
      %broadcast_in_dim3A_273 = arith.constant 1 : i32
      %broadcast_in_dim3A_274 = vector.broadcast %broadcast_in_dim3A_273 : i32 to vector<16xi32>
      %gather3A_275 = tpu.vector_load_idx %arg6[%add3A_264, %broadcast_in_dim3A_274] : memref<1600x16xf32, #tpu.memory_space<vmem>>[vector<16xi32>, vector<16xi32>], vector<16xf32>,
      %swap3A_276 = arith.constant 1 : i32
      %swap3A_277 = arith.index_cast %swap3A_276 : i32 to index
      %swap3A_278 = arith.index_cast %scan3A_99 : i32 to index
      %swap3A_279 = arith.constant 32 : index
      %swap3A_280 = tpu.vector_load %arg8[%swap3A_277, %swap3A_278, %swap3A_279] {strides = array<i32>} : memref<10x32x64xf32, #tpu.memory_space<vmem>>, vector<16xf32>,
      tpu.vector_store %arg8[%swap3A_277, %swap3A_278, %swap3A_279], %gather3A_275 {strides = array<i32>} : memref<10x32x64xf32, #tpu.memory_space<vmem>>, vector<16xf32>,
      %broadcast_in_dim3A_281 = arith.constant 2 : i32
      %broadcast_in_dim3A_282 = vector.broadcast %broadcast_in_dim3A_281 : i32 to vector<16xi32>
      %gather3A_283 = tpu.vector_load_idx %arg6[%add3A_264, %broadcast_in_dim3A_282] : memref<1600x16xf32, #tpu.memory_space<vmem>>[vector<16xi32>, vector<16xi32>], vector<16xf32>,
      %swap3A_284 = arith.constant 2 : i32
      %swap3A_285 = arith.index_cast %swap3A_284 : i32 to index
      %swap3A_286 = arith.index_cast %scan3A_99 : i32 to index
      %swap3A_287 = arith.constant 32 : index
      %swap3A_288 = tpu.vector_load %arg8[%swap3A_285, %swap3A_286, %swap3A_287] {strides = array<i32>} : memref<10x32x64xf32, #tpu.memory_space<vmem>>, vector<16xf32>,
      tpu.vector_store %arg8[%swap3A_285, %swap3A_286, %swap3A_287], %gather3A_283 {strides = array<i32>} : memref<10x32x64xf32, #tpu.memory_space<vmem>>, vector<16xf32>,
      %broadcast_in_dim3A_289 = arith.constant 3 : i32
      %broadcast_in_dim3A_290 = vector.broadcast %broadcast_in_dim3A_289 : i32 to vector<16xi32>
      %gather3A_291 = tpu.vector_load_idx %arg6[%add3A_264, %broadcast_in_dim3A_290] : memref<1600x16xf32, #tpu.memory_space<vmem>>[vector<16xi32>, vector<16xi32>], vector<16xf32>,
      %swap3A_292 = arith.constant 3 : i32
      %swap3A_293 = arith.index_cast %swap3A_292 : i32 to index
      %swap3A_294 = arith.index_cast %scan3A_99 : i32 to index
      %swap3A_295 = arith.constant 32 : index
      %swap3A_296 = tpu.vector_load %arg8[%swap3A_293, %swap3A_294, %swap3A_295] {strides = array<i32>} : memref<10x32x64xf32, #tpu.memory_space<vmem>>, vector<16xf32>,
      tpu.vector_store %arg8[%swap3A_293, %swap3A_294, %swap3A_295], %gather3A_291 {strides = array<i32>} : memref<10x32x64xf32, #tpu.memory_space<vmem>>, vector<16xf32>,
      %broadcast_in_dim3A_297 = arith.constant 4 : i32
      %broadcast_in_dim3A_298 = vector.broadcast %broadcast_in_dim3A_297 : i32 to vector<16xi32>
      %gather3A_299 = tpu.vector_load_idx %arg6[%add3A_264, %broadcast_in_dim3A_298] : memref<1600x16xf32, #tpu.memory_space<vmem>>[vector<16xi32>, vector<16xi32>], vector<16xf32>,
      %swap3A_300 = arith.constant 4 : i32
      %swap3A_301 = arith.index_cast %swap3A_300 : i32 to index
      %swap3A_302 = arith.index_cast %scan3A_99 : i32 to index
      %swap3A_303 = arith.constant 32 : index
      %swap3A_304 = tpu.vector_load %arg8[%swap3A_301, %swap3A_302, %swap3A_303] {strides = array<i32>} : memref<10x32x64xf32, #tpu.memory_space<vmem>>, vector<16xf32>,
      tpu.vector_store %arg8[%swap3A_301, %swap3A_302, %swap3A_303], %gather3A_299 {strides = array<i32>} : memref<10x32x64xf32, #tpu.memory_space<vmem>>, vector<16xf32>,
      %broadcast_in_dim3A_305 = arith.constant 5 : i32
      %broadcast_in_dim3A_306 = vector.broadcast %broadcast_in_dim3A_305 : i32 to vector<16xi32>
      %gather3A_307 = tpu.vector_load_idx %arg6[%add3A_264, %broadcast_in_dim3A_306] : memref<1600x16xf32, #tpu.memory_space<vmem>>[vector<16xi32>, vector<16xi32>], vector<16xf32>,
      %swap3A_308 = arith.constant 5 : i32
      %swap3A_309 = arith.index_cast %swap3A_308 : i32 to index
      %swap3A_310 = arith.index_cast %scan3A_99 : i32 to index
      %swap3A_311 = arith.constant 32 : index
      %swap3A_312 = tpu.vector_load %arg8[%swap3A_309, %swap3A_310, %swap3A_311] {strides = array<i32>} : memref<10x32x64xf32, #tpu.memory_space<vmem>>, vector<16xf32>,
      tpu.vector_store %arg8[%swap3A_309, %swap3A_310, %swap3A_311], %gather3A_307 {strides = array<i32>} : memref<10x32x64xf32, #tpu.memory_space<vmem>>, vector<16xf32>,
      %broadcast_in_dim3A_313 = arith.constant 6 : i32
      %broadcast_in_dim3A_314 = vector.broadcast %broadcast_in_dim3A_313 : i32 to vector<16xi32>
      %gather3A_315 = tpu.vector_load_idx %arg6[%add3A_264, %broadcast_in_dim3A_314] : memref<1600x16xf32, #tpu.memory_space<vmem>>[vector<16xi32>, vector<16xi32>], vector<16xf32>,
      %swap3A_316 = arith.constant 6 : i32
      %swap3A_317 = arith.index_cast %swap3A_316 : i32 to index
      %swap3A_318 = arith.index_cast %scan3A_99 : i32 to index
      %swap3A_319 = arith.constant 32 : index
      %swap3A_320 = tpu.vector_load %arg8[%swap3A_317, %swap3A_318, %swap3A_319] {strides = array<i32>} : memref<10x32x64xf32, #tpu.memory_space<vmem>>, vector<16xf32>,
      tpu.vector_store %arg8[%swap3A_317, %swap3A_318, %swap3A_319], %gather3A_315 {strides = array<i32>} : memref<10x32x64xf32, #tpu.memory_space<vmem>>, vector<16xf32>,
      %broadcast_in_dim3A_321 = arith.constant 7 : i32
      %broadcast_in_dim3A_322 = vector.broadcast %broadcast_in_dim3A_321 : i32 to vector<16xi32>
      %gather3A_323 = tpu.vector_load_idx %arg6[%add3A_264, %broadcast_in_dim3A_322] : memref<1600x16xf32, #tpu.memory_space<vmem>>[vector<16xi32>, vector<16xi32>], vector<16xf32>,
      %swap3A_324 = arith.constant 7 : i32
      %swap3A_325 = arith.index_cast %swap3A_324 : i32 to index
      %swap3A_326 = arith.index_cast %scan3A_99 : i32 to index
      %swap3A_327 = arith.constant 32 : index
      %swap3A_328 = tpu.vector_load %arg8[%swap3A_325, %swap3A_326, %swap3A_327] {strides = array<i32>} : memref<10x32x64xf32, #tpu.memory_space<vmem>>, vector<16xf32>,
      tpu.vector_store %arg8[%swap3A_325, %swap3A_326, %swap3A_327], %gather3A_323 {strides = array<i32>} : memref<10x32x64xf32, #tpu.memory_space<vmem>>, vector<16xf32>,
      %broadcast_in_dim3A_329 = arith.constant 8 : i32
      %broadcast_in_dim3A_330 = vector.broadcast %broadcast_in_dim3A_329 : i32 to vector<16xi32>
      %gather3A_331 = tpu.vector_load_idx %arg6[%add3A_264, %broadcast_in_dim3A_330] : memref<1600x16xf32, #tpu.memory_space<vmem>>[vector<16xi32>, vector<16xi32>], vector<16xf32>,
      %swap3A_332 = arith.constant 8 : i32
      %swap3A_333 = arith.index_cast %swap3A_332 : i32 to index
      %swap3A_334 = arith.index_cast %scan3A_99 : i32 to index
      %swap3A_335 = arith.constant 32 : index
      %swap3A_336 = tpu.vector_load %arg8[%swap3A_333, %swap3A_334, %swap3A_335] {strides = array<i32>} : memref<10x32x64xf32, #tpu.memory_space<vmem>>, vector<16xf32>,
      tpu.vector_store %arg8[%swap3A_333, %swap3A_334, %swap3A_335], %gather3A_331 {strides = array<i32>} : memref<10x32x64xf32, #tpu.memory_space<vmem>>, vector<16xf32>,
      %broadcast_in_dim3A_337 = arith.constant 9 : i32
      %broadcast_in_dim3A_338 = vector.broadcast %broadcast_in_dim3A_337 : i32 to vector<16xi32>
      %gather3A_339 = tpu.vector_load_idx %arg6[%add3A_264, %broadcast_in_dim3A_338] : memref<1600x16xf32, #tpu.memory_space<vmem>>[vector<16xi32>, vector<16xi32>], vector<16xf32>,
      %swap3A_340 = arith.constant 9 : i32
      %swap3A_341 = arith.index_cast %swap3A_340 : i32 to index
      %swap3A_342 = arith.index_cast %scan3A_99 : i32 to index
      %swap3A_343 = arith.constant 32 : index
      %swap3A_344 = tpu.vector_load %arg8[%swap3A_341, %swap3A_342, %swap3A_343] {strides = array<i32>} : memref<10x32x64xf32, #tpu.memory_space<vmem>>, vector<16xf32>,
      tpu.vector_store %arg8[%swap3A_341, %swap3A_342, %swap3A_343], %gather3A_339 {strides = array<i32>} : memref<10x32x64xf32, #tpu.memory_space<vmem>>, vector<16xf32>,
      %add3A_345 = vector.broadcast %mul3A_101 : i32 to vector<16xi32>
      %add3A_346 = arith.addi %add3A_345, %min3A_25 : vector<16xi32>
      %broadcast_in_dim3A_347 = arith.constant 0 : i32
      %broadcast_in_dim3A_348 = vector.broadcast %broadcast_in_dim3A_347 : i32 to vector<16xi32>
      %gather3A_349 = tpu.vector_load_idx %arg6[%add3A_346, %broadcast_in_dim3A_348] : memref<1600x16xf32, #tpu.memory_space<vmem>>[vector<16xi32>, vector<16xi32>], vector<16xf32>,
      %swap3A_350 = arith.constant 0 : i32
      %swap3A_351 = arith.index_cast %swap3A_350 : i32 to index
      %swap3A_352 = arith.index_cast %scan3A_99 : i32 to index
      %swap3A_353 = arith.constant 48 : index
      %swap3A_354 = tpu.vector_load %arg8[%swap3A_351, %swap3A_352, %swap3A_353] {strides = array<i32>} : memref<10x32x64xf32, #tpu.memory_space<vmem>>, vector<16xf32>,
      tpu.vector_store %arg8[%swap3A_351, %swap3A_352, %swap3A_353], %gather3A_349 {strides = array<i32>} : memref<10x32x64xf32, #tpu.memory_space<vmem>>, vector<16xf32>,
      %broadcast_in_dim3A_355 = arith.constant 1 : i32
      %broadcast_in_dim3A_356 = vector.broadcast %broadcast_in_dim3A_355 : i32 to vector<16xi32>
      %gather3A_357 = tpu.vector_load_idx %arg6[%add3A_346, %broadcast_in_dim3A_356] : memref<1600x16xf32, #tpu.memory_space<vmem>>[vector<16xi32>, vector<16xi32>], vector<16xf32>,
      %swap3A_358 = arith.constant 1 : i32
      %swap3A_359 = arith.index_cast %swap3A_358 : i32 to index
      %swap3A_360 = arith.index_cast %scan3A_99 : i32 to index
      %swap3A_361 = arith.constant 48 : index
      %swap3A_362 = tpu.vector_load %arg8[%swap3A_359, %swap3A_360, %swap3A_361] {strides = array<i32>} : memref<10x32x64xf32, #tpu.memory_space<vmem>>, vector<16xf32>,
      tpu.vector_store %arg8[%swap3A_359, %swap3A_360, %swap3A_361], %gather3A_357 {strides = array<i32>} : memref<10x32x64xf32, #tpu.memory_space<vmem>>, vector<16xf32>,
      %broadcast_in_dim3A_363 = arith.constant 2 : i32
      %broadcast_in_dim3A_364 = vector.broadcast %broadcast_in_dim3A_363 : i32 to vector<16xi32>
      %gather3A_365 = tpu.vector_load_idx %arg6[%add3A_346, %broadcast_in_dim3A_364] : memref<1600x16xf32, #tpu.memory_space<vmem>>[vector<16xi32>, vector<16xi32>], vector<16xf32>,
      %swap3A_366 = arith.constant 2 : i32
      %swap3A_367 = arith.index_cast %swap3A_366 : i32 to index
      %swap3A_368 = arith.index_cast %scan3A_99 : i32 to index
      %swap3A_369 = arith.constant 48 : index
      %swap3A_370 = tpu.vector_load %arg8[%swap3A_367, %swap3A_368, %swap3A_369] {strides = array<i32>} : memref<10x32x64xf32, #tpu.memory_space<vmem>>, vector<16xf32>,
      tpu.vector_store %arg8[%swap3A_367, %swap3A_368, %swap3A_369], %gather3A_365 {strides = array<i32>} : memref<10x32x64xf32, #tpu.memory_space<vmem>>, vector<16xf32>,
      %broadcast_in_dim3A_371 = arith.constant 3 : i32
      %broadcast_in_dim3A_372 = vector.broadcast %broadcast_in_dim3A_371 : i32 to vector<16xi32>
      %gather3A_373 = tpu.vector_load_idx %arg6[%add3A_346, %broadcast_in_dim3A_372] : memref<1600x16xf32, #tpu.memory_space<vmem>>[vector<16xi32>, vector<16xi32>], vector<16xf32>,
      %swap3A_374 = arith.constant 3 : i32
      %swap3A_375 = arith.index_cast %swap3A_374 : i32 to index
      %swap3A_376 = arith.index_cast %scan3A_99 : i32 to index
      %swap3A_377 = arith.constant 48 : index
      %swap3A_378 = tpu.vector_load %arg8[%swap3A_375, %swap3A_376, %swap3A_377] {strides = array<i32>} : memref<10x32x64xf32, #tpu.memory_space<vmem>>, vector<16xf32>,
      tpu.vector_store %arg8[%swap3A_375, %swap3A_376, %swap3A_377], %gather3A_373 {strides = array<i32>} : memref<10x32x64xf32, #tpu.memory_space<vmem>>, vector<16xf32>,
      %broadcast_in_dim3A_379 = arith.constant 4 : i32
      %broadcast_in_dim3A_380 = vector.broadcast %broadcast_in_dim3A_379 : i32 to vector<16xi32>
      %gather3A_381 = tpu.vector_load_idx %arg6[%add3A_346, %broadcast_in_dim3A_380] : memref<1600x16xf32, #tpu.memory_space<vmem>>[vector<16xi32>, vector<16xi32>], vector<16xf32>,
      %swap3A_382 = arith.constant 4 : i32
      %swap3A_383 = arith.index_cast %swap3A_382 : i32 to index
      %swap3A_384 = arith.index_cast %scan3A_99 : i32 to index
      %swap3A_385 = arith.constant 48 : index
      %swap3A_386 = tpu.vector_load %arg8[%swap3A_383, %swap3A_384, %swap3A_385] {strides = array<i32>} : memref<10x32x64xf32, #tpu.memory_space<vmem>>, vector<16xf32>,
      tpu.vector_store %arg8[%swap3A_383, %swap3A_384, %swap3A_385], %gather3A_381 {strides = array<i32>} : memref<10x32x64xf32, #tpu.memory_space<vmem>>, vector<16xf32>,
      %broadcast_in_dim3A_387 = arith.constant 5 : i32
      %broadcast_in_dim3A_388 = vector.broadcast %broadcast_in_dim3A_387 : i32 to vector<16xi32>
      %gather3A_389 = tpu.vector_load_idx %arg6[%add3A_346, %broadcast_in_dim3A_388] : memref<1600x16xf32, #tpu.memory_space<vmem>>[vector<16xi32>, vector<16xi32>], vector<16xf32>,
      %swap3A_390 = arith.constant 5 : i32
      %swap3A_391 = arith.index_cast %swap3A_390 : i32 to index
      %swap3A_392 = arith.index_cast %scan3A_99 : i32 to index
      %swap3A_393 = arith.constant 48 : index
      %swap3A_394 = tpu.vector_load %arg8[%swap3A_391, %swap3A_392, %swap3A_393] {strides = array<i32>} : memref<10x32x64xf32, #tpu.memory_space<vmem>>, vector<16xf32>,
      tpu.vector_store %arg8[%swap3A_391, %swap3A_392, %swap3A_393], %gather3A_389 {strides = array<i32>} : memref<10x32x64xf32, #tpu.memory_space<vmem>>, vector<16xf32>,
      %broadcast_in_dim3A_395 = arith.constant 6 : i32
      %broadcast_in_dim3A_396 = vector.broadcast %broadcast_in_dim3A_395 : i32 to vector<16xi32>
      %gather3A_397 = tpu.vector_load_idx %arg6[%add3A_346, %broadcast_in_dim3A_396] : memref<1600x16xf32, #tpu.memory_space<vmem>>[vector<16xi32>, vector<16xi32>], vector<16xf32>,
      %swap3A_398 = arith.constant 6 : i32
      %swap3A_399 = arith.index_cast %swap3A_398 : i32 to index
      %swap3A_400 = arith.index_cast %scan3A_99 : i32 to index
      %swap3A_401 = arith.constant 48 : index
      %swap3A_402 = tpu.vector_load %arg8[%swap3A_399, %swap3A_400, %swap3A_401] {strides = array<i32>} : memref<10x32x64xf32, #tpu.memory_space<vmem>>, vector<16xf32>,
      tpu.vector_store %arg8[%swap3A_399, %swap3A_400, %swap3A_401], %gather3A_397 {strides = array<i32>} : memref<10x32x64xf32, #tpu.memory_space<vmem>>, vector<16xf32>,
      %broadcast_in_dim3A_403 = arith.constant 7 : i32
      %broadcast_in_dim3A_404 = vector.broadcast %broadcast_in_dim3A_403 : i32 to vector<16xi32>
      %gather3A_405 = tpu.vector_load_idx %arg6[%add3A_346, %broadcast_in_dim3A_404] : memref<1600x16xf32, #tpu.memory_space<vmem>>[vector<16xi32>, vector<16xi32>], vector<16xf32>,
      %swap3A_406 = arith.constant 7 : i32
      %swap3A_407 = arith.index_cast %swap3A_406 : i32 to index
      %swap3A_408 = arith.index_cast %scan3A_99 : i32 to index
      %swap3A_409 = arith.constant 48 : index
      %swap3A_410 = tpu.vector_load %arg8[%swap3A_407, %swap3A_408, %swap3A_409] {strides = array<i32>} : memref<10x32x64xf32, #tpu.memory_space<vmem>>, vector<16xf32>,
      tpu.vector_store %arg8[%swap3A_407, %swap3A_408, %swap3A_409], %gather3A_405 {strides = array<i32>} : memref<10x32x64xf32, #tpu.memory_space<vmem>>, vector<16xf32>,
      %broadcast_in_dim3A_411 = arith.constant 8 : i32
      %broadcast_in_dim3A_412 = vector.broadcast %broadcast_in_dim3A_411 : i32 to vector<16xi32>
      %gather3A_413 = tpu.vector_load_idx %arg6[%add3A_346, %broadcast_in_dim3A_412] : memref<1600x16xf32, #tpu.memory_space<vmem>>[vector<16xi32>, vector<16xi32>], vector<16xf32>,
      %swap3A_414 = arith.constant 8 : i32
      %swap3A_415 = arith.index_cast %swap3A_414 : i32 to index
      %swap3A_416 = arith.index_cast %scan3A_99 : i32 to index
      %swap3A_417 = arith.constant 48 : index
      %swap3A_418 = tpu.vector_load %arg8[%swap3A_415, %swap3A_416, %swap3A_417] {strides = array<i32>} : memref<10x32x64xf32, #tpu.memory_space<vmem>>, vector<16xf32>,
      tpu.vector_store %arg8[%swap3A_415, %swap3A_416, %swap3A_417], %gather3A_413 {strides = array<i32>} : memref<10x32x64xf32, #tpu.memory_space<vmem>>, vector<16xf32>,
      %broadcast_in_dim3A_419 = arith.constant 9 : i32
      %broadcast_in_dim3A_420 = vector.broadcast %broadcast_in_dim3A_419 : i32 to vector<16xi32>
      %gather3A_421 = tpu.vector_load_idx %arg6[%add3A_346, %broadcast_in_dim3A_420] : memref<1600x16xf32, #tpu.memory_space<vmem>>[vector<16xi32>, vector<16xi32>], vector<16xf32>,
      %swap3A_422 = arith.constant 9 : i32
      %swap3A_423 = arith.index_cast %swap3A_422 : i32 to index
      %swap3A_424 = arith.index_cast %scan3A_99 : i32 to index
      %swap3A_425 = arith.constant 48 : index
      %swap3A_426 = tpu.vector_load %arg8[%swap3A_423, %swap3A_424, %swap3A_425] {strides = array<i32>} : memref<10x32x64xf32, #tpu.memory_space<vmem>>, vector<16xf32>,
      tpu.vector_store %arg8[%swap3A_423, %swap3A_424, %swap3A_425], %gather3A_421 {strides = array<i32>} : memref<10x32x64xf32, #tpu.memory_space<vmem>>, vector<16xf32>,
    }
    %scan3A_44 = arith.constant 32 : i32
    %dma_start3A_45 = arith.constant 3200 : i32
    %dma_start3A_46 = tpu.memref_slice %arg5[%dma_start3A_45] : memref<6400xi32, #tpu.memory_space<vmem>> -> memref<1600xi32, #tpu.memory_space<vmem>>
    %dma_start3A_47 = arith.constant 0 : i32
    %dma_start3A_48 = arith.constant 0 : i32
    %dma_start3A_49 = tpu.memref_slice %arg3[%dma_start3A_47, %dma_start3A_48] : memref<100000x16xf32, #tpu.memory_space<hbm>> -> memref<100000x16xf32, #tpu.memory_space<hbm>>
    tpu.enqueue_indirect_dma source(%dma_start3A_49 : memref<100000x16xf32, #tpu.memory_space<hbm>>) target(%arg6 : memref<1600x16xf32, #tpu.memory_space<vmem>>) offsets(%dma_start3A_46 : memref<1600xi32, #tpu.memory_space<vmem>>) semaphore(%arg9 : memref<!tpu.dma_semaphore, #tpu.memory_space<semaphore_mem>>)
    %add3A_50 = arith.constant 0 : i32
    %add3A_51 = arith.addi %mul3A_2, %add3A_50 : i32
    "tpu.region"() ({
      %run_scoped3A = tpu.sem_alloc : memref<!tpu.dma_semaphore, #tpu.memory_space<semaphore_mem>>
      %dma_start3A_99 = arith.constant 0 : i32
      %dma_start3A_100 = arith.constant 0 : i32
      %dma_start3A_101 = tpu.memref_slice %arg4[%dma_start3A_99, %add3A_51, %dma_start3A_100] : memref<10x4096x64xf32, #tpu.memory_space<hbm>> -> memref<10x32x64xf32, #tpu.memory_space<hbm>>
      %dma_start3A_102 = arith.constant 0 : i32
      %dma_start3A_103 = arith.constant 0 : i32
      %dma_start3A_104 = tpu.memref_slice %arg4[%dma_start3A_102, %add3A_51, %dma_start3A_103] : memref<10x4096x64xf32, #tpu.memory_space<hbm>> -> memref<10x32x64xf32, #tpu.memory_space<hbm>>
      tpu.enqueue_dma source(%arg8 : memref<10x32x64xf32, #tpu.memory_space<vmem>>) target(%dma_start3A_104 : memref<10x32x64xf32, #tpu.memory_space<hbm>>) target_semaphore(%run_scoped3A : memref<!tpu.dma_semaphore, #tpu.memory_space<semaphore_mem>>)
      %dma_wait3A_105 = arith.constant 0 : i32
      %dma_wait3A_106 = arith.constant 0 : i32
      %dma_wait3A_107 = tpu.memref_slice %arg4[%dma_wait3A_105, %add3A_51, %dma_wait3A_106] : memref<10x4096x64xf32, #tpu.memory_space<hbm>> -> memref<10x32x64xf32, #tpu.memory_space<hbm>>
      %dma_wait3A_108 = arith.constant 0 : i32
      %dma_wait3A_109 = arith.constant 0 : i32
      %dma_wait3A_110 = tpu.memref_slice %arg4[%dma_wait3A_108, %add3A_51, %dma_wait3A_109] : memref<10x4096x64xf32, #tpu.memory_space<hbm>> -> memref<10x32x64xf32, #tpu.memory_space<hbm>>
      tpu.wait_dma2 semaphore(%run_scoped3A : memref<!tpu.dma_semaphore, #tpu.memory_space<semaphore_mem>>) src(%arg8 : memref<10x32x64xf32, #tpu.memory_space<vmem>>) dst(%dma_wait3A_110 : memref<10x32x64xf32, #tpu.memory_space<hbm>>)
      tpu.yield
    }) : () -> ()
    %dma_wait3A_52 = arith.constant 0 : i32
    %dma_wait3A_53 = arith.constant 0 : i32
    %dma_wait3A_54 = tpu.memref_slice %arg3[%dma_wait3A_52, %dma_wait3A_53] : memref<100000x16xf32, #tpu.memory_space<hbm>> -> memref<1600x16xf32, #tpu.memory_space<hbm>>
    %dma_wait3A_55 = arith.constant 0 : i32
    %dma_wait3A_56 = arith.constant 0 : i32
    %dma_wait3A_57 = tpu.memref_slice %arg3[%dma_wait3A_55, %dma_wait3A_56] : memref<100000x16xf32, #tpu.memory_space<hbm>> -> memref<1600x16xf32, #tpu.memory_space<hbm>>
    tpu.wait_dma2 semaphore(%arg10 : memref<!tpu.dma_semaphore, #tpu.memory_space<semaphore_mem>>) src(%dma_wait3A_57 : memref<1600x16xf32, #tpu.memory_space<hbm>>) dst(%arg7 : memref<1600x16xf32, #tpu.memory_space<vmem>>)
    %scan3A_58 = arith.constant 0 : i32
    %scan3A_59 = arith.constant 0 : i32
    %scan3A_60 = arith.constant 32 : i32
    %scan3A_61 = arith.addi %scan3A_59, %scan3A_60 : i32
    %scan3A_62 = arith.constant 1 : i32
    scf.for %scan3A_99 = %scan3A_59 to %scan3A_61 step %scan3A_62  : i32 {
      %mul3A_100 = arith.constant 50 : i32
      %mul3A_101 = arith.muli %scan3A_99, %mul3A_100 : i32
      %add3A_102 = vector.broadcast %mul3A_101 : i32 to vector<16xi32>
      %add3A_103 = arith.addi %add3A_102, %min3A_7 : vector<16xi32>
      %broadcast_in_dim3A = arith.constant 0 : i32
      %broadcast_in_dim3A_104 = vector.broadcast %broadcast_in_dim3A : i32 to vector<16xi32>
      %gather3A = tpu.vector_load_idx %arg7[%add3A_103, %broadcast_in_dim3A_104] : memref<1600x16xf32, #tpu.memory_space<vmem>>[vector<16xi32>, vector<16xi32>], vector<16xf32>,
      %swap3A = arith.constant 0 : i32
      %swap3A_105 = arith.index_cast %swap3A : i32 to index
      %swap3A_106 = arith.index_cast %scan3A_99 : i32 to index
      %swap3A_107 = arith.constant 0 : index
      %swap3A_108 = tpu.vector_load %arg8[%swap3A_105, %swap3A_106, %swap3A_107] {strides = array<i32>} : memref<10x32x64xf32, #tpu.memory_space<vmem>>, vector<16xf32>,
      tpu.vector_store %arg8[%swap3A_105, %swap3A_106, %swap3A_107], %gather3A {strides = array<i32>} : memref<10x32x64xf32, #tpu.memory_space<vmem>>, vector<16xf32>,
      %broadcast_in_dim3A_109 = arith.constant 1 : i32
      %broadcast_in_dim3A_110 = vector.broadcast %broadcast_in_dim3A_109 : i32 to vector<16xi32>
      %gather3A_111 = tpu.vector_load_idx %arg7[%add3A_103, %broadcast_in_dim3A_110] : memref<1600x16xf32, #tpu.memory_space<vmem>>[vector<16xi32>, vector<16xi32>], vector<16xf32>,
      %swap3A_112 = arith.constant 1 : i32
      %swap3A_113 = arith.index_cast %swap3A_112 : i32 to index
      %swap3A_114 = arith.index_cast %scan3A_99 : i32 to index
      %swap3A_115 = arith.constant 0 : index
      %swap3A_116 = tpu.vector_load %arg8[%swap3A_113, %swap3A_114, %swap3A_115] {strides = array<i32>} : memref<10x32x64xf32, #tpu.memory_space<vmem>>, vector<16xf32>,
      tpu.vector_store %arg8[%swap3A_113, %swap3A_114, %swap3A_115], %gather3A_111 {strides = array<i32>} : memref<10x32x64xf32, #tpu.memory_space<vmem>>, vector<16xf32>,
      %broadcast_in_dim3A_117 = arith.constant 2 : i32
      %broadcast_in_dim3A_118 = vector.broadcast %broadcast_in_dim3A_117 : i32 to vector<16xi32>
      %gather3A_119 = tpu.vector_load_idx %arg7[%add3A_103, %broadcast_in_dim3A_118] : memref<1600x16xf32, #tpu.memory_space<vmem>>[vector<16xi32>, vector<16xi32>], vector<16xf32>,
      %swap3A_120 = arith.constant 2 : i32
      %swap3A_121 = arith.index_cast %swap3A_120 : i32 to index
      %swap3A_122 = arith.index_cast %scan3A_99 : i32 to index
      %swap3A_123 = arith.constant 0 : index
      %swap3A_124 = tpu.vector_load %arg8[%swap3A_121, %swap3A_122, %swap3A_123] {strides = array<i32>} : memref<10x32x64xf32, #tpu.memory_space<vmem>>, vector<16xf32>,
      tpu.vector_store %arg8[%swap3A_121, %swap3A_122, %swap3A_123], %gather3A_119 {strides = array<i32>} : memref<10x32x64xf32, #tpu.memory_space<vmem>>, vector<16xf32>,
      %broadcast_in_dim3A_125 = arith.constant 3 : i32
      %broadcast_in_dim3A_126 = vector.broadcast %broadcast_in_dim3A_125 : i32 to vector<16xi32>
      %gather3A_127 = tpu.vector_load_idx %arg7[%add3A_103, %broadcast_in_dim3A_126] : memref<1600x16xf32, #tpu.memory_space<vmem>>[vector<16xi32>, vector<16xi32>], vector<16xf32>,
      %swap3A_128 = arith.constant 3 : i32
      %swap3A_129 = arith.index_cast %swap3A_128 : i32 to index
      %swap3A_130 = arith.index_cast %scan3A_99 : i32 to index
      %swap3A_131 = arith.constant 0 : index
      %swap3A_132 = tpu.vector_load %arg8[%swap3A_129, %swap3A_130, %swap3A_131] {strides = array<i32>} : memref<10x32x64xf32, #tpu.memory_space<vmem>>, vector<16xf32>,
      tpu.vector_store %arg8[%swap3A_129, %swap3A_130, %swap3A_131], %gather3A_127 {strides = array<i32>} : memref<10x32x64xf32, #tpu.memory_space<vmem>>, vector<16xf32>,
      %broadcast_in_dim3A_133 = arith.constant 4 : i32
      %broadcast_in_dim3A_134 = vector.broadcast %broadcast_in_dim3A_133 : i32 to vector<16xi32>
      %gather3A_135 = tpu.vector_load_idx %arg7[%add3A_103, %broadcast_in_dim3A_134] : memref<1600x16xf32, #tpu.memory_space<vmem>>[vector<16xi32>, vector<16xi32>], vector<16xf32>,
      %swap3A_136 = arith.constant 4 : i32
      %swap3A_137 = arith.index_cast %swap3A_136 : i32 to index
      %swap3A_138 = arith.index_cast %scan3A_99 : i32 to index
      %swap3A_139 = arith.constant 0 : index
      %swap3A_140 = tpu.vector_load %arg8[%swap3A_137, %swap3A_138, %swap3A_139] {strides = array<i32>} : memref<10x32x64xf32, #tpu.memory_space<vmem>>, vector<16xf32>,
      tpu.vector_store %arg8[%swap3A_137, %swap3A_138, %swap3A_139], %gather3A_135 {strides = array<i32>} : memref<10x32x64xf32, #tpu.memory_space<vmem>>, vector<16xf32>,
      %broadcast_in_dim3A_141 = arith.constant 5 : i32
      %broadcast_in_dim3A_142 = vector.broadcast %broadcast_in_dim3A_141 : i32 to vector<16xi32>
      %gather3A_143 = tpu.vector_load_idx %arg7[%add3A_103, %broadcast_in_dim3A_142] : memref<1600x16xf32, #tpu.memory_space<vmem>>[vector<16xi32>, vector<16xi32>], vector<16xf32>,
      %swap3A_144 = arith.constant 5 : i32
      %swap3A_145 = arith.index_cast %swap3A_144 : i32 to index
      %swap3A_146 = arith.index_cast %scan3A_99 : i32 to index
      %swap3A_147 = arith.constant 0 : index
      %swap3A_148 = tpu.vector_load %arg8[%swap3A_145, %swap3A_146, %swap3A_147] {strides = array<i32>} : memref<10x32x64xf32, #tpu.memory_space<vmem>>, vector<16xf32>,
      tpu.vector_store %arg8[%swap3A_145, %swap3A_146, %swap3A_147], %gather3A_143 {strides = array<i32>} : memref<10x32x64xf32, #tpu.memory_space<vmem>>, vector<16xf32>,
      %broadcast_in_dim3A_149 = arith.constant 6 : i32
      %broadcast_in_dim3A_150 = vector.broadcast %broadcast_in_dim3A_149 : i32 to vector<16xi32>
      %gather3A_151 = tpu.vector_load_idx %arg7[%add3A_103, %broadcast_in_dim3A_150] : memref<1600x16xf32, #tpu.memory_space<vmem>>[vector<16xi32>, vector<16xi32>], vector<16xf32>,
      %swap3A_152 = arith.constant 6 : i32
      %swap3A_153 = arith.index_cast %swap3A_152 : i32 to index
      %swap3A_154 = arith.index_cast %scan3A_99 : i32 to index
      %swap3A_155 = arith.constant 0 : index
      %swap3A_156 = tpu.vector_load %arg8[%swap3A_153, %swap3A_154, %swap3A_155] {strides = array<i32>} : memref<10x32x64xf32, #tpu.memory_space<vmem>>, vector<16xf32>,
      tpu.vector_store %arg8[%swap3A_153, %swap3A_154, %swap3A_155], %gather3A_151 {strides = array<i32>} : memref<10x32x64xf32, #tpu.memory_space<vmem>>, vector<16xf32>,
      %broadcast_in_dim3A_157 = arith.constant 7 : i32
      %broadcast_in_dim3A_158 = vector.broadcast %broadcast_in_dim3A_157 : i32 to vector<16xi32>
      %gather3A_159 = tpu.vector_load_idx %arg7[%add3A_103, %broadcast_in_dim3A_158] : memref<1600x16xf32, #tpu.memory_space<vmem>>[vector<16xi32>, vector<16xi32>], vector<16xf32>,
      %swap3A_160 = arith.constant 7 : i32
      %swap3A_161 = arith.index_cast %swap3A_160 : i32 to index
      %swap3A_162 = arith.index_cast %scan3A_99 : i32 to index
      %swap3A_163 = arith.constant 0 : index
      %swap3A_164 = tpu.vector_load %arg8[%swap3A_161, %swap3A_162, %swap3A_163] {strides = array<i32>} : memref<10x32x64xf32, #tpu.memory_space<vmem>>, vector<16xf32>,
      tpu.vector_store %arg8[%swap3A_161, %swap3A_162, %swap3A_163], %gather3A_159 {strides = array<i32>} : memref<10x32x64xf32, #tpu.memory_space<vmem>>, vector<16xf32>,
      %broadcast_in_dim3A_165 = arith.constant 8 : i32
      %broadcast_in_dim3A_166 = vector.broadcast %broadcast_in_dim3A_165 : i32 to vector<16xi32>
      %gather3A_167 = tpu.vector_load_idx %arg7[%add3A_103, %broadcast_in_dim3A_166] : memref<1600x16xf32, #tpu.memory_space<vmem>>[vector<16xi32>, vector<16xi32>], vector<16xf32>,
      %swap3A_168 = arith.constant 8 : i32
      %swap3A_169 = arith.index_cast %swap3A_168 : i32 to index
      %swap3A_170 = arith.index_cast %scan3A_99 : i32 to index
      %swap3A_171 = arith.constant 0 : index
      %swap3A_172 = tpu.vector_load %arg8[%swap3A_169, %swap3A_170, %swap3A_171] {strides = array<i32>} : memref<10x32x64xf32, #tpu.memory_space<vmem>>, vector<16xf32>,
      tpu.vector_store %arg8[%swap3A_169, %swap3A_170, %swap3A_171], %gather3A_167 {strides = array<i32>} : memref<10x32x64xf32, #tpu.memory_space<vmem>>, vector<16xf32>,
      %broadcast_in_dim3A_173 = arith.constant 9 : i32
      %broadcast_in_dim3A_174 = vector.broadcast %broadcast_in_dim3A_173 : i32 to vector<16xi32>
      %gather3A_175 = tpu.vector_load_idx %arg7[%add3A_103, %broadcast_in_dim3A_174] : memref<1600x16xf32, #tpu.memory_space<vmem>>[vector<16xi32>, vector<16xi32>], vector<16xf32>,
      %swap3A_176 = arith.constant 9 : i32
      %swap3A_177 = arith.index_cast %swap3A_176 : i32 to index
      %swap3A_178 = arith.index_cast %scan3A_99 : i32 to index
      %swap3A_179 = arith.constant 0 : index
      %swap3A_180 = tpu.vector_load %arg8[%swap3A_177, %swap3A_178, %swap3A_179] {strides = array<i32>} : memref<10x32x64xf32, #tpu.memory_space<vmem>>, vector<16xf32>,
      tpu.vector_store %arg8[%swap3A_177, %swap3A_178, %swap3A_179], %gather3A_175 {strides = array<i32>} : memref<10x32x64xf32, #tpu.memory_space<vmem>>, vector<16xf32>,
      %add3A_181 = vector.broadcast %mul3A_101 : i32 to vector<16xi32>
      %add3A_182 = arith.addi %add3A_181, %min3A_13 : vector<16xi32>
      %broadcast_in_dim3A_183 = arith.constant 0 : i32
      %broadcast_in_dim3A_184 = vector.broadcast %broadcast_in_dim3A_183 : i32 to vector<16xi32>
      %gather3A_185 = tpu.vector_load_idx %arg7[%add3A_182, %broadcast_in_dim3A_184] : memref<1600x16xf32, #tpu.memory_space<vmem>>[vector<16xi32>, vector<16xi32>], vector<16xf32>,
      %swap3A_186 = arith.constant 0 : i32
      %swap3A_187 = arith.index_cast %swap3A_186 : i32 to index
      %swap3A_188 = arith.index_cast %scan3A_99 : i32 to index
      %swap3A_189 = arith.constant 16 : index
      %swap3A_190 = tpu.vector_load %arg8[%swap3A_187, %swap3A_188, %swap3A_189] {strides = array<i32>} : memref<10x32x64xf32, #tpu.memory_space<vmem>>, vector<16xf32>,
      tpu.vector_store %arg8[%swap3A_187, %swap3A_188, %swap3A_189], %gather3A_185 {strides = array<i32>} : memref<10x32x64xf32, #tpu.memory_space<vmem>>, vector<16xf32>,
      %broadcast_in_dim3A_191 = arith.constant 1 : i32
      %broadcast_in_dim3A_192 = vector.broadcast %broadcast_in_dim3A_191 : i32 to vector<16xi32>
      %gather3A_193 = tpu.vector_load_idx %arg7[%add3A_182, %broadcast_in_dim3A_192] : memref<1600x16xf32, #tpu.memory_space<vmem>>[vector<16xi32>, vector<16xi32>], vector<16xf32>,
      %swap3A_194 = arith.constant 1 : i32
      %swap3A_195 = arith.index_cast %swap3A_194 : i32 to index
      %swap3A_196 = arith.index_cast %scan3A_99 : i32 to index
      %swap3A_197 = arith.constant 16 : index
      %swap3A_198 = tpu.vector_load %arg8[%swap3A_195, %swap3A_196, %swap3A_197] {strides = array<i32>} : memref<10x32x64xf32, #tpu.memory_space<vmem>>, vector<16xf32>,
      tpu.vector_store %arg8[%swap3A_195, %swap3A_196, %swap3A_197], %gather3A_193 {strides = array<i32>} : memref<10x32x64xf32, #tpu.memory_space<vmem>>, vector<16xf32>,
      %broadcast_in_dim3A_199 = arith.constant 2 : i32
      %broadcast_in_dim3A_200 = vector.broadcast %broadcast_in_dim3A_199 : i32 to vector<16xi32>
      %gather3A_201 = tpu.vector_load_idx %arg7[%add3A_182, %broadcast_in_dim3A_200] : memref<1600x16xf32, #tpu.memory_space<vmem>>[vector<16xi32>, vector<16xi32>], vector<16xf32>,
      %swap3A_202 = arith.constant 2 : i32
      %swap3A_203 = arith.index_cast %swap3A_202 : i32 to index
      %swap3A_204 = arith.index_cast %scan3A_99 : i32 to index
      %swap3A_205 = arith.constant 16 : index
      %swap3A_206 = tpu.vector_load %arg8[%swap3A_203, %swap3A_204, %swap3A_205] {strides = array<i32>} : memref<10x32x64xf32, #tpu.memory_space<vmem>>, vector<16xf32>,
      tpu.vector_store %arg8[%swap3A_203, %swap3A_204, %swap3A_205], %gather3A_201 {strides = array<i32>} : memref<10x32x64xf32, #tpu.memory_space<vmem>>, vector<16xf32>,
      %broadcast_in_dim3A_207 = arith.constant 3 : i32
      %broadcast_in_dim3A_208 = vector.broadcast %broadcast_in_dim3A_207 : i32 to vector<16xi32>
      %gather3A_209 = tpu.vector_load_idx %arg7[%add3A_182, %broadcast_in_dim3A_208] : memref<1600x16xf32, #tpu.memory_space<vmem>>[vector<16xi32>, vector<16xi32>], vector<16xf32>,
      %swap3A_210 = arith.constant 3 : i32
      %swap3A_211 = arith.index_cast %swap3A_210 : i32 to index
      %swap3A_212 = arith.index_cast %scan3A_99 : i32 to index
      %swap3A_213 = arith.constant 16 : index
      %swap3A_214 = tpu.vector_load %arg8[%swap3A_211, %swap3A_212, %swap3A_213] {strides = array<i32>} : memref<10x32x64xf32, #tpu.memory_space<vmem>>, vector<16xf32>,
      tpu.vector_store %arg8[%swap3A_211, %swap3A_212, %swap3A_213], %gather3A_209 {strides = array<i32>} : memref<10x32x64xf32, #tpu.memory_space<vmem>>, vector<16xf32>,
      %broadcast_in_dim3A_215 = arith.constant 4 : i32
      %broadcast_in_dim3A_216 = vector.broadcast %broadcast_in_dim3A_215 : i32 to vector<16xi32>
      %gather3A_217 = tpu.vector_load_idx %arg7[%add3A_182, %broadcast_in_dim3A_216] : memref<1600x16xf32, #tpu.memory_space<vmem>>[vector<16xi32>, vector<16xi32>], vector<16xf32>,
      %swap3A_218 = arith.constant 4 : i32
      %swap3A_219 = arith.index_cast %swap3A_218 : i32 to index
      %swap3A_220 = arith.index_cast %scan3A_99 : i32 to index
      %swap3A_221 = arith.constant 16 : index
      %swap3A_222 = tpu.vector_load %arg8[%swap3A_219, %swap3A_220, %swap3A_221] {strides = array<i32>} : memref<10x32x64xf32, #tpu.memory_space<vmem>>, vector<16xf32>,
      tpu.vector_store %arg8[%swap3A_219, %swap3A_220, %swap3A_221], %gather3A_217 {strides = array<i32>} : memref<10x32x64xf32, #tpu.memory_space<vmem>>, vector<16xf32>,
      %broadcast_in_dim3A_223 = arith.constant 5 : i32
      %broadcast_in_dim3A_224 = vector.broadcast %broadcast_in_dim3A_223 : i32 to vector<16xi32>
      %gather3A_225 = tpu.vector_load_idx %arg7[%add3A_182, %broadcast_in_dim3A_224] : memref<1600x16xf32, #tpu.memory_space<vmem>>[vector<16xi32>, vector<16xi32>], vector<16xf32>,
      %swap3A_226 = arith.constant 5 : i32
      %swap3A_227 = arith.index_cast %swap3A_226 : i32 to index
      %swap3A_228 = arith.index_cast %scan3A_99 : i32 to index
      %swap3A_229 = arith.constant 16 : index
      %swap3A_230 = tpu.vector_load %arg8[%swap3A_227, %swap3A_228, %swap3A_229] {strides = array<i32>} : memref<10x32x64xf32, #tpu.memory_space<vmem>>, vector<16xf32>,
      tpu.vector_store %arg8[%swap3A_227, %swap3A_228, %swap3A_229], %gather3A_225 {strides = array<i32>} : memref<10x32x64xf32, #tpu.memory_space<vmem>>, vector<16xf32>,
      %broadcast_in_dim3A_231 = arith.constant 6 : i32
      %broadcast_in_dim3A_232 = vector.broadcast %broadcast_in_dim3A_231 : i32 to vector<16xi32>
      %gather3A_233 = tpu.vector_load_idx %arg7[%add3A_182, %broadcast_in_dim3A_232] : memref<1600x16xf32, #tpu.memory_space<vmem>>[vector<16xi32>, vector<16xi32>], vector<16xf32>,
      %swap3A_234 = arith.constant 6 : i32
      %swap3A_235 = arith.index_cast %swap3A_234 : i32 to index
      %swap3A_236 = arith.index_cast %scan3A_99 : i32 to index
      %swap3A_237 = arith.constant 16 : index
      %swap3A_238 = tpu.vector_load %arg8[%swap3A_235, %swap3A_236, %swap3A_237] {strides = array<i32>} : memref<10x32x64xf32, #tpu.memory_space<vmem>>, vector<16xf32>,
      tpu.vector_store %arg8[%swap3A_235, %swap3A_236, %swap3A_237], %gather3A_233 {strides = array<i32>} : memref<10x32x64xf32, #tpu.memory_space<vmem>>, vector<16xf32>,
      %broadcast_in_dim3A_239 = arith.constant 7 : i32
      %broadcast_in_dim3A_240 = vector.broadcast %broadcast_in_dim3A_239 : i32 to vector<16xi32>
      %gather3A_241 = tpu.vector_load_idx %arg7[%add3A_182, %broadcast_in_dim3A_240] : memref<1600x16xf32, #tpu.memory_space<vmem>>[vector<16xi32>, vector<16xi32>], vector<16xf32>,
      %swap3A_242 = arith.constant 7 : i32
      %swap3A_243 = arith.index_cast %swap3A_242 : i32 to index
      %swap3A_244 = arith.index_cast %scan3A_99 : i32 to index
      %swap3A_245 = arith.constant 16 : index
      %swap3A_246 = tpu.vector_load %arg8[%swap3A_243, %swap3A_244, %swap3A_245] {strides = array<i32>} : memref<10x32x64xf32, #tpu.memory_space<vmem>>, vector<16xf32>,
      tpu.vector_store %arg8[%swap3A_243, %swap3A_244, %swap3A_245], %gather3A_241 {strides = array<i32>} : memref<10x32x64xf32, #tpu.memory_space<vmem>>, vector<16xf32>,
      %broadcast_in_dim3A_247 = arith.constant 8 : i32
      %broadcast_in_dim3A_248 = vector.broadcast %broadcast_in_dim3A_247 : i32 to vector<16xi32>
      %gather3A_249 = tpu.vector_load_idx %arg7[%add3A_182, %broadcast_in_dim3A_248] : memref<1600x16xf32, #tpu.memory_space<vmem>>[vector<16xi32>, vector<16xi32>], vector<16xf32>,
      %swap3A_250 = arith.constant 8 : i32
      %swap3A_251 = arith.index_cast %swap3A_250 : i32 to index
      %swap3A_252 = arith.index_cast %scan3A_99 : i32 to index
      %swap3A_253 = arith.constant 16 : index
      %swap3A_254 = tpu.vector_load %arg8[%swap3A_251, %swap3A_252, %swap3A_253] {strides = array<i32>} : memref<10x32x64xf32, #tpu.memory_space<vmem>>, vector<16xf32>,
      tpu.vector_store %arg8[%swap3A_251, %swap3A_252, %swap3A_253], %gather3A_249 {strides = array<i32>} : memref<10x32x64xf32, #tpu.memory_space<vmem>>, vector<16xf32>,
      %broadcast_in_dim3A_255 = arith.constant 9 : i32
      %broadcast_in_dim3A_256 = vector.broadcast %broadcast_in_dim3A_255 : i32 to vector<16xi32>
      %gather3A_257 = tpu.vector_load_idx %arg7[%add3A_182, %broadcast_in_dim3A_256] : memref<1600x16xf32, #tpu.memory_space<vmem>>[vector<16xi32>, vector<16xi32>], vector<16xf32>,
      %swap3A_258 = arith.constant 9 : i32
      %swap3A_259 = arith.index_cast %swap3A_258 : i32 to index
      %swap3A_260 = arith.index_cast %scan3A_99 : i32 to index
      %swap3A_261 = arith.constant 16 : index
      %swap3A_262 = tpu.vector_load %arg8[%swap3A_259, %swap3A_260, %swap3A_261] {strides = array<i32>} : memref<10x32x64xf32, #tpu.memory_space<vmem>>, vector<16xf32>,
      tpu.vector_store %arg8[%swap3A_259, %swap3A_260, %swap3A_261], %gather3A_257 {strides = array<i32>} : memref<10x32x64xf32, #tpu.memory_space<vmem>>, vector<16xf32>,
      %add3A_263 = vector.broadcast %mul3A_101 : i32 to vector<16xi32>
      %add3A_264 = arith.addi %add3A_263, %min3A_19 : vector<16xi32>
      %broadcast_in_dim3A_265 = arith.constant 0 : i32
      %broadcast_in_dim3A_266 = vector.broadcast %broadcast_in_dim3A_265 : i32 to vector<16xi32>
      %gather3A_267 = tpu.vector_load_idx %arg7[%add3A_264, %broadcast_in_dim3A_266] : memref<1600x16xf32, #tpu.memory_space<vmem>>[vector<16xi32>, vector<16xi32>], vector<16xf32>,
      %swap3A_268 = arith.constant 0 : i32
      %swap3A_269 = arith.index_cast %swap3A_268 : i32 to index
      %swap3A_270 = arith.index_cast %scan3A_99 : i32 to index
      %swap3A_271 = arith.constant 32 : index
      %swap3A_272 = tpu.vector_load %arg8[%swap3A_269, %swap3A_270, %swap3A_271] {strides = array<i32>} : memref<10x32x64xf32, #tpu.memory_space<vmem>>, vector<16xf32>,
      tpu.vector_store %arg8[%swap3A_269, %swap3A_270, %swap3A_271], %gather3A_267 {strides = array<i32>} : memref<10x32x64xf32, #tpu.memory_space<vmem>>, vector<16xf32>,
      %broadcast_in_dim3A_273 = arith.constant 1 : i32
      %broadcast_in_dim3A_274 = vector.broadcast %broadcast_in_dim3A_273 : i32 to vector<16xi32>
      %gather3A_275 = tpu.vector_load_idx %arg7[%add3A_264, %broadcast_in_dim3A_274] : memref<1600x16xf32, #tpu.memory_space<vmem>>[vector<16xi32>, vector<16xi32>], vector<16xf32>,
      %swap3A_276 = arith.constant 1 : i32
      %swap3A_277 = arith.index_cast %swap3A_276 : i32 to index
      %swap3A_278 = arith.index_cast %scan3A_99 : i32 to index
      %swap3A_279 = arith.constant 32 : index
      %swap3A_280 = tpu.vector_load %arg8[%swap3A_277, %swap3A_278, %swap3A_279] {strides = array<i32>} : memref<10x32x64xf32, #tpu.memory_space<vmem>>, vector<16xf32>,
      tpu.vector_store %arg8[%swap3A_277, %swap3A_278, %swap3A_279], %gather3A_275 {strides = array<i32>} : memref<10x32x64xf32, #tpu.memory_space<vmem>>, vector<16xf32>,
      %broadcast_in_dim3A_281 = arith.constant 2 : i32
      %broadcast_in_dim3A_282 = vector.broadcast %broadcast_in_dim3A_281 : i32 to vector<16xi32>
      %gather3A_283 = tpu.vector_load_idx %arg7[%add3A_264, %broadcast_in_dim3A_282] : memref<1600x16xf32, #tpu.memory_space<vmem>>[vector<16xi32>, vector<16xi32>], vector<16xf32>,
      %swap3A_284 = arith.constant 2 : i32
      %swap3A_285 = arith.index_cast %swap3A_284 : i32 to index
      %swap3A_286 = arith.index_cast %scan3A_99 : i32 to index
      %swap3A_287 = arith.constant 32 : index
      %swap3A_288 = tpu.vector_load %arg8[%swap3A_285, %swap3A_286, %swap3A_287] {strides = array<i32>} : memref<10x32x64xf32, #tpu.memory_space<vmem>>, vector<16xf32>,
      tpu.vector_store %arg8[%swap3A_285, %swap3A_286, %swap3A_287], %gather3A_283 {strides = array<i32>} : memref<10x32x64xf32, #tpu.memory_space<vmem>>, vector<16xf32>,
      %broadcast_in_dim3A_289 = arith.constant 3 : i32
      %broadcast_in_dim3A_290 = vector.broadcast %broadcast_in_dim3A_289 : i32 to vector<16xi32>
      %gather3A_291 = tpu.vector_load_idx %arg7[%add3A_264, %broadcast_in_dim3A_290] : memref<1600x16xf32, #tpu.memory_space<vmem>>[vector<16xi32>, vector<16xi32>], vector<16xf32>,
      %swap3A_292 = arith.constant 3 : i32
      %swap3A_293 = arith.index_cast %swap3A_292 : i32 to index
      %swap3A_294 = arith.index_cast %scan3A_99 : i32 to index
      %swap3A_295 = arith.constant 32 : index
      %swap3A_296 = tpu.vector_load %arg8[%swap3A_293, %swap3A_294, %swap3A_295] {strides = array<i32>} : memref<10x32x64xf32, #tpu.memory_space<vmem>>, vector<16xf32>,
      tpu.vector_store %arg8[%swap3A_293, %swap3A_294, %swap3A_295], %gather3A_291 {strides = array<i32>} : memref<10x32x64xf32, #tpu.memory_space<vmem>>, vector<16xf32>,
      %broadcast_in_dim3A_297 = arith.constant 4 : i32
      %broadcast_in_dim3A_298 = vector.broadcast %broadcast_in_dim3A_297 : i32 to vector<16xi32>
      %gather3A_299 = tpu.vector_load_idx %arg7[%add3A_264, %broadcast_in_dim3A_298] : memref<1600x16xf32, #tpu.memory_space<vmem>>[vector<16xi32>, vector<16xi32>], vector<16xf32>,
      %swap3A_300 = arith.constant 4 : i32
      %swap3A_301 = arith.index_cast %swap3A_300 : i32 to index
      %swap3A_302 = arith.index_cast %scan3A_99 : i32 to index
      %swap3A_303 = arith.constant 32 : index
      %swap3A_304 = tpu.vector_load %arg8[%swap3A_301, %swap3A_302, %swap3A_303] {strides = array<i32>} : memref<10x32x64xf32, #tpu.memory_space<vmem>>, vector<16xf32>,
      tpu.vector_store %arg8[%swap3A_301, %swap3A_302, %swap3A_303], %gather3A_299 {strides = array<i32>} : memref<10x32x64xf32, #tpu.memory_space<vmem>>, vector<16xf32>,
      %broadcast_in_dim3A_305 = arith.constant 5 : i32
      %broadcast_in_dim3A_306 = vector.broadcast %broadcast_in_dim3A_305 : i32 to vector<16xi32>
      %gather3A_307 = tpu.vector_load_idx %arg7[%add3A_264, %broadcast_in_dim3A_306] : memref<1600x16xf32, #tpu.memory_space<vmem>>[vector<16xi32>, vector<16xi32>], vector<16xf32>,
      %swap3A_308 = arith.constant 5 : i32
      %swap3A_309 = arith.index_cast %swap3A_308 : i32 to index
      %swap3A_310 = arith.index_cast %scan3A_99 : i32 to index
      %swap3A_311 = arith.constant 32 : index
      %swap3A_312 = tpu.vector_load %arg8[%swap3A_309, %swap3A_310, %swap3A_311] {strides = array<i32>} : memref<10x32x64xf32, #tpu.memory_space<vmem>>, vector<16xf32>,
      tpu.vector_store %arg8[%swap3A_309, %swap3A_310, %swap3A_311], %gather3A_307 {strides = array<i32>} : memref<10x32x64xf32, #tpu.memory_space<vmem>>, vector<16xf32>,
      %broadcast_in_dim3A_313 = arith.constant 6 : i32
      %broadcast_in_dim3A_314 = vector.broadcast %broadcast_in_dim3A_313 : i32 to vector<16xi32>
      %gather3A_315 = tpu.vector_load_idx %arg7[%add3A_264, %broadcast_in_dim3A_314] : memref<1600x16xf32, #tpu.memory_space<vmem>>[vector<16xi32>, vector<16xi32>], vector<16xf32>,
      %swap3A_316 = arith.constant 6 : i32
      %swap3A_317 = arith.index_cast %swap3A_316 : i32 to index
      %swap3A_318 = arith.index_cast %scan3A_99 : i32 to index
      %swap3A_319 = arith.constant 32 : index
      %swap3A_320 = tpu.vector_load %arg8[%swap3A_317, %swap3A_318, %swap3A_319] {strides = array<i32>} : memref<10x32x64xf32, #tpu.memory_space<vmem>>, vector<16xf32>,
      tpu.vector_store %arg8[%swap3A_317, %swap3A_318, %swap3A_319], %gather3A_315 {strides = array<i32>} : memref<10x32x64xf32, #tpu.memory_space<vmem>>, vector<16xf32>,
      %broadcast_in_dim3A_321 = arith.constant 7 : i32
      %broadcast_in_dim3A_322 = vector.broadcast %broadcast_in_dim3A_321 : i32 to vector<16xi32>
      %gather3A_323 = tpu.vector_load_idx %arg7[%add3A_264, %broadcast_in_dim3A_322] : memref<1600x16xf32, #tpu.memory_space<vmem>>[vector<16xi32>, vector<16xi32>], vector<16xf32>,
      %swap3A_324 = arith.constant 7 : i32
      %swap3A_325 = arith.index_cast %swap3A_324 : i32 to index
      %swap3A_326 = arith.index_cast %scan3A_99 : i32 to index
      %swap3A_327 = arith.constant 32 : index
      %swap3A_328 = tpu.vector_load %arg8[%swap3A_325, %swap3A_326, %swap3A_327] {strides = array<i32>} : memref<10x32x64xf32, #tpu.memory_space<vmem>>, vector<16xf32>,
      tpu.vector_store %arg8[%swap3A_325, %swap3A_326, %swap3A_327], %gather3A_323 {strides = array<i32>} : memref<10x32x64xf32, #tpu.memory_space<vmem>>, vector<16xf32>,
      %broadcast_in_dim3A_329 = arith.constant 8 : i32
      %broadcast_in_dim3A_330 = vector.broadcast %broadcast_in_dim3A_329 : i32 to vector<16xi32>
      %gather3A_331 = tpu.vector_load_idx %arg7[%add3A_264, %broadcast_in_dim3A_330] : memref<1600x16xf32, #tpu.memory_space<vmem>>[vector<16xi32>, vector<16xi32>], vector<16xf32>,
      %swap3A_332 = arith.constant 8 : i32
      %swap3A_333 = arith.index_cast %swap3A_332 : i32 to index
      %swap3A_334 = arith.index_cast %scan3A_99 : i32 to index
      %swap3A_335 = arith.constant 32 : index
      %swap3A_336 = tpu.vector_load %arg8[%swap3A_333, %swap3A_334, %swap3A_335] {strides = array<i32>} : memref<10x32x64xf32, #tpu.memory_space<vmem>>, vector<16xf32>,
      tpu.vector_store %arg8[%swap3A_333, %swap3A_334, %swap3A_335], %gather3A_331 {strides = array<i32>} : memref<10x32x64xf32, #tpu.memory_space<vmem>>, vector<16xf32>,
      %broadcast_in_dim3A_337 = arith.constant 9 : i32
      %broadcast_in_dim3A_338 = vector.broadcast %broadcast_in_dim3A_337 : i32 to vector<16xi32>
      %gather3A_339 = tpu.vector_load_idx %arg7[%add3A_264, %broadcast_in_dim3A_338] : memref<1600x16xf32, #tpu.memory_space<vmem>>[vector<16xi32>, vector<16xi32>], vector<16xf32>,
      %swap3A_340 = arith.constant 9 : i32
      %swap3A_341 = arith.index_cast %swap3A_340 : i32 to index
      %swap3A_342 = arith.index_cast %scan3A_99 : i32 to index
      %swap3A_343 = arith.constant 32 : index
      %swap3A_344 = tpu.vector_load %arg8[%swap3A_341, %swap3A_342, %swap3A_343] {strides = array<i32>} : memref<10x32x64xf32, #tpu.memory_space<vmem>>, vector<16xf32>,
      tpu.vector_store %arg8[%swap3A_341, %swap3A_342, %swap3A_343], %gather3A_339 {strides = array<i32>} : memref<10x32x64xf32, #tpu.memory_space<vmem>>, vector<16xf32>,
      %add3A_345 = vector.broadcast %mul3A_101 : i32 to vector<16xi32>
      %add3A_346 = arith.addi %add3A_345, %min3A_25 : vector<16xi32>
      %broadcast_in_dim3A_347 = arith.constant 0 : i32
      %broadcast_in_dim3A_348 = vector.broadcast %broadcast_in_dim3A_347 : i32 to vector<16xi32>
      %gather3A_349 = tpu.vector_load_idx %arg7[%add3A_346, %broadcast_in_dim3A_348] : memref<1600x16xf32, #tpu.memory_space<vmem>>[vector<16xi32>, vector<16xi32>], vector<16xf32>,
      %swap3A_350 = arith.constant 0 : i32
      %swap3A_351 = arith.index_cast %swap3A_350 : i32 to index
      %swap3A_352 = arith.index_cast %scan3A_99 : i32 to index
      %swap3A_353 = arith.constant 48 : index
      %swap3A_354 = tpu.vector_load %arg8[%swap3A_351, %swap3A_352, %swap3A_353] {strides = array<i32>} : memref<10x32x64xf32, #tpu.memory_space<vmem>>, vector<16xf32>,
      tpu.vector_store %arg8[%swap3A_351, %swap3A_352, %swap3A_353], %gather3A_349 {strides = array<i32>} : memref<10x32x64xf32, #tpu.memory_space<vmem>>, vector<16xf32>,
      %broadcast_in_dim3A_355 = arith.constant 1 : i32
      %broadcast_in_dim3A_356 = vector.broadcast %broadcast_in_dim3A_355 : i32 to vector<16xi32>
      %gather3A_357 = tpu.vector_load_idx %arg7[%add3A_346, %broadcast_in_dim3A_356] : memref<1600x16xf32, #tpu.memory_space<vmem>>[vector<16xi32>, vector<16xi32>], vector<16xf32>,
      %swap3A_358 = arith.constant 1 : i32
      %swap3A_359 = arith.index_cast %swap3A_358 : i32 to index
      %swap3A_360 = arith.index_cast %scan3A_99 : i32 to index
      %swap3A_361 = arith.constant 48 : index
      %swap3A_362 = tpu.vector_load %arg8[%swap3A_359, %swap3A_360, %swap3A_361] {strides = array<i32>} : memref<10x32x64xf32, #tpu.memory_space<vmem>>, vector<16xf32>,
      tpu.vector_store %arg8[%swap3A_359, %swap3A_360, %swap3A_361], %gather3A_357 {strides = array<i32>} : memref<10x32x64xf32, #tpu.memory_space<vmem>>, vector<16xf32>,
      %broadcast_in_dim3A_363 = arith.constant 2 : i32
      %broadcast_in_dim3A_364 = vector.broadcast %broadcast_in_dim3A_363 : i32 to vector<16xi32>
      %gather3A_365 = tpu.vector_load_idx %arg7[%add3A_346, %broadcast_in_dim3A_364] : memref<1600x16xf32, #tpu.memory_space<vmem>>[vector<16xi32>, vector<16xi32>], vector<16xf32>,
      %swap3A_366 = arith.constant 2 : i32
      %swap3A_367 = arith.index_cast %swap3A_366 : i32 to index
      %swap3A_368 = arith.index_cast %scan3A_99 : i32 to index
      %swap3A_369 = arith.constant 48 : index
      %swap3A_370 = tpu.vector_load %arg8[%swap3A_367, %swap3A_368, %swap3A_369] {strides = array<i32>} : memref<10x32x64xf32, #tpu.memory_space<vmem>>, vector<16xf32>,
      tpu.vector_store %arg8[%swap3A_367, %swap3A_368, %swap3A_369], %gather3A_365 {strides = array<i32>} : memref<10x32x64xf32, #tpu.memory_space<vmem>>, vector<16xf32>,
      %broadcast_in_dim3A_371 = arith.constant 3 : i32
      %broadcast_in_dim3A_372 = vector.broadcast %broadcast_in_dim3A_371 : i32 to vector<16xi32>
      %gather3A_373 = tpu.vector_load_idx %arg7[%add3A_346, %broadcast_in_dim3A_372] : memref<1600x16xf32, #tpu.memory_space<vmem>>[vector<16xi32>, vector<16xi32>], vector<16xf32>,
      %swap3A_374 = arith.constant 3 : i32
      %swap3A_375 = arith.index_cast %swap3A_374 : i32 to index
      %swap3A_376 = arith.index_cast %scan3A_99 : i32 to index
      %swap3A_377 = arith.constant 48 : index
      %swap3A_378 = tpu.vector_load %arg8[%swap3A_375, %swap3A_376, %swap3A_377] {strides = array<i32>} : memref<10x32x64xf32, #tpu.memory_space<vmem>>, vector<16xf32>,
      tpu.vector_store %arg8[%swap3A_375, %swap3A_376, %swap3A_377], %gather3A_373 {strides = array<i32>} : memref<10x32x64xf32, #tpu.memory_space<vmem>>, vector<16xf32>,
      %broadcast_in_dim3A_379 = arith.constant 4 : i32
      %broadcast_in_dim3A_380 = vector.broadcast %broadcast_in_dim3A_379 : i32 to vector<16xi32>
      %gather3A_381 = tpu.vector_load_idx %arg7[%add3A_346, %broadcast_in_dim3A_380] : memref<1600x16xf32, #tpu.memory_space<vmem>>[vector<16xi32>, vector<16xi32>], vector<16xf32>,
      %swap3A_382 = arith.constant 4 : i32
      %swap3A_383 = arith.index_cast %swap3A_382 : i32 to index
      %swap3A_384 = arith.index_cast %scan3A_99 : i32 to index
      %swap3A_385 = arith.constant 48 : index
      %swap3A_386 = tpu.vector_load %arg8[%swap3A_383, %swap3A_384, %swap3A_385] {strides = array<i32>} : memref<10x32x64xf32, #tpu.memory_space<vmem>>, vector<16xf32>,
      tpu.vector_store %arg8[%swap3A_383, %swap3A_384, %swap3A_385], %gather3A_381 {strides = array<i32>} : memref<10x32x64xf32, #tpu.memory_space<vmem>>, vector<16xf32>,
      %broadcast_in_dim3A_387 = arith.constant 5 : i32
      %broadcast_in_dim3A_388 = vector.broadcast %broadcast_in_dim3A_387 : i32 to vector<16xi32>
      %gather3A_389 = tpu.vector_load_idx %arg7[%add3A_346, %broadcast_in_dim3A_388] : memref<1600x16xf32, #tpu.memory_space<vmem>>[vector<16xi32>, vector<16xi32>], vector<16xf32>,
      %swap3A_390 = arith.constant 5 : i32
      %swap3A_391 = arith.index_cast %swap3A_390 : i32 to index
      %swap3A_392 = arith.index_cast %scan3A_99 : i32 to index
      %swap3A_393 = arith.constant 48 : index
      %swap3A_394 = tpu.vector_load %arg8[%swap3A_391, %swap3A_392, %swap3A_393] {strides = array<i32>} : memref<10x32x64xf32, #tpu.memory_space<vmem>>, vector<16xf32>,
      tpu.vector_store %arg8[%swap3A_391, %swap3A_392, %swap3A_393], %gather3A_389 {strides = array<i32>} : memref<10x32x64xf32, #tpu.memory_space<vmem>>, vector<16xf32>,
      %broadcast_in_dim3A_395 = arith.constant 6 : i32
      %broadcast_in_dim3A_396 = vector.broadcast %broadcast_in_dim3A_395 : i32 to vector<16xi32>
      %gather3A_397 = tpu.vector_load_idx %arg7[%add3A_346, %broadcast_in_dim3A_396] : memref<1600x16xf32, #tpu.memory_space<vmem>>[vector<16xi32>, vector<16xi32>], vector<16xf32>,
      %swap3A_398 = arith.constant 6 : i32
      %swap3A_399 = arith.index_cast %swap3A_398 : i32 to index
      %swap3A_400 = arith.index_cast %scan3A_99 : i32 to index
      %swap3A_401 = arith.constant 48 : index
      %swap3A_402 = tpu.vector_load %arg8[%swap3A_399, %swap3A_400, %swap3A_401] {strides = array<i32>} : memref<10x32x64xf32, #tpu.memory_space<vmem>>, vector<16xf32>,
      tpu.vector_store %arg8[%swap3A_399, %swap3A_400, %swap3A_401], %gather3A_397 {strides = array<i32>} : memref<10x32x64xf32, #tpu.memory_space<vmem>>, vector<16xf32>,
      %broadcast_in_dim3A_403 = arith.constant 7 : i32
      %broadcast_in_dim3A_404 = vector.broadcast %broadcast_in_dim3A_403 : i32 to vector<16xi32>
      %gather3A_405 = tpu.vector_load_idx %arg7[%add3A_346, %broadcast_in_dim3A_404] : memref<1600x16xf32, #tpu.memory_space<vmem>>[vector<16xi32>, vector<16xi32>], vector<16xf32>,
      %swap3A_406 = arith.constant 7 : i32
      %swap3A_407 = arith.index_cast %swap3A_406 : i32 to index
      %swap3A_408 = arith.index_cast %scan3A_99 : i32 to index
      %swap3A_409 = arith.constant 48 : index
      %swap3A_410 = tpu.vector_load %arg8[%swap3A_407, %swap3A_408, %swap3A_409] {strides = array<i32>} : memref<10x32x64xf32, #tpu.memory_space<vmem>>, vector<16xf32>,
      tpu.vector_store %arg8[%swap3A_407, %swap3A_408, %swap3A_409], %gather3A_405 {strides = array<i32>} : memref<10x32x64xf32, #tpu.memory_space<vmem>>, vector<16xf32>,
      %broadcast_in_dim3A_411 = arith.constant 8 : i32
      %broadcast_in_dim3A_412 = vector.broadcast %broadcast_in_dim3A_411 : i32 to vector<16xi32>
      %gather3A_413 = tpu.vector_load_idx %arg7[%add3A_346, %broadcast_in_dim3A_412] : memref<1600x16xf32, #tpu.memory_space<vmem>>[vector<16xi32>, vector<16xi32>], vector<16xf32>,
      %swap3A_414 = arith.constant 8 : i32
      %swap3A_415 = arith.index_cast %swap3A_414 : i32 to index
      %swap3A_416 = arith.index_cast %scan3A_99 : i32 to index
      %swap3A_417 = arith.constant 48 : index
      %swap3A_418 = tpu.vector_load %arg8[%swap3A_415, %swap3A_416, %swap3A_417] {strides = array<i32>} : memref<10x32x64xf32, #tpu.memory_space<vmem>>, vector<16xf32>,
      tpu.vector_store %arg8[%swap3A_415, %swap3A_416, %swap3A_417], %gather3A_413 {strides = array<i32>} : memref<10x32x64xf32, #tpu.memory_space<vmem>>, vector<16xf32>,
      %broadcast_in_dim3A_419 = arith.constant 9 : i32
      %broadcast_in_dim3A_420 = vector.broadcast %broadcast_in_dim3A_419 : i32 to vector<16xi32>
      %gather3A_421 = tpu.vector_load_idx %arg7[%add3A_346, %broadcast_in_dim3A_420] : memref<1600x16xf32, #tpu.memory_space<vmem>>[vector<16xi32>, vector<16xi32>], vector<16xf32>,
      %swap3A_422 = arith.constant 9 : i32
      %swap3A_423 = arith.index_cast %swap3A_422 : i32 to index
      %swap3A_424 = arith.index_cast %scan3A_99 : i32 to index
      %swap3A_425 = arith.constant 48 : index
      %swap3A_426 = tpu.vector_load %arg8[%swap3A_423, %swap3A_424, %swap3A_425] {strides = array<i32>} : memref<10x32x64xf32, #tpu.memory_space<vmem>>, vector<16xf32>,
      tpu.vector_store %arg8[%swap3A_423, %swap3A_424, %swap3A_425], %gather3A_421 {strides = array<i32>} : memref<10x32x64xf32, #tpu.memory_space<vmem>>, vector<16xf32>,
    }
    %scan3A_63 = arith.constant 32 : i32
    %dma_start3A_64 = arith.constant 4800 : i32
    %dma_start3A_65 = tpu.memref_slice %arg5[%dma_start3A_64] : memref<6400xi32, #tpu.memory_space<vmem>> -> memref<1600xi32, #tpu.memory_space<vmem>>
    %dma_start3A_66 = arith.constant 0 : i32
    %dma_start3A_67 = arith.constant 0 : i32
    %dma_start3A_68 = tpu.memref_slice %arg3[%dma_start3A_66, %dma_start3A_67] : memref<100000x16xf32, #tpu.memory_space<hbm>> -> memref<100000x16xf32, #tpu.memory_space<hbm>>
    tpu.enqueue_indirect_dma source(%dma_start3A_68 : memref<100000x16xf32, #tpu.memory_space<hbm>>) target(%arg7 : memref<1600x16xf32, #tpu.memory_space<vmem>>) offsets(%dma_start3A_65 : memref<1600xi32, #tpu.memory_space<vmem>>) semaphore(%arg10 : memref<!tpu.dma_semaphore, #tpu.memory_space<semaphore_mem>>)
    %add3A_69 = arith.constant 32 : i32
    %add3A_70 = arith.addi %mul3A_2, %add3A_69 : i32
    "tpu.region"() ({
      %run_scoped3A = tpu.sem_alloc : memref<!tpu.dma_semaphore, #tpu.memory_space<semaphore_mem>>
      %dma_start3A_99 = arith.constant 0 : i32
      %dma_start3A_100 = arith.constant 0 : i32
      %dma_start3A_101 = tpu.memref_slice %arg4[%dma_start3A_99, %add3A_70, %dma_start3A_100] : memref<10x4096x64xf32, #tpu.memory_space<hbm>> -> memref<10x32x64xf32, #tpu.memory_space<hbm>>
      %dma_start3A_102 = arith.constant 0 : i32
      %dma_start3A_103 = arith.constant 0 : i32
      %dma_start3A_104 = tpu.memref_slice %arg4[%dma_start3A_102, %add3A_70, %dma_start3A_103] : memref<10x4096x64xf32, #tpu.memory_space<hbm>> -> memref<10x32x64xf32, #tpu.memory_space<hbm>>
      tpu.enqueue_dma source(%arg8 : memref<10x32x64xf32, #tpu.memory_space<vmem>>) target(%dma_start3A_104 : memref<10x32x64xf32, #tpu.memory_space<hbm>>) target_semaphore(%run_scoped3A : memref<!tpu.dma_semaphore, #tpu.memory_space<semaphore_mem>>)
      %dma_wait3A_105 = arith.constant 0 : i32
      %dma_wait3A_106 = arith.constant 0 : i32
      %dma_wait3A_107 = tpu.memref_slice %arg4[%dma_wait3A_105, %add3A_70, %dma_wait3A_106] : memref<10x4096x64xf32, #tpu.memory_space<hbm>> -> memref<10x32x64xf32, #tpu.memory_space<hbm>>
      %dma_wait3A_108 = arith.constant 0 : i32
      %dma_wait3A_109 = arith.constant 0 : i32
      %dma_wait3A_110 = tpu.memref_slice %arg4[%dma_wait3A_108, %add3A_70, %dma_wait3A_109] : memref<10x4096x64xf32, #tpu.memory_space<hbm>> -> memref<10x32x64xf32, #tpu.memory_space<hbm>>
      tpu.wait_dma2 semaphore(%run_scoped3A : memref<!tpu.dma_semaphore, #tpu.memory_space<semaphore_mem>>) src(%arg8 : memref<10x32x64xf32, #tpu.memory_space<vmem>>) dst(%dma_wait3A_110 : memref<10x32x64xf32, #tpu.memory_space<hbm>>)
      tpu.yield
    }) : () -> ()
    %dma_wait3A_71 = arith.constant 0 : i32
    %dma_wait3A_72 = arith.constant 0 : i32
    %dma_wait3A_73 = tpu.memref_slice %arg3[%dma_wait3A_71, %dma_wait3A_72] : memref<100000x16xf32, #tpu.memory_space<hbm>> -> memref<1600x16xf32, #tpu.memory_space<hbm>>
    %dma_wait3A_74 = arith.constant 0 : i32
    %dma_wait3A_75 = arith.constant 0 : i32
    %dma_wait3A_76 = tpu.memref_slice %arg3[%dma_wait3A_74, %dma_wait3A_75] : memref<100000x16xf32, #tpu.memory_space<hbm>> -> memref<1600x16xf32, #tpu.memory_space<hbm>>
    tpu.wait_dma2 semaphore(%arg9 : memref<!tpu.dma_semaphore, #tpu.memory_space<semaphore_mem>>) src(%dma_wait3A_76 : memref<1600x16xf32, #tpu.memory_space<hbm>>) dst(%arg6 : memref<1600x16xf32, #tpu.memory_space<vmem>>)
    %scan3A_77 = arith.constant 0 : i32
    %scan3A_78 = arith.constant 0 : i32
    %scan3A_79 = arith.constant 32 : i32
    %scan3A_80 = arith.addi %scan3A_78, %scan3A_79 : i32
    %scan3A_81 = arith.constant 1 : i32
    scf.for %scan3A_99 = %scan3A_78 to %scan3A_80 step %scan3A_81  : i32 {
      %mul3A_100 = arith.constant 50 : i32
      %mul3A_101 = arith.muli %scan3A_99, %mul3A_100 : i32
      %add3A_102 = vector.broadcast %mul3A_101 : i32 to vector<16xi32>
      %add3A_103 = arith.addi %add3A_102, %min3A_7 : vector<16xi32>
      %broadcast_in_dim3A = arith.constant 0 : i32
      %broadcast_in_dim3A_104 = vector.broadcast %broadcast_in_dim3A : i32 to vector<16xi32>
      %gather3A = tpu.vector_load_idx %arg6[%add3A_103, %broadcast_in_dim3A_104] : memref<1600x16xf32, #tpu.memory_space<vmem>>[vector<16xi32>, vector<16xi32>], vector<16xf32>,
      %swap3A = arith.constant 0 : i32
      %swap3A_105 = arith.index_cast %swap3A : i32 to index
      %swap3A_106 = arith.index_cast %scan3A_99 : i32 to index
      %swap3A_107 = arith.constant 0 : index
      %swap3A_108 = tpu.vector_load %arg8[%swap3A_105, %swap3A_106, %swap3A_107] {strides = array<i32>} : memref<10x32x64xf32, #tpu.memory_space<vmem>>, vector<16xf32>,
      tpu.vector_store %arg8[%swap3A_105, %swap3A_106, %swap3A_107], %gather3A {strides = array<i32>} : memref<10x32x64xf32, #tpu.memory_space<vmem>>, vector<16xf32>,
      %broadcast_in_dim3A_109 = arith.constant 1 : i32
      %broadcast_in_dim3A_110 = vector.broadcast %broadcast_in_dim3A_109 : i32 to vector<16xi32>
      %gather3A_111 = tpu.vector_load_idx %arg6[%add3A_103, %broadcast_in_dim3A_110] : memref<1600x16xf32, #tpu.memory_space<vmem>>[vector<16xi32>, vector<16xi32>], vector<16xf32>,
      %swap3A_112 = arith.constant 1 : i32
      %swap3A_113 = arith.index_cast %swap3A_112 : i32 to index
      %swap3A_114 = arith.index_cast %scan3A_99 : i32 to index
      %swap3A_115 = arith.constant 0 : index
      %swap3A_116 = tpu.vector_load %arg8[%swap3A_113, %swap3A_114, %swap3A_115] {strides = array<i32>} : memref<10x32x64xf32, #tpu.memory_space<vmem>>, vector<16xf32>,
      tpu.vector_store %arg8[%swap3A_113, %swap3A_114, %swap3A_115], %gather3A_111 {strides = array<i32>} : memref<10x32x64xf32, #tpu.memory_space<vmem>>, vector<16xf32>,
      %broadcast_in_dim3A_117 = arith.constant 2 : i32
      %broadcast_in_dim3A_118 = vector.broadcast %broadcast_in_dim3A_117 : i32 to vector<16xi32>
      %gather3A_119 = tpu.vector_load_idx %arg6[%add3A_103, %broadcast_in_dim3A_118] : memref<1600x16xf32, #tpu.memory_space<vmem>>[vector<16xi32>, vector<16xi32>], vector<16xf32>,
      %swap3A_120 = arith.constant 2 : i32
      %swap3A_121 = arith.index_cast %swap3A_120 : i32 to index
      %swap3A_122 = arith.index_cast %scan3A_99 : i32 to index
      %swap3A_123 = arith.constant 0 : index
      %swap3A_124 = tpu.vector_load %arg8[%swap3A_121, %swap3A_122, %swap3A_123] {strides = array<i32>} : memref<10x32x64xf32, #tpu.memory_space<vmem>>, vector<16xf32>,
      tpu.vector_store %arg8[%swap3A_121, %swap3A_122, %swap3A_123], %gather3A_119 {strides = array<i32>} : memref<10x32x64xf32, #tpu.memory_space<vmem>>, vector<16xf32>,
      %broadcast_in_dim3A_125 = arith.constant 3 : i32
      %broadcast_in_dim3A_126 = vector.broadcast %broadcast_in_dim3A_125 : i32 to vector<16xi32>
      %gather3A_127 = tpu.vector_load_idx %arg6[%add3A_103, %broadcast_in_dim3A_126] : memref<1600x16xf32, #tpu.memory_space<vmem>>[vector<16xi32>, vector<16xi32>], vector<16xf32>,
      %swap3A_128 = arith.constant 3 : i32
      %swap3A_129 = arith.index_cast %swap3A_128 : i32 to index
      %swap3A_130 = arith.index_cast %scan3A_99 : i32 to index
      %swap3A_131 = arith.constant 0 : index
      %swap3A_132 = tpu.vector_load %arg8[%swap3A_129, %swap3A_130, %swap3A_131] {strides = array<i32>} : memref<10x32x64xf32, #tpu.memory_space<vmem>>, vector<16xf32>,
      tpu.vector_store %arg8[%swap3A_129, %swap3A_130, %swap3A_131], %gather3A_127 {strides = array<i32>} : memref<10x32x64xf32, #tpu.memory_space<vmem>>, vector<16xf32>,
      %broadcast_in_dim3A_133 = arith.constant 4 : i32
      %broadcast_in_dim3A_134 = vector.broadcast %broadcast_in_dim3A_133 : i32 to vector<16xi32>
      %gather3A_135 = tpu.vector_load_idx %arg6[%add3A_103, %broadcast_in_dim3A_134] : memref<1600x16xf32, #tpu.memory_space<vmem>>[vector<16xi32>, vector<16xi32>], vector<16xf32>,
      %swap3A_136 = arith.constant 4 : i32
      %swap3A_137 = arith.index_cast %swap3A_136 : i32 to index
      %swap3A_138 = arith.index_cast %scan3A_99 : i32 to index
      %swap3A_139 = arith.constant 0 : index
      %swap3A_140 = tpu.vector_load %arg8[%swap3A_137, %swap3A_138, %swap3A_139] {strides = array<i32>} : memref<10x32x64xf32, #tpu.memory_space<vmem>>, vector<16xf32>,
      tpu.vector_store %arg8[%swap3A_137, %swap3A_138, %swap3A_139], %gather3A_135 {strides = array<i32>} : memref<10x32x64xf32, #tpu.memory_space<vmem>>, vector<16xf32>,
      %broadcast_in_dim3A_141 = arith.constant 5 : i32
      %broadcast_in_dim3A_142 = vector.broadcast %broadcast_in_dim3A_141 : i32 to vector<16xi32>
      %gather3A_143 = tpu.vector_load_idx %arg6[%add3A_103, %broadcast_in_dim3A_142] : memref<1600x16xf32, #tpu.memory_space<vmem>>[vector<16xi32>, vector<16xi32>], vector<16xf32>,
      %swap3A_144 = arith.constant 5 : i32
      %swap3A_145 = arith.index_cast %swap3A_144 : i32 to index
      %swap3A_146 = arith.index_cast %scan3A_99 : i32 to index
      %swap3A_147 = arith.constant 0 : index
      %swap3A_148 = tpu.vector_load %arg8[%swap3A_145, %swap3A_146, %swap3A_147] {strides = array<i32>} : memref<10x32x64xf32, #tpu.memory_space<vmem>>, vector<16xf32>,
      tpu.vector_store %arg8[%swap3A_145, %swap3A_146, %swap3A_147], %gather3A_143 {strides = array<i32>} : memref<10x32x64xf32, #tpu.memory_space<vmem>>, vector<16xf32>,
      %broadcast_in_dim3A_149 = arith.constant 6 : i32
      %broadcast_in_dim3A_150 = vector.broadcast %broadcast_in_dim3A_149 : i32 to vector<16xi32>
      %gather3A_151 = tpu.vector_load_idx %arg6[%add3A_103, %broadcast_in_dim3A_150] : memref<1600x16xf32, #tpu.memory_space<vmem>>[vector<16xi32>, vector<16xi32>], vector<16xf32>,
      %swap3A_152 = arith.constant 6 : i32
      %swap3A_153 = arith.index_cast %swap3A_152 : i32 to index
      %swap3A_154 = arith.index_cast %scan3A_99 : i32 to index
      %swap3A_155 = arith.constant 0 : index
      %swap3A_156 = tpu.vector_load %arg8[%swap3A_153, %swap3A_154, %swap3A_155] {strides = array<i32>} : memref<10x32x64xf32, #tpu.memory_space<vmem>>, vector<16xf32>,
      tpu.vector_store %arg8[%swap3A_153, %swap3A_154, %swap3A_155], %gather3A_151 {strides = array<i32>} : memref<10x32x64xf32, #tpu.memory_space<vmem>>, vector<16xf32>,
      %broadcast_in_dim3A_157 = arith.constant 7 : i32
      %broadcast_in_dim3A_158 = vector.broadcast %broadcast_in_dim3A_157 : i32 to vector<16xi32>
      %gather3A_159 = tpu.vector_load_idx %arg6[%add3A_103, %broadcast_in_dim3A_158] : memref<1600x16xf32, #tpu.memory_space<vmem>>[vector<16xi32>, vector<16xi32>], vector<16xf32>,
      %swap3A_160 = arith.constant 7 : i32
      %swap3A_161 = arith.index_cast %swap3A_160 : i32 to index
      %swap3A_162 = arith.index_cast %scan3A_99 : i32 to index
      %swap3A_163 = arith.constant 0 : index
      %swap3A_164 = tpu.vector_load %arg8[%swap3A_161, %swap3A_162, %swap3A_163] {strides = array<i32>} : memref<10x32x64xf32, #tpu.memory_space<vmem>>, vector<16xf32>,
      tpu.vector_store %arg8[%swap3A_161, %swap3A_162, %swap3A_163], %gather3A_159 {strides = array<i32>} : memref<10x32x64xf32, #tpu.memory_space<vmem>>, vector<16xf32>,
      %broadcast_in_dim3A_165 = arith.constant 8 : i32
      %broadcast_in_dim3A_166 = vector.broadcast %broadcast_in_dim3A_165 : i32 to vector<16xi32>
      %gather3A_167 = tpu.vector_load_idx %arg6[%add3A_103, %broadcast_in_dim3A_166] : memref<1600x16xf32, #tpu.memory_space<vmem>>[vector<16xi32>, vector<16xi32>], vector<16xf32>,
      %swap3A_168 = arith.constant 8 : i32
      %swap3A_169 = arith.index_cast %swap3A_168 : i32 to index
      %swap3A_170 = arith.index_cast %scan3A_99 : i32 to index
      %swap3A_171 = arith.constant 0 : index
      %swap3A_172 = tpu.vector_load %arg8[%swap3A_169, %swap3A_170, %swap3A_171] {strides = array<i32>} : memref<10x32x64xf32, #tpu.memory_space<vmem>>, vector<16xf32>,
      tpu.vector_store %arg8[%swap3A_169, %swap3A_170, %swap3A_171], %gather3A_167 {strides = array<i32>} : memref<10x32x64xf32, #tpu.memory_space<vmem>>, vector<16xf32>,
      %broadcast_in_dim3A_173 = arith.constant 9 : i32
      %broadcast_in_dim3A_174 = vector.broadcast %broadcast_in_dim3A_173 : i32 to vector<16xi32>
      %gather3A_175 = tpu.vector_load_idx %arg6[%add3A_103, %broadcast_in_dim3A_174] : memref<1600x16xf32, #tpu.memory_space<vmem>>[vector<16xi32>, vector<16xi32>], vector<16xf32>,
      %swap3A_176 = arith.constant 9 : i32
      %swap3A_177 = arith.index_cast %swap3A_176 : i32 to index
      %swap3A_178 = arith.index_cast %scan3A_99 : i32 to index
      %swap3A_179 = arith.constant 0 : index
      %swap3A_180 = tpu.vector_load %arg8[%swap3A_177, %swap3A_178, %swap3A_179] {strides = array<i32>} : memref<10x32x64xf32, #tpu.memory_space<vmem>>, vector<16xf32>,
      tpu.vector_store %arg8[%swap3A_177, %swap3A_178, %swap3A_179], %gather3A_175 {strides = array<i32>} : memref<10x32x64xf32, #tpu.memory_space<vmem>>, vector<16xf32>,
      %add3A_181 = vector.broadcast %mul3A_101 : i32 to vector<16xi32>
      %add3A_182 = arith.addi %add3A_181, %min3A_13 : vector<16xi32>
      %broadcast_in_dim3A_183 = arith.constant 0 : i32
      %broadcast_in_dim3A_184 = vector.broadcast %broadcast_in_dim3A_183 : i32 to vector<16xi32>
      %gather3A_185 = tpu.vector_load_idx %arg6[%add3A_182, %broadcast_in_dim3A_184] : memref<1600x16xf32, #tpu.memory_space<vmem>>[vector<16xi32>, vector<16xi32>], vector<16xf32>,
      %swap3A_186 = arith.constant 0 : i32
      %swap3A_187 = arith.index_cast %swap3A_186 : i32 to index
      %swap3A_188 = arith.index_cast %scan3A_99 : i32 to index
      %swap3A_189 = arith.constant 16 : index
      %swap3A_190 = tpu.vector_load %arg8[%swap3A_187, %swap3A_188, %swap3A_189] {strides = array<i32>} : memref<10x32x64xf32, #tpu.memory_space<vmem>>, vector<16xf32>,
      tpu.vector_store %arg8[%swap3A_187, %swap3A_188, %swap3A_189], %gather3A_185 {strides = array<i32>} : memref<10x32x64xf32, #tpu.memory_space<vmem>>, vector<16xf32>,
      %broadcast_in_dim3A_191 = arith.constant 1 : i32
      %broadcast_in_dim3A_192 = vector.broadcast %broadcast_in_dim3A_191 : i32 to vector<16xi32>
      %gather3A_193 = tpu.vector_load_idx %arg6[%add3A_182, %broadcast_in_dim3A_192] : memref<1600x16xf32, #tpu.memory_space<vmem>>[vector<16xi32>, vector<16xi32>], vector<16xf32>,
      %swap3A_194 = arith.constant 1 : i32
      %swap3A_195 = arith.index_cast %swap3A_194 : i32 to index
      %swap3A_196 = arith.index_cast %scan3A_99 : i32 to index
      %swap3A_197 = arith.constant 16 : index
      %swap3A_198 = tpu.vector_load %arg8[%swap3A_195, %swap3A_196, %swap3A_197] {strides = array<i32>} : memref<10x32x64xf32, #tpu.memory_space<vmem>>, vector<16xf32>,
      tpu.vector_store %arg8[%swap3A_195, %swap3A_196, %swap3A_197], %gather3A_193 {strides = array<i32>} : memref<10x32x64xf32, #tpu.memory_space<vmem>>, vector<16xf32>,
      %broadcast_in_dim3A_199 = arith.constant 2 : i32
      %broadcast_in_dim3A_200 = vector.broadcast %broadcast_in_dim3A_199 : i32 to vector<16xi32>
      %gather3A_201 = tpu.vector_load_idx %arg6[%add3A_182, %broadcast_in_dim3A_200] : memref<1600x16xf32, #tpu.memory_space<vmem>>[vector<16xi32>, vector<16xi32>], vector<16xf32>,
      %swap3A_202 = arith.constant 2 : i32
      %swap3A_203 = arith.index_cast %swap3A_202 : i32 to index
      %swap3A_204 = arith.index_cast %scan3A_99 : i32 to index
      %swap3A_205 = arith.constant 16 : index
      %swap3A_206 = tpu.vector_load %arg8[%swap3A_203, %swap3A_204, %swap3A_205] {strides = array<i32>} : memref<10x32x64xf32, #tpu.memory_space<vmem>>, vector<16xf32>,
      tpu.vector_store %arg8[%swap3A_203, %swap3A_204, %swap3A_205], %gather3A_201 {strides = array<i32>} : memref<10x32x64xf32, #tpu.memory_space<vmem>>, vector<16xf32>,
      %broadcast_in_dim3A_207 = arith.constant 3 : i32
      %broadcast_in_dim3A_208 = vector.broadcast %broadcast_in_dim3A_207 : i32 to vector<16xi32>
      %gather3A_209 = tpu.vector_load_idx %arg6[%add3A_182, %broadcast_in_dim3A_208] : memref<1600x16xf32, #tpu.memory_space<vmem>>[vector<16xi32>, vector<16xi32>], vector<16xf32>,
      %swap3A_210 = arith.constant 3 : i32
      %swap3A_211 = arith.index_cast %swap3A_210 : i32 to index
      %swap3A_212 = arith.index_cast %scan3A_99 : i32 to index
      %swap3A_213 = arith.constant 16 : index
      %swap3A_214 = tpu.vector_load %arg8[%swap3A_211, %swap3A_212, %swap3A_213] {strides = array<i32>} : memref<10x32x64xf32, #tpu.memory_space<vmem>>, vector<16xf32>,
      tpu.vector_store %arg8[%swap3A_211, %swap3A_212, %swap3A_213], %gather3A_209 {strides = array<i32>} : memref<10x32x64xf32, #tpu.memory_space<vmem>>, vector<16xf32>,
      %broadcast_in_dim3A_215 = arith.constant 4 : i32
      %broadcast_in_dim3A_216 = vector.broadcast %broadcast_in_dim3A_215 : i32 to vector<16xi32>
      %gather3A_217 = tpu.vector_load_idx %arg6[%add3A_182, %broadcast_in_dim3A_216] : memref<1600x16xf32, #tpu.memory_space<vmem>>[vector<16xi32>, vector<16xi32>], vector<16xf32>,
      %swap3A_218 = arith.constant 4 : i32
      %swap3A_219 = arith.index_cast %swap3A_218 : i32 to index
      %swap3A_220 = arith.index_cast %scan3A_99 : i32 to index
      %swap3A_221 = arith.constant 16 : index
      %swap3A_222 = tpu.vector_load %arg8[%swap3A_219, %swap3A_220, %swap3A_221] {strides = array<i32>} : memref<10x32x64xf32, #tpu.memory_space<vmem>>, vector<16xf32>,
      tpu.vector_store %arg8[%swap3A_219, %swap3A_220, %swap3A_221], %gather3A_217 {strides = array<i32>} : memref<10x32x64xf32, #tpu.memory_space<vmem>>, vector<16xf32>,
      %broadcast_in_dim3A_223 = arith.constant 5 : i32
      %broadcast_in_dim3A_224 = vector.broadcast %broadcast_in_dim3A_223 : i32 to vector<16xi32>
      %gather3A_225 = tpu.vector_load_idx %arg6[%add3A_182, %broadcast_in_dim3A_224] : memref<1600x16xf32, #tpu.memory_space<vmem>>[vector<16xi32>, vector<16xi32>], vector<16xf32>,
      %swap3A_226 = arith.constant 5 : i32
      %swap3A_227 = arith.index_cast %swap3A_226 : i32 to index
      %swap3A_228 = arith.index_cast %scan3A_99 : i32 to index
      %swap3A_229 = arith.constant 16 : index
      %swap3A_230 = tpu.vector_load %arg8[%swap3A_227, %swap3A_228, %swap3A_229] {strides = array<i32>} : memref<10x32x64xf32, #tpu.memory_space<vmem>>, vector<16xf32>,
      tpu.vector_store %arg8[%swap3A_227, %swap3A_228, %swap3A_229], %gather3A_225 {strides = array<i32>} : memref<10x32x64xf32, #tpu.memory_space<vmem>>, vector<16xf32>,
      %broadcast_in_dim3A_231 = arith.constant 6 : i32
      %broadcast_in_dim3A_232 = vector.broadcast %broadcast_in_dim3A_231 : i32 to vector<16xi32>
      %gather3A_233 = tpu.vector_load_idx %arg6[%add3A_182, %broadcast_in_dim3A_232] : memref<1600x16xf32, #tpu.memory_space<vmem>>[vector<16xi32>, vector<16xi32>], vector<16xf32>,
      %swap3A_234 = arith.constant 6 : i32
      %swap3A_235 = arith.index_cast %swap3A_234 : i32 to index
      %swap3A_236 = arith.index_cast %scan3A_99 : i32 to index
      %swap3A_237 = arith.constant 16 : index
      %swap3A_238 = tpu.vector_load %arg8[%swap3A_235, %swap3A_236, %swap3A_237] {strides = array<i32>} : memref<10x32x64xf32, #tpu.memory_space<vmem>>, vector<16xf32>,
      tpu.vector_store %arg8[%swap3A_235, %swap3A_236, %swap3A_237], %gather3A_233 {strides = array<i32>} : memref<10x32x64xf32, #tpu.memory_space<vmem>>, vector<16xf32>,
      %broadcast_in_dim3A_239 = arith.constant 7 : i32
      %broadcast_in_dim3A_240 = vector.broadcast %broadcast_in_dim3A_239 : i32 to vector<16xi32>
      %gather3A_241 = tpu.vector_load_idx %arg6[%add3A_182, %broadcast_in_dim3A_240] : memref<1600x16xf32, #tpu.memory_space<vmem>>[vector<16xi32>, vector<16xi32>], vector<16xf32>,
      %swap3A_242 = arith.constant 7 : i32
      %swap3A_243 = arith.index_cast %swap3A_242 : i32 to index
      %swap3A_244 = arith.index_cast %scan3A_99 : i32 to index
      %swap3A_245 = arith.constant 16 : index
      %swap3A_246 = tpu.vector_load %arg8[%swap3A_243, %swap3A_244, %swap3A_245] {strides = array<i32>} : memref<10x32x64xf32, #tpu.memory_space<vmem>>, vector<16xf32>,
      tpu.vector_store %arg8[%swap3A_243, %swap3A_244, %swap3A_245], %gather3A_241 {strides = array<i32>} : memref<10x32x64xf32, #tpu.memory_space<vmem>>, vector<16xf32>,
      %broadcast_in_dim3A_247 = arith.constant 8 : i32
      %broadcast_in_dim3A_248 = vector.broadcast %broadcast_in_dim3A_247 : i32 to vector<16xi32>
      %gather3A_249 = tpu.vector_load_idx %arg6[%add3A_182, %broadcast_in_dim3A_248] : memref<1600x16xf32, #tpu.memory_space<vmem>>[vector<16xi32>, vector<16xi32>], vector<16xf32>,
      %swap3A_250 = arith.constant 8 : i32
      %swap3A_251 = arith.index_cast %swap3A_250 : i32 to index
      %swap3A_252 = arith.index_cast %scan3A_99 : i32 to index
      %swap3A_253 = arith.constant 16 : index
      %swap3A_254 = tpu.vector_load %arg8[%swap3A_251, %swap3A_252, %swap3A_253] {strides = array<i32>} : memref<10x32x64xf32, #tpu.memory_space<vmem>>, vector<16xf32>,
      tpu.vector_store %arg8[%swap3A_251, %swap3A_252, %swap3A_253], %gather3A_249 {strides = array<i32>} : memref<10x32x64xf32, #tpu.memory_space<vmem>>, vector<16xf32>,
      %broadcast_in_dim3A_255 = arith.constant 9 : i32
      %broadcast_in_dim3A_256 = vector.broadcast %broadcast_in_dim3A_255 : i32 to vector<16xi32>
      %gather3A_257 = tpu.vector_load_idx %arg6[%add3A_182, %broadcast_in_dim3A_256] : memref<1600x16xf32, #tpu.memory_space<vmem>>[vector<16xi32>, vector<16xi32>], vector<16xf32>,
      %swap3A_258 = arith.constant 9 : i32
      %swap3A_259 = arith.index_cast %swap3A_258 : i32 to index
      %swap3A_260 = arith.index_cast %scan3A_99 : i32 to index
      %swap3A_261 = arith.constant 16 : index
      %swap3A_262 = tpu.vector_load %arg8[%swap3A_259, %swap3A_260, %swap3A_261] {strides = array<i32>} : memref<10x32x64xf32, #tpu.memory_space<vmem>>, vector<16xf32>,
      tpu.vector_store %arg8[%swap3A_259, %swap3A_260, %swap3A_261], %gather3A_257 {strides = array<i32>} : memref<10x32x64xf32, #tpu.memory_space<vmem>>, vector<16xf32>,
      %add3A_263 = vector.broadcast %mul3A_101 : i32 to vector<16xi32>
      %add3A_264 = arith.addi %add3A_263, %min3A_19 : vector<16xi32>
      %broadcast_in_dim3A_265 = arith.constant 0 : i32
      %broadcast_in_dim3A_266 = vector.broadcast %broadcast_in_dim3A_265 : i32 to vector<16xi32>
      %gather3A_267 = tpu.vector_load_idx %arg6[%add3A_264, %broadcast_in_dim3A_266] : memref<1600x16xf32, #tpu.memory_space<vmem>>[vector<16xi32>, vector<16xi32>], vector<16xf32>,
      %swap3A_268 = arith.constant 0 : i32
      %swap3A_269 = arith.index_cast %swap3A_268 : i32 to index
      %swap3A_270 = arith.index_cast %scan3A_99 : i32 to index
      %swap3A_271 = arith.constant 32 : index
      %swap3A_272 = tpu.vector_load %arg8[%swap3A_269, %swap3A_270, %swap3A_271] {strides = array<i32>} : memref<10x32x64xf32, #tpu.memory_space<vmem>>, vector<16xf32>,
      tpu.vector_store %arg8[%swap3A_269, %swap3A_270, %swap3A_271], %gather3A_267 {strides = array<i32>} : memref<10x32x64xf32, #tpu.memory_space<vmem>>, vector<16xf32>,
      %broadcast_in_dim3A_273 = arith.constant 1 : i32
      %broadcast_in_dim3A_274 = vector.broadcast %broadcast_in_dim3A_273 : i32 to vector<16xi32>
      %gather3A_275 = tpu.vector_load_idx %arg6[%add3A_264, %broadcast_in_dim3A_274] : memref<1600x16xf32, #tpu.memory_space<vmem>>[vector<16xi32>, vector<16xi32>], vector<16xf32>,
      %swap3A_276 = arith.constant 1 : i32
      %swap3A_277 = arith.index_cast %swap3A_276 : i32 to index
      %swap3A_278 = arith.index_cast %scan3A_99 : i32 to index
      %swap3A_279 = arith.constant 32 : index
      %swap3A_280 = tpu.vector_load %arg8[%swap3A_277, %swap3A_278, %swap3A_279] {strides = array<i32>} : memref<10x32x64xf32, #tpu.memory_space<vmem>>, vector<16xf32>,
      tpu.vector_store %arg8[%swap3A_277, %swap3A_278, %swap3A_279], %gather3A_275 {strides = array<i32>} : memref<10x32x64xf32, #tpu.memory_space<vmem>>, vector<16xf32>,
      %broadcast_in_dim3A_281 = arith.constant 2 : i32
      %broadcast_in_dim3A_282 = vector.broadcast %broadcast_in_dim3A_281 : i32 to vector<16xi32>
      %gather3A_283 = tpu.vector_load_idx %arg6[%add3A_264, %broadcast_in_dim3A_282] : memref<1600x16xf32, #tpu.memory_space<vmem>>[vector<16xi32>, vector<16xi32>], vector<16xf32>,
      %swap3A_284 = arith.constant 2 : i32
      %swap3A_285 = arith.index_cast %swap3A_284 : i32 to index
      %swap3A_286 = arith.index_cast %scan3A_99 : i32 to index
      %swap3A_287 = arith.constant 32 : index
      %swap3A_288 = tpu.vector_load %arg8[%swap3A_285, %swap3A_286, %swap3A_287] {strides = array<i32>} : memref<10x32x64xf32, #tpu.memory_space<vmem>>, vector<16xf32>,
      tpu.vector_store %arg8[%swap3A_285, %swap3A_286, %swap3A_287], %gather3A_283 {strides = array<i32>} : memref<10x32x64xf32, #tpu.memory_space<vmem>>, vector<16xf32>,
      %broadcast_in_dim3A_289 = arith.constant 3 : i32
      %broadcast_in_dim3A_290 = vector.broadcast %broadcast_in_dim3A_289 : i32 to vector<16xi32>
      %gather3A_291 = tpu.vector_load_idx %arg6[%add3A_264, %broadcast_in_dim3A_290] : memref<1600x16xf32, #tpu.memory_space<vmem>>[vector<16xi32>, vector<16xi32>], vector<16xf32>,
      %swap3A_292 = arith.constant 3 : i32
      %swap3A_293 = arith.index_cast %swap3A_292 : i32 to index
      %swap3A_294 = arith.index_cast %scan3A_99 : i32 to index
      %swap3A_295 = arith.constant 32 : index
      %swap3A_296 = tpu.vector_load %arg8[%swap3A_293, %swap3A_294, %swap3A_295] {strides = array<i32>} : memref<10x32x64xf32, #tpu.memory_space<vmem>>, vector<16xf32>,
      tpu.vector_store %arg8[%swap3A_293, %swap3A_294, %swap3A_295], %gather3A_291 {strides = array<i32>} : memref<10x32x64xf32, #tpu.memory_space<vmem>>, vector<16xf32>,
      %broadcast_in_dim3A_297 = arith.constant 4 : i32
      %broadcast_in_dim3A_298 = vector.broadcast %broadcast_in_dim3A_297 : i32 to vector<16xi32>
      %gather3A_299 = tpu.vector_load_idx %arg6[%add3A_264, %broadcast_in_dim3A_298] : memref<1600x16xf32, #tpu.memory_space<vmem>>[vector<16xi32>, vector<16xi32>], vector<16xf32>,
      %swap3A_300 = arith.constant 4 : i32
      %swap3A_301 = arith.index_cast %swap3A_300 : i32 to index
      %swap3A_302 = arith.index_cast %scan3A_99 : i32 to index
      %swap3A_303 = arith.constant 32 : index
      %swap3A_304 = tpu.vector_load %arg8[%swap3A_301, %swap3A_302, %swap3A_303] {strides = array<i32>} : memref<10x32x64xf32, #tpu.memory_space<vmem>>, vector<16xf32>,
      tpu.vector_store %arg8[%swap3A_301, %swap3A_302, %swap3A_303], %gather3A_299 {strides = array<i32>} : memref<10x32x64xf32, #tpu.memory_space<vmem>>, vector<16xf32>,
      %broadcast_in_dim3A_305 = arith.constant 5 : i32
      %broadcast_in_dim3A_306 = vector.broadcast %broadcast_in_dim3A_305 : i32 to vector<16xi32>
      %gather3A_307 = tpu.vector_load_idx %arg6[%add3A_264, %broadcast_in_dim3A_306] : memref<1600x16xf32, #tpu.memory_space<vmem>>[vector<16xi32>, vector<16xi32>], vector<16xf32>,
      %swap3A_308 = arith.constant 5 : i32
      %swap3A_309 = arith.index_cast %swap3A_308 : i32 to index
      %swap3A_310 = arith.index_cast %scan3A_99 : i32 to index
      %swap3A_311 = arith.constant 32 : index
      %swap3A_312 = tpu.vector_load %arg8[%swap3A_309, %swap3A_310, %swap3A_311] {strides = array<i32>} : memref<10x32x64xf32, #tpu.memory_space<vmem>>, vector<16xf32>,
      tpu.vector_store %arg8[%swap3A_309, %swap3A_310, %swap3A_311], %gather3A_307 {strides = array<i32>} : memref<10x32x64xf32, #tpu.memory_space<vmem>>, vector<16xf32>,
      %broadcast_in_dim3A_313 = arith.constant 6 : i32
      %broadcast_in_dim3A_314 = vector.broadcast %broadcast_in_dim3A_313 : i32 to vector<16xi32>
      %gather3A_315 = tpu.vector_load_idx %arg6[%add3A_264, %broadcast_in_dim3A_314] : memref<1600x16xf32, #tpu.memory_space<vmem>>[vector<16xi32>, vector<16xi32>], vector<16xf32>,
      %swap3A_316 = arith.constant 6 : i32
      %swap3A_317 = arith.index_cast %swap3A_316 : i32 to index
      %swap3A_318 = arith.index_cast %scan3A_99 : i32 to index
      %swap3A_319 = arith.constant 32 : index
      %swap3A_320 = tpu.vector_load %arg8[%swap3A_317, %swap3A_318, %swap3A_319] {strides = array<i32>} : memref<10x32x64xf32, #tpu.memory_space<vmem>>, vector<16xf32>,
      tpu.vector_store %arg8[%swap3A_317, %swap3A_318, %swap3A_319], %gather3A_315 {strides = array<i32>} : memref<10x32x64xf32, #tpu.memory_space<vmem>>, vector<16xf32>,
      %broadcast_in_dim3A_321 = arith.constant 7 : i32
      %broadcast_in_dim3A_322 = vector.broadcast %broadcast_in_dim3A_321 : i32 to vector<16xi32>
      %gather3A_323 = tpu.vector_load_idx %arg6[%add3A_264, %broadcast_in_dim3A_322] : memref<1600x16xf32, #tpu.memory_space<vmem>>[vector<16xi32>, vector<16xi32>], vector<16xf32>,
      %swap3A_324 = arith.constant 7 : i32
      %swap3A_325 = arith.index_cast %swap3A_324 : i32 to index
      %swap3A_326 = arith.index_cast %scan3A_99 : i32 to index
      %swap3A_327 = arith.constant 32 : index
      %swap3A_328 = tpu.vector_load %arg8[%swap3A_325, %swap3A_326, %swap3A_327] {strides = array<i32>} : memref<10x32x64xf32, #tpu.memory_space<vmem>>, vector<16xf32>,
      tpu.vector_store %arg8[%swap3A_325, %swap3A_326, %swap3A_327], %gather3A_323 {strides = array<i32>} : memref<10x32x64xf32, #tpu.memory_space<vmem>>, vector<16xf32>,
      %broadcast_in_dim3A_329 = arith.constant 8 : i32
      %broadcast_in_dim3A_330 = vector.broadcast %broadcast_in_dim3A_329 : i32 to vector<16xi32>
      %gather3A_331 = tpu.vector_load_idx %arg6[%add3A_264, %broadcast_in_dim3A_330] : memref<1600x16xf32, #tpu.memory_space<vmem>>[vector<16xi32>, vector<16xi32>], vector<16xf32>,
      %swap3A_332 = arith.constant 8 : i32
      %swap3A_333 = arith.index_cast %swap3A_332 : i32 to index
      %swap3A_334 = arith.index_cast %scan3A_99 : i32 to index
      %swap3A_335 = arith.constant 32 : index
      %swap3A_336 = tpu.vector_load %arg8[%swap3A_333, %swap3A_334, %swap3A_335] {strides = array<i32>} : memref<10x32x64xf32, #tpu.memory_space<vmem>>, vector<16xf32>,
      tpu.vector_store %arg8[%swap3A_333, %swap3A_334, %swap3A_335], %gather3A_331 {strides = array<i32>} : memref<10x32x64xf32, #tpu.memory_space<vmem>>, vector<16xf32>,
      %broadcast_in_dim3A_337 = arith.constant 9 : i32
      %broadcast_in_dim3A_338 = vector.broadcast %broadcast_in_dim3A_337 : i32 to vector<16xi32>
      %gather3A_339 = tpu.vector_load_idx %arg6[%add3A_264, %broadcast_in_dim3A_338] : memref<1600x16xf32, #tpu.memory_space<vmem>>[vector<16xi32>, vector<16xi32>], vector<16xf32>,
      %swap3A_340 = arith.constant 9 : i32
      %swap3A_341 = arith.index_cast %swap3A_340 : i32 to index
      %swap3A_342 = arith.index_cast %scan3A_99 : i32 to index
      %swap3A_343 = arith.constant 32 : index
      %swap3A_344 = tpu.vector_load %arg8[%swap3A_341, %swap3A_342, %swap3A_343] {strides = array<i32>} : memref<10x32x64xf32, #tpu.memory_space<vmem>>, vector<16xf32>,
      tpu.vector_store %arg8[%swap3A_341, %swap3A_342, %swap3A_343], %gather3A_339 {strides = array<i32>} : memref<10x32x64xf32, #tpu.memory_space<vmem>>, vector<16xf32>,
      %add3A_345 = vector.broadcast %mul3A_101 : i32 to vector<16xi32>
      %add3A_346 = arith.addi %add3A_345, %min3A_25 : vector<16xi32>
      %broadcast_in_dim3A_347 = arith.constant 0 : i32
      %broadcast_in_dim3A_348 = vector.broadcast %broadcast_in_dim3A_347 : i32 to vector<16xi32>
      %gather3A_349 = tpu.vector_load_idx %arg6[%add3A_346, %broadcast_in_dim3A_348] : memref<1600x16xf32, #tpu.memory_space<vmem>>[vector<16xi32>, vector<16xi32>], vector<16xf32>,
      %swap3A_350 = arith.constant 0 : i32
      %swap3A_351 = arith.index_cast %swap3A_350 : i32 to index
      %swap3A_352 = arith.index_cast %scan3A_99 : i32 to index
      %swap3A_353 = arith.constant 48 : index
      %swap3A_354 = tpu.vector_load %arg8[%swap3A_351, %swap3A_352, %swap3A_353] {strides = array<i32>} : memref<10x32x64xf32, #tpu.memory_space<vmem>>, vector<16xf32>,
      tpu.vector_store %arg8[%swap3A_351, %swap3A_352, %swap3A_353], %gather3A_349 {strides = array<i32>} : memref<10x32x64xf32, #tpu.memory_space<vmem>>, vector<16xf32>,
      %broadcast_in_dim3A_355 = arith.constant 1 : i32
      %broadcast_in_dim3A_356 = vector.broadcast %broadcast_in_dim3A_355 : i32 to vector<16xi32>
      %gather3A_357 = tpu.vector_load_idx %arg6[%add3A_346, %broadcast_in_dim3A_356] : memref<1600x16xf32, #tpu.memory_space<vmem>>[vector<16xi32>, vector<16xi32>], vector<16xf32>,
      %swap3A_358 = arith.constant 1 : i32
      %swap3A_359 = arith.index_cast %swap3A_358 : i32 to index
      %swap3A_360 = arith.index_cast %scan3A_99 : i32 to index
      %swap3A_361 = arith.constant 48 : index
      %swap3A_362 = tpu.vector_load %arg8[%swap3A_359, %swap3A_360, %swap3A_361] {strides = array<i32>} : memref<10x32x64xf32, #tpu.memory_space<vmem>>, vector<16xf32>,
      tpu.vector_store %arg8[%swap3A_359, %swap3A_360, %swap3A_361], %gather3A_357 {strides = array<i32>} : memref<10x32x64xf32, #tpu.memory_space<vmem>>, vector<16xf32>,
      %broadcast_in_dim3A_363 = arith.constant 2 : i32
      %broadcast_in_dim3A_364 = vector.broadcast %broadcast_in_dim3A_363 : i32 to vector<16xi32>
      %gather3A_365 = tpu.vector_load_idx %arg6[%add3A_346, %broadcast_in_dim3A_364] : memref<1600x16xf32, #tpu.memory_space<vmem>>[vector<16xi32>, vector<16xi32>], vector<16xf32>,
      %swap3A_366 = arith.constant 2 : i32
      %swap3A_367 = arith.index_cast %swap3A_366 : i32 to index
      %swap3A_368 = arith.index_cast %scan3A_99 : i32 to index
      %swap3A_369 = arith.constant 48 : index
      %swap3A_370 = tpu.vector_load %arg8[%swap3A_367, %swap3A_368, %swap3A_369] {strides = array<i32>} : memref<10x32x64xf32, #tpu.memory_space<vmem>>, vector<16xf32>,
      tpu.vector_store %arg8[%swap3A_367, %swap3A_368, %swap3A_369], %gather3A_365 {strides = array<i32>} : memref<10x32x64xf32, #tpu.memory_space<vmem>>, vector<16xf32>,
      %broadcast_in_dim3A_371 = arith.constant 3 : i32
      %broadcast_in_dim3A_372 = vector.broadcast %broadcast_in_dim3A_371 : i32 to vector<16xi32>
      %gather3A_373 = tpu.vector_load_idx %arg6[%add3A_346, %broadcast_in_dim3A_372] : memref<1600x16xf32, #tpu.memory_space<vmem>>[vector<16xi32>, vector<16xi32>], vector<16xf32>,
      %swap3A_374 = arith.constant 3 : i32
      %swap3A_375 = arith.index_cast %swap3A_374 : i32 to index
      %swap3A_376 = arith.index_cast %scan3A_99 : i32 to index
      %swap3A_377 = arith.constant 48 : index
      %swap3A_378 = tpu.vector_load %arg8[%swap3A_375, %swap3A_376, %swap3A_377] {strides = array<i32>} : memref<10x32x64xf32, #tpu.memory_space<vmem>>, vector<16xf32>,
      tpu.vector_store %arg8[%swap3A_375, %swap3A_376, %swap3A_377], %gather3A_373 {strides = array<i32>} : memref<10x32x64xf32, #tpu.memory_space<vmem>>, vector<16xf32>,
      %broadcast_in_dim3A_379 = arith.constant 4 : i32
      %broadcast_in_dim3A_380 = vector.broadcast %broadcast_in_dim3A_379 : i32 to vector<16xi32>
      %gather3A_381 = tpu.vector_load_idx %arg6[%add3A_346, %broadcast_in_dim3A_380] : memref<1600x16xf32, #tpu.memory_space<vmem>>[vector<16xi32>, vector<16xi32>], vector<16xf32>,
      %swap3A_382 = arith.constant 4 : i32
      %swap3A_383 = arith.index_cast %swap3A_382 : i32 to index
      %swap3A_384 = arith.index_cast %scan3A_99 : i32 to index
      %swap3A_385 = arith.constant 48 : index
      %swap3A_386 = tpu.vector_load %arg8[%swap3A_383, %swap3A_384, %swap3A_385] {strides = array<i32>} : memref<10x32x64xf32, #tpu.memory_space<vmem>>, vector<16xf32>,
      tpu.vector_store %arg8[%swap3A_383, %swap3A_384, %swap3A_385], %gather3A_381 {strides = array<i32>} : memref<10x32x64xf32, #tpu.memory_space<vmem>>, vector<16xf32>,
      %broadcast_in_dim3A_387 = arith.constant 5 : i32
      %broadcast_in_dim3A_388 = vector.broadcast %broadcast_in_dim3A_387 : i32 to vector<16xi32>
      %gather3A_389 = tpu.vector_load_idx %arg6[%add3A_346, %broadcast_in_dim3A_388] : memref<1600x16xf32, #tpu.memory_space<vmem>>[vector<16xi32>, vector<16xi32>], vector<16xf32>,
      %swap3A_390 = arith.constant 5 : i32
      %swap3A_391 = arith.index_cast %swap3A_390 : i32 to index
      %swap3A_392 = arith.index_cast %scan3A_99 : i32 to index
      %swap3A_393 = arith.constant 48 : index
      %swap3A_394 = tpu.vector_load %arg8[%swap3A_391, %swap3A_392, %swap3A_393] {strides = array<i32>} : memref<10x32x64xf32, #tpu.memory_space<vmem>>, vector<16xf32>,
      tpu.vector_store %arg8[%swap3A_391, %swap3A_392, %swap3A_393], %gather3A_389 {strides = array<i32>} : memref<10x32x64xf32, #tpu.memory_space<vmem>>, vector<16xf32>,
      %broadcast_in_dim3A_395 = arith.constant 6 : i32
      %broadcast_in_dim3A_396 = vector.broadcast %broadcast_in_dim3A_395 : i32 to vector<16xi32>
      %gather3A_397 = tpu.vector_load_idx %arg6[%add3A_346, %broadcast_in_dim3A_396] : memref<1600x16xf32, #tpu.memory_space<vmem>>[vector<16xi32>, vector<16xi32>], vector<16xf32>,
      %swap3A_398 = arith.constant 6 : i32
      %swap3A_399 = arith.index_cast %swap3A_398 : i32 to index
      %swap3A_400 = arith.index_cast %scan3A_99 : i32 to index
      %swap3A_401 = arith.constant 48 : index
      %swap3A_402 = tpu.vector_load %arg8[%swap3A_399, %swap3A_400, %swap3A_401] {strides = array<i32>} : memref<10x32x64xf32, #tpu.memory_space<vmem>>, vector<16xf32>,
      tpu.vector_store %arg8[%swap3A_399, %swap3A_400, %swap3A_401], %gather3A_397 {strides = array<i32>} : memref<10x32x64xf32, #tpu.memory_space<vmem>>, vector<16xf32>,
      %broadcast_in_dim3A_403 = arith.constant 7 : i32
      %broadcast_in_dim3A_404 = vector.broadcast %broadcast_in_dim3A_403 : i32 to vector<16xi32>
      %gather3A_405 = tpu.vector_load_idx %arg6[%add3A_346, %broadcast_in_dim3A_404] : memref<1600x16xf32, #tpu.memory_space<vmem>>[vector<16xi32>, vector<16xi32>], vector<16xf32>,
      %swap3A_406 = arith.constant 7 : i32
      %swap3A_407 = arith.index_cast %swap3A_406 : i32 to index
      %swap3A_408 = arith.index_cast %scan3A_99 : i32 to index
      %swap3A_409 = arith.constant 48 : index
      %swap3A_410 = tpu.vector_load %arg8[%swap3A_407, %swap3A_408, %swap3A_409] {strides = array<i32>} : memref<10x32x64xf32, #tpu.memory_space<vmem>>, vector<16xf32>,
      tpu.vector_store %arg8[%swap3A_407, %swap3A_408, %swap3A_409], %gather3A_405 {strides = array<i32>} : memref<10x32x64xf32, #tpu.memory_space<vmem>>, vector<16xf32>,
      %broadcast_in_dim3A_411 = arith.constant 8 : i32
      %broadcast_in_dim3A_412 = vector.broadcast %broadcast_in_dim3A_411 : i32 to vector<16xi32>
      %gather3A_413 = tpu.vector_load_idx %arg6[%add3A_346, %broadcast_in_dim3A_412] : memref<1600x16xf32, #tpu.memory_space<vmem>>[vector<16xi32>, vector<16xi32>], vector<16xf32>,
      %swap3A_414 = arith.constant 8 : i32
      %swap3A_415 = arith.index_cast %swap3A_414 : i32 to index
      %swap3A_416 = arith.index_cast %scan3A_99 : i32 to index
      %swap3A_417 = arith.constant 48 : index
      %swap3A_418 = tpu.vector_load %arg8[%swap3A_415, %swap3A_416, %swap3A_417] {strides = array<i32>} : memref<10x32x64xf32, #tpu.memory_space<vmem>>, vector<16xf32>,
      tpu.vector_store %arg8[%swap3A_415, %swap3A_416, %swap3A_417], %gather3A_413 {strides = array<i32>} : memref<10x32x64xf32, #tpu.memory_space<vmem>>, vector<16xf32>,
      %broadcast_in_dim3A_419 = arith.constant 9 : i32
      %broadcast_in_dim3A_420 = vector.broadcast %broadcast_in_dim3A_419 : i32 to vector<16xi32>
      %gather3A_421 = tpu.vector_load_idx %arg6[%add3A_346, %broadcast_in_dim3A_420] : memref<1600x16xf32, #tpu.memory_space<vmem>>[vector<16xi32>, vector<16xi32>], vector<16xf32>,
      %swap3A_422 = arith.constant 9 : i32
      %swap3A_423 = arith.index_cast %swap3A_422 : i32 to index
      %swap3A_424 = arith.index_cast %scan3A_99 : i32 to index
      %swap3A_425 = arith.constant 48 : index
      %swap3A_426 = tpu.vector_load %arg8[%swap3A_423, %swap3A_424, %swap3A_425] {strides = array<i32>} : memref<10x32x64xf32, #tpu.memory_space<vmem>>, vector<16xf32>,
      tpu.vector_store %arg8[%swap3A_423, %swap3A_424, %swap3A_425], %gather3A_421 {strides = array<i32>} : memref<10x32x64xf32, #tpu.memory_space<vmem>>, vector<16xf32>,
    }
    %scan3A_82 = arith.constant 32 : i32
    %add3A_83 = arith.constant 64 : i32
    %add3A_84 = arith.addi %mul3A_2, %add3A_83 : i32
    "tpu.region"() ({
      %run_scoped3A = tpu.sem_alloc : memref<!tpu.dma_semaphore, #tpu.memory_space<semaphore_mem>>
      %dma_start3A_99 = arith.constant 0 : i32
      %dma_start3A_100 = arith.constant 0 : i32
      %dma_start3A_101 = tpu.memref_slice %arg4[%dma_start3A_99, %add3A_84, %dma_start3A_100] : memref<10x4096x64xf32, #tpu.memory_space<hbm>> -> memref<10x32x64xf32, #tpu.memory_space<hbm>>
      %dma_start3A_102 = arith.constant 0 : i32
      %dma_start3A_103 = arith.constant 0 : i32
      %dma_start3A_104 = tpu.memref_slice %arg4[%dma_start3A_102, %add3A_84, %dma_start3A_103] : memref<10x4096x64xf32, #tpu.memory_space<hbm>> -> memref<10x32x64xf32, #tpu.memory_space<hbm>>
      tpu.enqueue_dma source(%arg8 : memref<10x32x64xf32, #tpu.memory_space<vmem>>) target(%dma_start3A_104 : memref<10x32x64xf32, #tpu.memory_space<hbm>>) target_semaphore(%run_scoped3A : memref<!tpu.dma_semaphore, #tpu.memory_space<semaphore_mem>>)
      %dma_wait3A_105 = arith.constant 0 : i32
      %dma_wait3A_106 = arith.constant 0 : i32
      %dma_wait3A_107 = tpu.memref_slice %arg4[%dma_wait3A_105, %add3A_84, %dma_wait3A_106] : memref<10x4096x64xf32, #tpu.memory_space<hbm>> -> memref<10x32x64xf32, #tpu.memory_space<hbm>>
      %dma_wait3A_108 = arith.constant 0 : i32
      %dma_wait3A_109 = arith.constant 0 : i32
      %dma_wait3A_110 = tpu.memref_slice %arg4[%dma_wait3A_108, %add3A_84, %dma_wait3A_109] : memref<10x4096x64xf32, #tpu.memory_space<hbm>> -> memref<10x32x64xf32, #tpu.memory_space<hbm>>
      tpu.wait_dma2 semaphore(%run_scoped3A : memref<!tpu.dma_semaphore, #tpu.memory_space<semaphore_mem>>) src(%arg8 : memref<10x32x64xf32, #tpu.memory_space<vmem>>) dst(%dma_wait3A_110 : memref<10x32x64xf32, #tpu.memory_space<hbm>>)
      tpu.yield
    }) : () -> ()
    %dma_wait3A_85 = arith.constant 0 : i32
    %dma_wait3A_86 = arith.constant 0 : i32
    %dma_wait3A_87 = tpu.memref_slice %arg3[%dma_wait3A_85, %dma_wait3A_86] : memref<100000x16xf32, #tpu.memory_space<hbm>> -> memref<1600x16xf32, #tpu.memory_space<hbm>>
    %dma_wait3A_88 = arith.constant 0 : i32
    %dma_wait3A_89 = arith.constant 0 : i32
    %dma_wait3A_90 = tpu.memref_slice %arg3[%dma_wait3A_88, %dma_wait3A_89] : memref<100000x16xf32, #tpu.memory_space<hbm>> -> memref<1600x16xf32, #tpu.memory_space<hbm>>
    tpu.wait_dma2 semaphore(%arg10 : memref<!tpu.dma_semaphore, #tpu.memory_space<semaphore_mem>>) src(%dma_wait3A_90 : memref<1600x16xf32, #tpu.memory_space<hbm>>) dst(%arg7 : memref<1600x16xf32, #tpu.memory_space<vmem>>)
    %scan3A_91 = arith.constant 0 : i32
    %scan3A_92 = arith.constant 0 : i32
    %scan3A_93 = arith.constant 32 : i32
    %scan3A_94 = arith.addi %scan3A_92, %scan3A_93 : i32
    %scan3A_95 = arith.constant 1 : i32
    scf.for %scan3A_99 = %scan3A_92 to %scan3A_94 step %scan3A_95  : i32 {
      %mul3A_100 = arith.constant 50 : i32
      %mul3A_101 = arith.muli %scan3A_99, %mul3A_100 : i32
      %add3A_102 = vector.broadcast %mul3A_101 : i32 to vector<16xi32>
      %add3A_103 = arith.addi %add3A_102, %min3A_7 : vector<16xi32>
      %broadcast_in_dim3A = arith.constant 0 : i32
      %broadcast_in_dim3A_104 = vector.broadcast %broadcast_in_dim3A : i32 to vector<16xi32>
      %gather3A = tpu.vector_load_idx %arg7[%add3A_103, %broadcast_in_dim3A_104] : memref<1600x16xf32, #tpu.memory_space<vmem>>[vector<16xi32>, vector<16xi32>], vector<16xf32>,
      %swap3A = arith.constant 0 : i32
      %swap3A_105 = arith.index_cast %swap3A : i32 to index
      %swap3A_106 = arith.index_cast %scan3A_99 : i32 to index
      %swap3A_107 = arith.constant 0 : index
      %swap3A_108 = tpu.vector_load %arg8[%swap3A_105, %swap3A_106, %swap3A_107] {strides = array<i32>} : memref<10x32x64xf32, #tpu.memory_space<vmem>>, vector<16xf32>,
      tpu.vector_store %arg8[%swap3A_105, %swap3A_106, %swap3A_107], %gather3A {strides = array<i32>} : memref<10x32x64xf32, #tpu.memory_space<vmem>>, vector<16xf32>,
      %broadcast_in_dim3A_109 = arith.constant 1 : i32
      %broadcast_in_dim3A_110 = vector.broadcast %broadcast_in_dim3A_109 : i32 to vector<16xi32>
      %gather3A_111 = tpu.vector_load_idx %arg7[%add3A_103, %broadcast_in_dim3A_110] : memref<1600x16xf32, #tpu.memory_space<vmem>>[vector<16xi32>, vector<16xi32>], vector<16xf32>,
      %swap3A_112 = arith.constant 1 : i32
      %swap3A_113 = arith.index_cast %swap3A_112 : i32 to index
      %swap3A_114 = arith.index_cast %scan3A_99 : i32 to index
      %swap3A_115 = arith.constant 0 : index
      %swap3A_116 = tpu.vector_load %arg8[%swap3A_113, %swap3A_114, %swap3A_115] {strides = array<i32>} : memref<10x32x64xf32, #tpu.memory_space<vmem>>, vector<16xf32>,
      tpu.vector_store %arg8[%swap3A_113, %swap3A_114, %swap3A_115], %gather3A_111 {strides = array<i32>} : memref<10x32x64xf32, #tpu.memory_space<vmem>>, vector<16xf32>,
      %broadcast_in_dim3A_117 = arith.constant 2 : i32
      %broadcast_in_dim3A_118 = vector.broadcast %broadcast_in_dim3A_117 : i32 to vector<16xi32>
      %gather3A_119 = tpu.vector_load_idx %arg7[%add3A_103, %broadcast_in_dim3A_118] : memref<1600x16xf32, #tpu.memory_space<vmem>>[vector<16xi32>, vector<16xi32>], vector<16xf32>,
      %swap3A_120 = arith.constant 2 : i32
      %swap3A_121 = arith.index_cast %swap3A_120 : i32 to index
      %swap3A_122 = arith.index_cast %scan3A_99 : i32 to index
      %swap3A_123 = arith.constant 0 : index
      %swap3A_124 = tpu.vector_load %arg8[%swap3A_121, %swap3A_122, %swap3A_123] {strides = array<i32>} : memref<10x32x64xf32, #tpu.memory_space<vmem>>, vector<16xf32>,
      tpu.vector_store %arg8[%swap3A_121, %swap3A_122, %swap3A_123], %gather3A_119 {strides = array<i32>} : memref<10x32x64xf32, #tpu.memory_space<vmem>>, vector<16xf32>,
      %broadcast_in_dim3A_125 = arith.constant 3 : i32
      %broadcast_in_dim3A_126 = vector.broadcast %broadcast_in_dim3A_125 : i32 to vector<16xi32>
      %gather3A_127 = tpu.vector_load_idx %arg7[%add3A_103, %broadcast_in_dim3A_126] : memref<1600x16xf32, #tpu.memory_space<vmem>>[vector<16xi32>, vector<16xi32>], vector<16xf32>,
      %swap3A_128 = arith.constant 3 : i32
      %swap3A_129 = arith.index_cast %swap3A_128 : i32 to index
      %swap3A_130 = arith.index_cast %scan3A_99 : i32 to index
      %swap3A_131 = arith.constant 0 : index
      %swap3A_132 = tpu.vector_load %arg8[%swap3A_129, %swap3A_130, %swap3A_131] {strides = array<i32>} : memref<10x32x64xf32, #tpu.memory_space<vmem>>, vector<16xf32>,
      tpu.vector_store %arg8[%swap3A_129, %swap3A_130, %swap3A_131], %gather3A_127 {strides = array<i32>} : memref<10x32x64xf32, #tpu.memory_space<vmem>>, vector<16xf32>,
      %broadcast_in_dim3A_133 = arith.constant 4 : i32
      %broadcast_in_dim3A_134 = vector.broadcast %broadcast_in_dim3A_133 : i32 to vector<16xi32>
      %gather3A_135 = tpu.vector_load_idx %arg7[%add3A_103, %broadcast_in_dim3A_134] : memref<1600x16xf32, #tpu.memory_space<vmem>>[vector<16xi32>, vector<16xi32>], vector<16xf32>,
      %swap3A_136 = arith.constant 4 : i32
      %swap3A_137 = arith.index_cast %swap3A_136 : i32 to index
      %swap3A_138 = arith.index_cast %scan3A_99 : i32 to index
      %swap3A_139 = arith.constant 0 : index
      %swap3A_140 = tpu.vector_load %arg8[%swap3A_137, %swap3A_138, %swap3A_139] {strides = array<i32>} : memref<10x32x64xf32, #tpu.memory_space<vmem>>, vector<16xf32>,
      tpu.vector_store %arg8[%swap3A_137, %swap3A_138, %swap3A_139], %gather3A_135 {strides = array<i32>} : memref<10x32x64xf32, #tpu.memory_space<vmem>>, vector<16xf32>,
      %broadcast_in_dim3A_141 = arith.constant 5 : i32
      %broadcast_in_dim3A_142 = vector.broadcast %broadcast_in_dim3A_141 : i32 to vector<16xi32>
      %gather3A_143 = tpu.vector_load_idx %arg7[%add3A_103, %broadcast_in_dim3A_142] : memref<1600x16xf32, #tpu.memory_space<vmem>>[vector<16xi32>, vector<16xi32>], vector<16xf32>,
      %swap3A_144 = arith.constant 5 : i32
      %swap3A_145 = arith.index_cast %swap3A_144 : i32 to index
      %swap3A_146 = arith.index_cast %scan3A_99 : i32 to index
      %swap3A_147 = arith.constant 0 : index
      %swap3A_148 = tpu.vector_load %arg8[%swap3A_145, %swap3A_146, %swap3A_147] {strides = array<i32>} : memref<10x32x64xf32, #tpu.memory_space<vmem>>, vector<16xf32>,
      tpu.vector_store %arg8[%swap3A_145, %swap3A_146, %swap3A_147], %gather3A_143 {strides = array<i32>} : memref<10x32x64xf32, #tpu.memory_space<vmem>>, vector<16xf32>,
      %broadcast_in_dim3A_149 = arith.constant 6 : i32
      %broadcast_in_dim3A_150 = vector.broadcast %broadcast_in_dim3A_149 : i32 to vector<16xi32>
      %gather3A_151 = tpu.vector_load_idx %arg7[%add3A_103, %broadcast_in_dim3A_150] : memref<1600x16xf32, #tpu.memory_space<vmem>>[vector<16xi32>, vector<16xi32>], vector<16xf32>,
      %swap3A_152 = arith.constant 6 : i32
      %swap3A_153 = arith.index_cast %swap3A_152 : i32 to index
      %swap3A_154 = arith.index_cast %scan3A_99 : i32 to index
      %swap3A_155 = arith.constant 0 : index
      %swap3A_156 = tpu.vector_load %arg8[%swap3A_153, %swap3A_154, %swap3A_155] {strides = array<i32>} : memref<10x32x64xf32, #tpu.memory_space<vmem>>, vector<16xf32>,
      tpu.vector_store %arg8[%swap3A_153, %swap3A_154, %swap3A_155], %gather3A_151 {strides = array<i32>} : memref<10x32x64xf32, #tpu.memory_space<vmem>>, vector<16xf32>,
      %broadcast_in_dim3A_157 = arith.constant 7 : i32
      %broadcast_in_dim3A_158 = vector.broadcast %broadcast_in_dim3A_157 : i32 to vector<16xi32>
      %gather3A_159 = tpu.vector_load_idx %arg7[%add3A_103, %broadcast_in_dim3A_158] : memref<1600x16xf32, #tpu.memory_space<vmem>>[vector<16xi32>, vector<16xi32>], vector<16xf32>,
      %swap3A_160 = arith.constant 7 : i32
      %swap3A_161 = arith.index_cast %swap3A_160 : i32 to index
      %swap3A_162 = arith.index_cast %scan3A_99 : i32 to index
      %swap3A_163 = arith.constant 0 : index
      %swap3A_164 = tpu.vector_load %arg8[%swap3A_161, %swap3A_162, %swap3A_163] {strides = array<i32>} : memref<10x32x64xf32, #tpu.memory_space<vmem>>, vector<16xf32>,
      tpu.vector_store %arg8[%swap3A_161, %swap3A_162, %swap3A_163], %gather3A_159 {strides = array<i32>} : memref<10x32x64xf32, #tpu.memory_space<vmem>>, vector<16xf32>,
      %broadcast_in_dim3A_165 = arith.constant 8 : i32
      %broadcast_in_dim3A_166 = vector.broadcast %broadcast_in_dim3A_165 : i32 to vector<16xi32>
      %gather3A_167 = tpu.vector_load_idx %arg7[%add3A_103, %broadcast_in_dim3A_166] : memref<1600x16xf32, #tpu.memory_space<vmem>>[vector<16xi32>, vector<16xi32>], vector<16xf32>,
      %swap3A_168 = arith.constant 8 : i32
      %swap3A_169 = arith.index_cast %swap3A_168 : i32 to index
      %swap3A_170 = arith.index_cast %scan3A_99 : i32 to index
      %swap3A_171 = arith.constant 0 : index
      %swap3A_172 = tpu.vector_load %arg8[%swap3A_169, %swap3A_170, %swap3A_171] {strides = array<i32>} : memref<10x32x64xf32, #tpu.memory_space<vmem>>, vector<16xf32>,
      tpu.vector_store %arg8[%swap3A_169, %swap3A_170, %swap3A_171], %gather3A_167 {strides = array<i32>} : memref<10x32x64xf32, #tpu.memory_space<vmem>>, vector<16xf32>,
      %broadcast_in_dim3A_173 = arith.constant 9 : i32
      %broadcast_in_dim3A_174 = vector.broadcast %broadcast_in_dim3A_173 : i32 to vector<16xi32>
      %gather3A_175 = tpu.vector_load_idx %arg7[%add3A_103, %broadcast_in_dim3A_174] : memref<1600x16xf32, #tpu.memory_space<vmem>>[vector<16xi32>, vector<16xi32>], vector<16xf32>,
      %swap3A_176 = arith.constant 9 : i32
      %swap3A_177 = arith.index_cast %swap3A_176 : i32 to index
      %swap3A_178 = arith.index_cast %scan3A_99 : i32 to index
      %swap3A_179 = arith.constant 0 : index
      %swap3A_180 = tpu.vector_load %arg8[%swap3A_177, %swap3A_178, %swap3A_179] {strides = array<i32>} : memref<10x32x64xf32, #tpu.memory_space<vmem>>, vector<16xf32>,
      tpu.vector_store %arg8[%swap3A_177, %swap3A_178, %swap3A_179], %gather3A_175 {strides = array<i32>} : memref<10x32x64xf32, #tpu.memory_space<vmem>>, vector<16xf32>,
      %add3A_181 = vector.broadcast %mul3A_101 : i32 to vector<16xi32>
      %add3A_182 = arith.addi %add3A_181, %min3A_13 : vector<16xi32>
      %broadcast_in_dim3A_183 = arith.constant 0 : i32
      %broadcast_in_dim3A_184 = vector.broadcast %broadcast_in_dim3A_183 : i32 to vector<16xi32>
      %gather3A_185 = tpu.vector_load_idx %arg7[%add3A_182, %broadcast_in_dim3A_184] : memref<1600x16xf32, #tpu.memory_space<vmem>>[vector<16xi32>, vector<16xi32>], vector<16xf32>,
      %swap3A_186 = arith.constant 0 : i32
      %swap3A_187 = arith.index_cast %swap3A_186 : i32 to index
      %swap3A_188 = arith.index_cast %scan3A_99 : i32 to index
      %swap3A_189 = arith.constant 16 : index
      %swap3A_190 = tpu.vector_load %arg8[%swap3A_187, %swap3A_188, %swap3A_189] {strides = array<i32>} : memref<10x32x64xf32, #tpu.memory_space<vmem>>, vector<16xf32>,
      tpu.vector_store %arg8[%swap3A_187, %swap3A_188, %swap3A_189], %gather3A_185 {strides = array<i32>} : memref<10x32x64xf32, #tpu.memory_space<vmem>>, vector<16xf32>,
      %broadcast_in_dim3A_191 = arith.constant 1 : i32
      %broadcast_in_dim3A_192 = vector.broadcast %broadcast_in_dim3A_191 : i32 to vector<16xi32>
      %gather3A_193 = tpu.vector_load_idx %arg7[%add3A_182, %broadcast_in_dim3A_192] : memref<1600x16xf32, #tpu.memory_space<vmem>>[vector<16xi32>, vector<16xi32>], vector<16xf32>,
      %swap3A_194 = arith.constant 1 : i32
      %swap3A_195 = arith.index_cast %swap3A_194 : i32 to index
      %swap3A_196 = arith.index_cast %scan3A_99 : i32 to index
      %swap3A_197 = arith.constant 16 : index
      %swap3A_198 = tpu.vector_load %arg8[%swap3A_195, %swap3A_196, %swap3A_197] {strides = array<i32>} : memref<10x32x64xf32, #tpu.memory_space<vmem>>, vector<16xf32>,
      tpu.vector_store %arg8[%swap3A_195, %swap3A_196, %swap3A_197], %gather3A_193 {strides = array<i32>} : memref<10x32x64xf32, #tpu.memory_space<vmem>>, vector<16xf32>,
      %broadcast_in_dim3A_199 = arith.constant 2 : i32
      %broadcast_in_dim3A_200 = vector.broadcast %broadcast_in_dim3A_199 : i32 to vector<16xi32>
      %gather3A_201 = tpu.vector_load_idx %arg7[%add3A_182, %broadcast_in_dim3A_200] : memref<1600x16xf32, #tpu.memory_space<vmem>>[vector<16xi32>, vector<16xi32>], vector<16xf32>,
      %swap3A_202 = arith.constant 2 : i32
      %swap3A_203 = arith.index_cast %swap3A_202 : i32 to index
      %swap3A_204 = arith.index_cast %scan3A_99 : i32 to index
      %swap3A_205 = arith.constant 16 : index
      %swap3A_206 = tpu.vector_load %arg8[%swap3A_203, %swap3A_204, %swap3A_205] {strides = array<i32>} : memref<10x32x64xf32, #tpu.memory_space<vmem>>, vector<16xf32>,
      tpu.vector_store %arg8[%swap3A_203, %swap3A_204, %swap3A_205], %gather3A_201 {strides = array<i32>} : memref<10x32x64xf32, #tpu.memory_space<vmem>>, vector<16xf32>,
      %broadcast_in_dim3A_207 = arith.constant 3 : i32
      %broadcast_in_dim3A_208 = vector.broadcast %broadcast_in_dim3A_207 : i32 to vector<16xi32>
      %gather3A_209 = tpu.vector_load_idx %arg7[%add3A_182, %broadcast_in_dim3A_208] : memref<1600x16xf32, #tpu.memory_space<vmem>>[vector<16xi32>, vector<16xi32>], vector<16xf32>,
      %swap3A_210 = arith.constant 3 : i32
      %swap3A_211 = arith.index_cast %swap3A_210 : i32 to index
      %swap3A_212 = arith.index_cast %scan3A_99 : i32 to index
      %swap3A_213 = arith.constant 16 : index
      %swap3A_214 = tpu.vector_load %arg8[%swap3A_211, %swap3A_212, %swap3A_213] {strides = array<i32>} : memref<10x32x64xf32, #tpu.memory_space<vmem>>, vector<16xf32>,
      tpu.vector_store %arg8[%swap3A_211, %swap3A_212, %swap3A_213], %gather3A_209 {strides = array<i32>} : memref<10x32x64xf32, #tpu.memory_space<vmem>>, vector<16xf32>,
      %broadcast_in_dim3A_215 = arith.constant 4 : i32
      %broadcast_in_dim3A_216 = vector.broadcast %broadcast_in_dim3A_215 : i32 to vector<16xi32>
      %gather3A_217 = tpu.vector_load_idx %arg7[%add3A_182, %broadcast_in_dim3A_216] : memref<1600x16xf32, #tpu.memory_space<vmem>>[vector<16xi32>, vector<16xi32>], vector<16xf32>,
      %swap3A_218 = arith.constant 4 : i32
      %swap3A_219 = arith.index_cast %swap3A_218 : i32 to index
      %swap3A_220 = arith.index_cast %scan3A_99 : i32 to index
      %swap3A_221 = arith.constant 16 : index
      %swap3A_222 = tpu.vector_load %arg8[%swap3A_219, %swap3A_220, %swap3A_221] {strides = array<i32>} : memref<10x32x64xf32, #tpu.memory_space<vmem>>, vector<16xf32>,
      tpu.vector_store %arg8[%swap3A_219, %swap3A_220, %swap3A_221], %gather3A_217 {strides = array<i32>} : memref<10x32x64xf32, #tpu.memory_space<vmem>>, vector<16xf32>,
      %broadcast_in_dim3A_223 = arith.constant 5 : i32
      %broadcast_in_dim3A_224 = vector.broadcast %broadcast_in_dim3A_223 : i32 to vector<16xi32>
      %gather3A_225 = tpu.vector_load_idx %arg7[%add3A_182, %broadcast_in_dim3A_224] : memref<1600x16xf32, #tpu.memory_space<vmem>>[vector<16xi32>, vector<16xi32>], vector<16xf32>,
      %swap3A_226 = arith.constant 5 : i32
      %swap3A_227 = arith.index_cast %swap3A_226 : i32 to index
      %swap3A_228 = arith.index_cast %scan3A_99 : i32 to index
      %swap3A_229 = arith.constant 16 : index
      %swap3A_230 = tpu.vector_load %arg8[%swap3A_227, %swap3A_228, %swap3A_229] {strides = array<i32>} : memref<10x32x64xf32, #tpu.memory_space<vmem>>, vector<16xf32>,
      tpu.vector_store %arg8[%swap3A_227, %swap3A_228, %swap3A_229], %gather3A_225 {strides = array<i32>} : memref<10x32x64xf32, #tpu.memory_space<vmem>>, vector<16xf32>,
      %broadcast_in_dim3A_231 = arith.constant 6 : i32
      %broadcast_in_dim3A_232 = vector.broadcast %broadcast_in_dim3A_231 : i32 to vector<16xi32>
      %gather3A_233 = tpu.vector_load_idx %arg7[%add3A_182, %broadcast_in_dim3A_232] : memref<1600x16xf32, #tpu.memory_space<vmem>>[vector<16xi32>, vector<16xi32>], vector<16xf32>,
      %swap3A_234 = arith.constant 6 : i32
      %swap3A_235 = arith.index_cast %swap3A_234 : i32 to index
      %swap3A_236 = arith.index_cast %scan3A_99 : i32 to index
      %swap3A_237 = arith.constant 16 : index
      %swap3A_238 = tpu.vector_load %arg8[%swap3A_235, %swap3A_236, %swap3A_237] {strides = array<i32>} : memref<10x32x64xf32, #tpu.memory_space<vmem>>, vector<16xf32>,
      tpu.vector_store %arg8[%swap3A_235, %swap3A_236, %swap3A_237], %gather3A_233 {strides = array<i32>} : memref<10x32x64xf32, #tpu.memory_space<vmem>>, vector<16xf32>,
      %broadcast_in_dim3A_239 = arith.constant 7 : i32
      %broadcast_in_dim3A_240 = vector.broadcast %broadcast_in_dim3A_239 : i32 to vector<16xi32>
      %gather3A_241 = tpu.vector_load_idx %arg7[%add3A_182, %broadcast_in_dim3A_240] : memref<1600x16xf32, #tpu.memory_space<vmem>>[vector<16xi32>, vector<16xi32>], vector<16xf32>,
      %swap3A_242 = arith.constant 7 : i32
      %swap3A_243 = arith.index_cast %swap3A_242 : i32 to index
      %swap3A_244 = arith.index_cast %scan3A_99 : i32 to index
      %swap3A_245 = arith.constant 16 : index
      %swap3A_246 = tpu.vector_load %arg8[%swap3A_243, %swap3A_244, %swap3A_245] {strides = array<i32>} : memref<10x32x64xf32, #tpu.memory_space<vmem>>, vector<16xf32>,
      tpu.vector_store %arg8[%swap3A_243, %swap3A_244, %swap3A_245], %gather3A_241 {strides = array<i32>} : memref<10x32x64xf32, #tpu.memory_space<vmem>>, vector<16xf32>,
      %broadcast_in_dim3A_247 = arith.constant 8 : i32
      %broadcast_in_dim3A_248 = vector.broadcast %broadcast_in_dim3A_247 : i32 to vector<16xi32>
      %gather3A_249 = tpu.vector_load_idx %arg7[%add3A_182, %broadcast_in_dim3A_248] : memref<1600x16xf32, #tpu.memory_space<vmem>>[vector<16xi32>, vector<16xi32>], vector<16xf32>,
      %swap3A_250 = arith.constant 8 : i32
      %swap3A_251 = arith.index_cast %swap3A_250 : i32 to index
      %swap3A_252 = arith.index_cast %scan3A_99 : i32 to index
      %swap3A_253 = arith.constant 16 : index
      %swap3A_254 = tpu.vector_load %arg8[%swap3A_251, %swap3A_252, %swap3A_253] {strides = array<i32>} : memref<10x32x64xf32, #tpu.memory_space<vmem>>, vector<16xf32>,
      tpu.vector_store %arg8[%swap3A_251, %swap3A_252, %swap3A_253], %gather3A_249 {strides = array<i32>} : memref<10x32x64xf32, #tpu.memory_space<vmem>>, vector<16xf32>,
      %broadcast_in_dim3A_255 = arith.constant 9 : i32
      %broadcast_in_dim3A_256 = vector.broadcast %broadcast_in_dim3A_255 : i32 to vector<16xi32>
      %gather3A_257 = tpu.vector_load_idx %arg7[%add3A_182, %broadcast_in_dim3A_256] : memref<1600x16xf32, #tpu.memory_space<vmem>>[vector<16xi32>, vector<16xi32>], vector<16xf32>,
      %swap3A_258 = arith.constant 9 : i32
      %swap3A_259 = arith.index_cast %swap3A_258 : i32 to index
      %swap3A_260 = arith.index_cast %scan3A_99 : i32 to index
      %swap3A_261 = arith.constant 16 : index
      %swap3A_262 = tpu.vector_load %arg8[%swap3A_259, %swap3A_260, %swap3A_261] {strides = array<i32>} : memref<10x32x64xf32, #tpu.memory_space<vmem>>, vector<16xf32>,
      tpu.vector_store %arg8[%swap3A_259, %swap3A_260, %swap3A_261], %gather3A_257 {strides = array<i32>} : memref<10x32x64xf32, #tpu.memory_space<vmem>>, vector<16xf32>,
      %add3A_263 = vector.broadcast %mul3A_101 : i32 to vector<16xi32>
      %add3A_264 = arith.addi %add3A_263, %min3A_19 : vector<16xi32>
      %broadcast_in_dim3A_265 = arith.constant 0 : i32
      %broadcast_in_dim3A_266 = vector.broadcast %broadcast_in_dim3A_265 : i32 to vector<16xi32>
      %gather3A_267 = tpu.vector_load_idx %arg7[%add3A_264, %broadcast_in_dim3A_266] : memref<1600x16xf32, #tpu.memory_space<vmem>>[vector<16xi32>, vector<16xi32>], vector<16xf32>,
      %swap3A_268 = arith.constant 0 : i32
      %swap3A_269 = arith.index_cast %swap3A_268 : i32 to index
      %swap3A_270 = arith.index_cast %scan3A_99 : i32 to index
      %swap3A_271 = arith.constant 32 : index
      %swap3A_272 = tpu.vector_load %arg8[%swap3A_269, %swap3A_270, %swap3A_271] {strides = array<i32>} : memref<10x32x64xf32, #tpu.memory_space<vmem>>, vector<16xf32>,
      tpu.vector_store %arg8[%swap3A_269, %swap3A_270, %swap3A_271], %gather3A_267 {strides = array<i32>} : memref<10x32x64xf32, #tpu.memory_space<vmem>>, vector<16xf32>,
      %broadcast_in_dim3A_273 = arith.constant 1 : i32
      %broadcast_in_dim3A_274 = vector.broadcast %broadcast_in_dim3A_273 : i32 to vector<16xi32>
      %gather3A_275 = tpu.vector_load_idx %arg7[%add3A_264, %broadcast_in_dim3A_274] : memref<1600x16xf32, #tpu.memory_space<vmem>>[vector<16xi32>, vector<16xi32>], vector<16xf32>,
      %swap3A_276 = arith.constant 1 : i32
      %swap3A_277 = arith.index_cast %swap3A_276 : i32 to index
      %swap3A_278 = arith.index_cast %scan3A_99 : i32 to index
      %swap3A_279 = arith.constant 32 : index
      %swap3A_280 = tpu.vector_load %arg8[%swap3A_277, %swap3A_278, %swap3A_279] {strides = array<i32>} : memref<10x32x64xf32, #tpu.memory_space<vmem>>, vector<16xf32>,
      tpu.vector_store %arg8[%swap3A_277, %swap3A_278, %swap3A_279], %gather3A_275 {strides = array<i32>} : memref<10x32x64xf32, #tpu.memory_space<vmem>>, vector<16xf32>,
      %broadcast_in_dim3A_281 = arith.constant 2 : i32
      %broadcast_in_dim3A_282 = vector.broadcast %broadcast_in_dim3A_281 : i32 to vector<16xi32>
      %gather3A_283 = tpu.vector_load_idx %arg7[%add3A_264, %broadcast_in_dim3A_282] : memref<1600x16xf32, #tpu.memory_space<vmem>>[vector<16xi32>, vector<16xi32>], vector<16xf32>,
      %swap3A_284 = arith.constant 2 : i32
      %swap3A_285 = arith.index_cast %swap3A_284 : i32 to index
      %swap3A_286 = arith.index_cast %scan3A_99 : i32 to index
      %swap3A_287 = arith.constant 32 : index
      %swap3A_288 = tpu.vector_load %arg8[%swap3A_285, %swap3A_286, %swap3A_287] {strides = array<i32>} : memref<10x32x64xf32, #tpu.memory_space<vmem>>, vector<16xf32>,
      tpu.vector_store %arg8[%swap3A_285, %swap3A_286, %swap3A_287], %gather3A_283 {strides = array<i32>} : memref<10x32x64xf32, #tpu.memory_space<vmem>>, vector<16xf32>,
      %broadcast_in_dim3A_289 = arith.constant 3 : i32
      %broadcast_in_dim3A_290 = vector.broadcast %broadcast_in_dim3A_289 : i32 to vector<16xi32>
      %gather3A_291 = tpu.vector_load_idx %arg7[%add3A_264, %broadcast_in_dim3A_290] : memref<1600x16xf32, #tpu.memory_space<vmem>>[vector<16xi32>, vector<16xi32>], vector<16xf32>,
      %swap3A_292 = arith.constant 3 : i32
      %swap3A_293 = arith.index_cast %swap3A_292 : i32 to index
      %swap3A_294 = arith.index_cast %scan3A_99 : i32 to index
      %swap3A_295 = arith.constant 32 : index
      %swap3A_296 = tpu.vector_load %arg8[%swap3A_293, %swap3A_294, %swap3A_295] {strides = array<i32>} : memref<10x32x64xf32, #tpu.memory_space<vmem>>, vector<16xf32>,
      tpu.vector_store %arg8[%swap3A_293, %swap3A_294, %swap3A_295], %gather3A_291 {strides = array<i32>} : memref<10x32x64xf32, #tpu.memory_space<vmem>>, vector<16xf32>,
      %broadcast_in_dim3A_297 = arith.constant 4 : i32
      %broadcast_in_dim3A_298 = vector.broadcast %broadcast_in_dim3A_297 : i32 to vector<16xi32>
      %gather3A_299 = tpu.vector_load_idx %arg7[%add3A_264, %broadcast_in_dim3A_298] : memref<1600x16xf32, #tpu.memory_space<vmem>>[vector<16xi32>, vector<16xi32>], vector<16xf32>,
      %swap3A_300 = arith.constant 4 : i32
      %swap3A_301 = arith.index_cast %swap3A_300 : i32 to index
      %swap3A_302 = arith.index_cast %scan3A_99 : i32 to index
      %swap3A_303 = arith.constant 32 : index
      %swap3A_304 = tpu.vector_load %arg8[%swap3A_301, %swap3A_302, %swap3A_303] {strides = array<i32>} : memref<10x32x64xf32, #tpu.memory_space<vmem>>, vector<16xf32>,
      tpu.vector_store %arg8[%swap3A_301, %swap3A_302, %swap3A_303], %gather3A_299 {strides = array<i32>} : memref<10x32x64xf32, #tpu.memory_space<vmem>>, vector<16xf32>,
      %broadcast_in_dim3A_305 = arith.constant 5 : i32
      %broadcast_in_dim3A_306 = vector.broadcast %broadcast_in_dim3A_305 : i32 to vector<16xi32>
      %gather3A_307 = tpu.vector_load_idx %arg7[%add3A_264, %broadcast_in_dim3A_306] : memref<1600x16xf32, #tpu.memory_space<vmem>>[vector<16xi32>, vector<16xi32>], vector<16xf32>,
      %swap3A_308 = arith.constant 5 : i32
      %swap3A_309 = arith.index_cast %swap3A_308 : i32 to index
      %swap3A_310 = arith.index_cast %scan3A_99 : i32 to index
      %swap3A_311 = arith.constant 32 : index
      %swap3A_312 = tpu.vector_load %arg8[%swap3A_309, %swap3A_310, %swap3A_311] {strides = array<i32>} : memref<10x32x64xf32, #tpu.memory_space<vmem>>, vector<16xf32>,
      tpu.vector_store %arg8[%swap3A_309, %swap3A_310, %swap3A_311], %gather3A_307 {strides = array<i32>} : memref<10x32x64xf32, #tpu.memory_space<vmem>>, vector<16xf32>,
      %broadcast_in_dim3A_313 = arith.constant 6 : i32
      %broadcast_in_dim3A_314 = vector.broadcast %broadcast_in_dim3A_313 : i32 to vector<16xi32>
      %gather3A_315 = tpu.vector_load_idx %arg7[%add3A_264, %broadcast_in_dim3A_314] : memref<1600x16xf32, #tpu.memory_space<vmem>>[vector<16xi32>, vector<16xi32>], vector<16xf32>,
      %swap3A_316 = arith.constant 6 : i32
      %swap3A_317 = arith.index_cast %swap3A_316 : i32 to index
      %swap3A_318 = arith.index_cast %scan3A_99 : i32 to index
      %swap3A_319 = arith.constant 32 : index
      %swap3A_320 = tpu.vector_load %arg8[%swap3A_317, %swap3A_318, %swap3A_319] {strides = array<i32>} : memref<10x32x64xf32, #tpu.memory_space<vmem>>, vector<16xf32>,
      tpu.vector_store %arg8[%swap3A_317, %swap3A_318, %swap3A_319], %gather3A_315 {strides = array<i32>} : memref<10x32x64xf32, #tpu.memory_space<vmem>>, vector<16xf32>,
      %broadcast_in_dim3A_321 = arith.constant 7 : i32
      %broadcast_in_dim3A_322 = vector.broadcast %broadcast_in_dim3A_321 : i32 to vector<16xi32>
      %gather3A_323 = tpu.vector_load_idx %arg7[%add3A_264, %broadcast_in_dim3A_322] : memref<1600x16xf32, #tpu.memory_space<vmem>>[vector<16xi32>, vector<16xi32>], vector<16xf32>,
      %swap3A_324 = arith.constant 7 : i32
      %swap3A_325 = arith.index_cast %swap3A_324 : i32 to index
      %swap3A_326 = arith.index_cast %scan3A_99 : i32 to index
      %swap3A_327 = arith.constant 32 : index
      %swap3A_328 = tpu.vector_load %arg8[%swap3A_325, %swap3A_326, %swap3A_327] {strides = array<i32>} : memref<10x32x64xf32, #tpu.memory_space<vmem>>, vector<16xf32>,
      tpu.vector_store %arg8[%swap3A_325, %swap3A_326, %swap3A_327], %gather3A_323 {strides = array<i32>} : memref<10x32x64xf32, #tpu.memory_space<vmem>>, vector<16xf32>,
      %broadcast_in_dim3A_329 = arith.constant 8 : i32
      %broadcast_in_dim3A_330 = vector.broadcast %broadcast_in_dim3A_329 : i32 to vector<16xi32>
      %gather3A_331 = tpu.vector_load_idx %arg7[%add3A_264, %broadcast_in_dim3A_330] : memref<1600x16xf32, #tpu.memory_space<vmem>>[vector<16xi32>, vector<16xi32>], vector<16xf32>,
      %swap3A_332 = arith.constant 8 : i32
      %swap3A_333 = arith.index_cast %swap3A_332 : i32 to index
      %swap3A_334 = arith.index_cast %scan3A_99 : i32 to index
      %swap3A_335 = arith.constant 32 : index
      %swap3A_336 = tpu.vector_load %arg8[%swap3A_333, %swap3A_334, %swap3A_335] {strides = array<i32>} : memref<10x32x64xf32, #tpu.memory_space<vmem>>, vector<16xf32>,
      tpu.vector_store %arg8[%swap3A_333, %swap3A_334, %swap3A_335], %gather3A_331 {strides = array<i32>} : memref<10x32x64xf32, #tpu.memory_space<vmem>>, vector<16xf32>,
      %broadcast_in_dim3A_337 = arith.constant 9 : i32
      %broadcast_in_dim3A_338 = vector.broadcast %broadcast_in_dim3A_337 : i32 to vector<16xi32>
      %gather3A_339 = tpu.vector_load_idx %arg7[%add3A_264, %broadcast_in_dim3A_338] : memref<1600x16xf32, #tpu.memory_space<vmem>>[vector<16xi32>, vector<16xi32>], vector<16xf32>,
      %swap3A_340 = arith.constant 9 : i32
      %swap3A_341 = arith.index_cast %swap3A_340 : i32 to index
      %swap3A_342 = arith.index_cast %scan3A_99 : i32 to index
      %swap3A_343 = arith.constant 32 : index
      %swap3A_344 = tpu.vector_load %arg8[%swap3A_341, %swap3A_342, %swap3A_343] {strides = array<i32>} : memref<10x32x64xf32, #tpu.memory_space<vmem>>, vector<16xf32>,
      tpu.vector_store %arg8[%swap3A_341, %swap3A_342, %swap3A_343], %gather3A_339 {strides = array<i32>} : memref<10x32x64xf32, #tpu.memory_space<vmem>>, vector<16xf32>,
      %add3A_345 = vector.broadcast %mul3A_101 : i32 to vector<16xi32>
      %add3A_346 = arith.addi %add3A_345, %min3A_25 : vector<16xi32>
      %broadcast_in_dim3A_347 = arith.constant 0 : i32
      %broadcast_in_dim3A_348 = vector.broadcast %broadcast_in_dim3A_347 : i32 to vector<16xi32>
      %gather3A_349 = tpu.vector_load_idx %arg7[%add3A_346, %broadcast_in_dim3A_348] : memref<1600x16xf32, #tpu.memory_space<vmem>>[vector<16xi32>, vector<16xi32>], vector<16xf32>,
      %swap3A_350 = arith.constant 0 : i32
      %swap3A_351 = arith.index_cast %swap3A_350 : i32 to index
      %swap3A_352 = arith.index_cast %scan3A_99 : i32 to index
      %swap3A_353 = arith.constant 48 : index
      %swap3A_354 = tpu.vector_load %arg8[%swap3A_351, %swap3A_352, %swap3A_353] {strides = array<i32>} : memref<10x32x64xf32, #tpu.memory_space<vmem>>, vector<16xf32>,
      tpu.vector_store %arg8[%swap3A_351, %swap3A_352, %swap3A_353], %gather3A_349 {strides = array<i32>} : memref<10x32x64xf32, #tpu.memory_space<vmem>>, vector<16xf32>,
      %broadcast_in_dim3A_355 = arith.constant 1 : i32
      %broadcast_in_dim3A_356 = vector.broadcast %broadcast_in_dim3A_355 : i32 to vector<16xi32>
      %gather3A_357 = tpu.vector_load_idx %arg7[%add3A_346, %broadcast_in_dim3A_356] : memref<1600x16xf32, #tpu.memory_space<vmem>>[vector<16xi32>, vector<16xi32>], vector<16xf32>,
      %swap3A_358 = arith.constant 1 : i32
      %swap3A_359 = arith.index_cast %swap3A_358 : i32 to index
      %swap3A_360 = arith.index_cast %scan3A_99 : i32 to index
      %swap3A_361 = arith.constant 48 : index
      %swap3A_362 = tpu.vector_load %arg8[%swap3A_359, %swap3A_360, %swap3A_361] {strides = array<i32>} : memref<10x32x64xf32, #tpu.memory_space<vmem>>, vector<16xf32>,
      tpu.vector_store %arg8[%swap3A_359, %swap3A_360, %swap3A_361], %gather3A_357 {strides = array<i32>} : memref<10x32x64xf32, #tpu.memory_space<vmem>>, vector<16xf32>,
      %broadcast_in_dim3A_363 = arith.constant 2 : i32
      %broadcast_in_dim3A_364 = vector.broadcast %broadcast_in_dim3A_363 : i32 to vector<16xi32>
      %gather3A_365 = tpu.vector_load_idx %arg7[%add3A_346, %broadcast_in_dim3A_364] : memref<1600x16xf32, #tpu.memory_space<vmem>>[vector<16xi32>, vector<16xi32>], vector<16xf32>,
      %swap3A_366 = arith.constant 2 : i32
      %swap3A_367 = arith.index_cast %swap3A_366 : i32 to index
      %swap3A_368 = arith.index_cast %scan3A_99 : i32 to index
      %swap3A_369 = arith.constant 48 : index
      %swap3A_370 = tpu.vector_load %arg8[%swap3A_367, %swap3A_368, %swap3A_369] {strides = array<i32>} : memref<10x32x64xf32, #tpu.memory_space<vmem>>, vector<16xf32>,
      tpu.vector_store %arg8[%swap3A_367, %swap3A_368, %swap3A_369], %gather3A_365 {strides = array<i32>} : memref<10x32x64xf32, #tpu.memory_space<vmem>>, vector<16xf32>,
      %broadcast_in_dim3A_371 = arith.constant 3 : i32
      %broadcast_in_dim3A_372 = vector.broadcast %broadcast_in_dim3A_371 : i32 to vector<16xi32>
      %gather3A_373 = tpu.vector_load_idx %arg7[%add3A_346, %broadcast_in_dim3A_372] : memref<1600x16xf32, #tpu.memory_space<vmem>>[vector<16xi32>, vector<16xi32>], vector<16xf32>,
      %swap3A_374 = arith.constant 3 : i32
      %swap3A_375 = arith.index_cast %swap3A_374 : i32 to index
      %swap3A_376 = arith.index_cast %scan3A_99 : i32 to index
      %swap3A_377 = arith.constant 48 : index
      %swap3A_378 = tpu.vector_load %arg8[%swap3A_375, %swap3A_376, %swap3A_377] {strides = array<i32>} : memref<10x32x64xf32, #tpu.memory_space<vmem>>, vector<16xf32>,
      tpu.vector_store %arg8[%swap3A_375, %swap3A_376, %swap3A_377], %gather3A_373 {strides = array<i32>} : memref<10x32x64xf32, #tpu.memory_space<vmem>>, vector<16xf32>,
      %broadcast_in_dim3A_379 = arith.constant 4 : i32
      %broadcast_in_dim3A_380 = vector.broadcast %broadcast_in_dim3A_379 : i32 to vector<16xi32>
      %gather3A_381 = tpu.vector_load_idx %arg7[%add3A_346, %broadcast_in_dim3A_380] : memref<1600x16xf32, #tpu.memory_space<vmem>>[vector<16xi32>, vector<16xi32>], vector<16xf32>,
      %swap3A_382 = arith.constant 4 : i32
      %swap3A_383 = arith.index_cast %swap3A_382 : i32 to index
      %swap3A_384 = arith.index_cast %scan3A_99 : i32 to index
      %swap3A_385 = arith.constant 48 : index
      %swap3A_386 = tpu.vector_load %arg8[%swap3A_383, %swap3A_384, %swap3A_385] {strides = array<i32>} : memref<10x32x64xf32, #tpu.memory_space<vmem>>, vector<16xf32>,
      tpu.vector_store %arg8[%swap3A_383, %swap3A_384, %swap3A_385], %gather3A_381 {strides = array<i32>} : memref<10x32x64xf32, #tpu.memory_space<vmem>>, vector<16xf32>,
      %broadcast_in_dim3A_387 = arith.constant 5 : i32
      %broadcast_in_dim3A_388 = vector.broadcast %broadcast_in_dim3A_387 : i32 to vector<16xi32>
      %gather3A_389 = tpu.vector_load_idx %arg7[%add3A_346, %broadcast_in_dim3A_388] : memref<1600x16xf32, #tpu.memory_space<vmem>>[vector<16xi32>, vector<16xi32>], vector<16xf32>,
      %swap3A_390 = arith.constant 5 : i32
      %swap3A_391 = arith.index_cast %swap3A_390 : i32 to index
      %swap3A_392 = arith.index_cast %scan3A_99 : i32 to index
      %swap3A_393 = arith.constant 48 : index
      %swap3A_394 = tpu.vector_load %arg8[%swap3A_391, %swap3A_392, %swap3A_393] {strides = array<i32>} : memref<10x32x64xf32, #tpu.memory_space<vmem>>, vector<16xf32>,
      tpu.vector_store %arg8[%swap3A_391, %swap3A_392, %swap3A_393], %gather3A_389 {strides = array<i32>} : memref<10x32x64xf32, #tpu.memory_space<vmem>>, vector<16xf32>,
      %broadcast_in_dim3A_395 = arith.constant 6 : i32
      %broadcast_in_dim3A_396 = vector.broadcast %broadcast_in_dim3A_395 : i32 to vector<16xi32>
      %gather3A_397 = tpu.vector_load_idx %arg7[%add3A_346, %broadcast_in_dim3A_396] : memref<1600x16xf32, #tpu.memory_space<vmem>>[vector<16xi32>, vector<16xi32>], vector<16xf32>,
      %swap3A_398 = arith.constant 6 : i32
      %swap3A_399 = arith.index_cast %swap3A_398 : i32 to index
      %swap3A_400 = arith.index_cast %scan3A_99 : i32 to index
      %swap3A_401 = arith.constant 48 : index
      %swap3A_402 = tpu.vector_load %arg8[%swap3A_399, %swap3A_400, %swap3A_401] {strides = array<i32>} : memref<10x32x64xf32, #tpu.memory_space<vmem>>, vector<16xf32>,
      tpu.vector_store %arg8[%swap3A_399, %swap3A_400, %swap3A_401], %gather3A_397 {strides = array<i32>} : memref<10x32x64xf32, #tpu.memory_space<vmem>>, vector<16xf32>,
      %broadcast_in_dim3A_403 = arith.constant 7 : i32
      %broadcast_in_dim3A_404 = vector.broadcast %broadcast_in_dim3A_403 : i32 to vector<16xi32>
      %gather3A_405 = tpu.vector_load_idx %arg7[%add3A_346, %broadcast_in_dim3A_404] : memref<1600x16xf32, #tpu.memory_space<vmem>>[vector<16xi32>, vector<16xi32>], vector<16xf32>,
      %swap3A_406 = arith.constant 7 : i32
      %swap3A_407 = arith.index_cast %swap3A_406 : i32 to index
      %swap3A_408 = arith.index_cast %scan3A_99 : i32 to index
      %swap3A_409 = arith.constant 48 : index
      %swap3A_410 = tpu.vector_load %arg8[%swap3A_407, %swap3A_408, %swap3A_409] {strides = array<i32>} : memref<10x32x64xf32, #tpu.memory_space<vmem>>, vector<16xf32>,
      tpu.vector_store %arg8[%swap3A_407, %swap3A_408, %swap3A_409], %gather3A_405 {strides = array<i32>} : memref<10x32x64xf32, #tpu.memory_space<vmem>>, vector<16xf32>,
      %broadcast_in_dim3A_411 = arith.constant 8 : i32
      %broadcast_in_dim3A_412 = vector.broadcast %broadcast_in_dim3A_411 : i32 to vector<16xi32>
      %gather3A_413 = tpu.vector_load_idx %arg7[%add3A_346, %broadcast_in_dim3A_412] : memref<1600x16xf32, #tpu.memory_space<vmem>>[vector<16xi32>, vector<16xi32>], vector<16xf32>,
      %swap3A_414 = arith.constant 8 : i32
      %swap3A_415 = arith.index_cast %swap3A_414 : i32 to index
      %swap3A_416 = arith.index_cast %scan3A_99 : i32 to index
      %swap3A_417 = arith.constant 48 : index
      %swap3A_418 = tpu.vector_load %arg8[%swap3A_415, %swap3A_416, %swap3A_417] {strides = array<i32>} : memref<10x32x64xf32, #tpu.memory_space<vmem>>, vector<16xf32>,
      tpu.vector_store %arg8[%swap3A_415, %swap3A_416, %swap3A_417], %gather3A_413 {strides = array<i32>} : memref<10x32x64xf32, #tpu.memory_space<vmem>>, vector<16xf32>,
      %broadcast_in_dim3A_419 = arith.constant 9 : i32
      %broadcast_in_dim3A_420 = vector.broadcast %broadcast_in_dim3A_419 : i32 to vector<16xi32>
      %gather3A_421 = tpu.vector_load_idx %arg7[%add3A_346, %broadcast_in_dim3A_420] : memref<1600x16xf32, #tpu.memory_space<vmem>>[vector<16xi32>, vector<16xi32>], vector<16xf32>,
      %swap3A_422 = arith.constant 9 : i32
      %swap3A_423 = arith.index_cast %swap3A_422 : i32 to index
      %swap3A_424 = arith.index_cast %scan3A_99 : i32 to index
      %swap3A_425 = arith.constant 48 : index
      %swap3A_426 = tpu.vector_load %arg8[%swap3A_423, %swap3A_424, %swap3A_425] {strides = array<i32>} : memref<10x32x64xf32, #tpu.memory_space<vmem>>, vector<16xf32>,
      tpu.vector_store %arg8[%swap3A_423, %swap3A_424, %swap3A_425], %gather3A_421 {strides = array<i32>} : memref<10x32x64xf32, #tpu.memory_space<vmem>>, vector<16xf32>,
    }
    %scan3A_96 = arith.constant 32 : i32
    %add3A_97 = arith.constant 96 : i32
    %add3A_98 = arith.addi %mul3A_2, %add3A_97 : i32
    "tpu.region"() ({
      %run_scoped3A = tpu.sem_alloc : memref<!tpu.dma_semaphore, #tpu.memory_space<semaphore_mem>>
      %dma_start3A_99 = arith.constant 0 : i32
      %dma_start3A_100 = arith.constant 0 : i32
      %dma_start3A_101 = tpu.memref_slice %arg4[%dma_start3A_99, %add3A_98, %dma_start3A_100] : memref<10x4096x64xf32, #tpu.memory_space<hbm>> -> memref<10x32x64xf32, #tpu.memory_space<hbm>>
      %dma_start3A_102 = arith.constant 0 : i32
      %dma_start3A_103 = arith.constant 0 : i32
      %dma_start3A_104 = tpu.memref_slice %arg4[%dma_start3A_102, %add3A_98, %dma_start3A_103] : memref<10x4096x64xf32, #tpu.memory_space<hbm>> -> memref<10x32x64xf32, #tpu.memory_space<hbm>>
      tpu.enqueue_dma source(%arg8 : memref<10x32x64xf32, #tpu.memory_space<vmem>>) target(%dma_start3A_104 : memref<10x32x64xf32, #tpu.memory_space<hbm>>) target_semaphore(%run_scoped3A : memref<!tpu.dma_semaphore, #tpu.memory_space<semaphore_mem>>)
      %dma_wait3A_105 = arith.constant 0 : i32
      %dma_wait3A_106 = arith.constant 0 : i32
      %dma_wait3A_107 = tpu.memref_slice %arg4[%dma_wait3A_105, %add3A_98, %dma_wait3A_106] : memref<10x4096x64xf32, #tpu.memory_space<hbm>> -> memref<10x32x64xf32, #tpu.memory_space<hbm>>
      %dma_wait3A_108 = arith.constant 0 : i32
      %dma_wait3A_109 = arith.constant 0 : i32
      %dma_wait3A_110 = tpu.memref_slice %arg4[%dma_wait3A_108, %add3A_98, %dma_wait3A_109] : memref<10x4096x64xf32, #tpu.memory_space<hbm>> -> memref<10x32x64xf32, #tpu.memory_space<hbm>>
      tpu.wait_dma2 semaphore(%run_scoped3A : memref<!tpu.dma_semaphore, #tpu.memory_space<semaphore_mem>>) src(%arg8 : memref<10x32x64xf32, #tpu.memory_space<vmem>>) dst(%dma_wait3A_110 : memref<10x32x64xf32, #tpu.memory_space<hbm>>)
      tpu.yield
    }) : () -> ()
    return
  }
}

module attributes {stable_mosaic.version = 14 : i64} {
  func.func @body(%arg0: i32, %arg1: memref<10x512x64xf32, #tpu.memory_space<vmem>>, %arg2: memref<8x512x50xf32, #tpu.memory_space<vmem>>, %arg3: memref<50x50xf32, #tpu.memory_space<vmem>>, %arg4: memref<512x50xf32, #tpu.memory_space<vmem>>) attributes {dimension_semantics = [#tpu.dimension_semantics<arbitrary>], iteration_bounds = array<i64: 8>, scalar_prefetch = 0 : i64, scratch_operands = 0 : i64, tpu.core_type = #tpu.core_type<tc>, window_params = [{transform_indices = @transform_0, window_bounds = array<i64: 10, 512, 64>}, {transform_indices = @transform_1, window_bounds = array<i64: 8, 512, 50>}, {pipeline_mode = #tpu.pipeline_mode<synchronous>, transform_indices = @transform_2, window_bounds = array<i64: 50, 50>}, {transform_indices = @transform_3, window_bounds = array<i64: 512, 50>}]} {
    %get3A = arith.constant 0 : index
    %get3A_0 = arith.constant 0 : index
    %get3A_1 = vector.load %arg3[%get3A, %get3A_0] : memref<50x50xf32, #tpu.memory_space<vmem>>, vector<50x50xf32>
    %broadcast_in_dim3A = arith.constant 0.000000e+00 : f32
    %broadcast_in_dim3A_2 = vector.broadcast %broadcast_in_dim3A : f32 to vector<512x50xf32>
    %broadcast_in_dim3A_3 = arith.constant 0.000000e+00 : f32
    %broadcast_in_dim3A_4 = vector.broadcast %broadcast_in_dim3A_3 : f32 to vector<512x50xf32>
    %get3A_5 = arith.constant 0 : index
    %get3A_6 = arith.constant 0 : index
    %get3A_7 = arith.constant 0 : index
    %get3A_8 = vector.load %arg1[%get3A_5, %get3A_6, %get3A_7] : memref<10x512x64xf32, #tpu.memory_space<vmem>>, vector<1x512x64xf32>
    %get3A_9 = vector.shape_cast %get3A_8 : vector<1x512x64xf32> to vector<512x64xf32>
    %slice3A = vector.extract_strided_slice %get3A_9 {offsets = [0, 0], sizes = [512, 50], strides = [1, 1]} : vector<512x64xf32> to vector<512x50xf32>
    %get3A_10 = arith.constant 0 : index
    %get3A_11 = arith.constant 0 : index
    %get3A_12 = arith.constant 0 : index
    %get3A_13 = vector.load %arg2[%get3A_10, %get3A_11, %get3A_12] : memref<8x512x50xf32, #tpu.memory_space<vmem>>, vector<1x512x50xf32>
    %get3A_14 = vector.shape_cast %get3A_13 : vector<1x512x50xf32> to vector<512x50xf32>
    %mul3A = arith.mulf %slice3A, %get3A_14 : vector<512x50xf32>
    %dot_general3A = arith.constant dense<0.000000e+00> : vector<512x50xf32>
    %dot_general3A_15 = tpu.matmul %mul3A, %get3A_1, %dot_general3A {dimension_numbers = #tpu.dot_dimension_numbers<[1], [0], [0], [1], [0, 0, 1, 1], [], []>, precision = #tpu.contract_precision<fp32>, transpose_lhs_hint = false} : vector<512x50xf32>, vector<50x50xf32>, vector<512x50xf32> -> vector<512x50xf32>
    %mul3A_16 = arith.mulf %dot_general3A_15, %slice3A : vector<512x50xf32>
    %add3A = arith.addf %broadcast_in_dim3A_2, %mul3A_16 : vector<512x50xf32>
    %add3A_17 = arith.addf %broadcast_in_dim3A_4, %slice3A : vector<512x50xf32>
    %get3A_18 = arith.constant 1 : index
    %get3A_19 = arith.constant 0 : index
    %get3A_20 = arith.constant 0 : index
    %get3A_21 = vector.load %arg1[%get3A_18, %get3A_19, %get3A_20] : memref<10x512x64xf32, #tpu.memory_space<vmem>>, vector<1x512x64xf32>
    %get3A_22 = vector.shape_cast %get3A_21 : vector<1x512x64xf32> to vector<512x64xf32>
    %slice3A_23 = vector.extract_strided_slice %get3A_22 {offsets = [0, 0], sizes = [512, 50], strides = [1, 1]} : vector<512x64xf32> to vector<512x50xf32>
    %get3A_24 = arith.constant 1 : index
    %get3A_25 = arith.constant 0 : index
    %get3A_26 = arith.constant 0 : index
    %get3A_27 = vector.load %arg2[%get3A_24, %get3A_25, %get3A_26] : memref<8x512x50xf32, #tpu.memory_space<vmem>>, vector<1x512x50xf32>
    %get3A_28 = vector.shape_cast %get3A_27 : vector<1x512x50xf32> to vector<512x50xf32>
    %mul3A_29 = arith.mulf %slice3A_23, %get3A_28 : vector<512x50xf32>
    %dot_general3A_30 = arith.constant dense<0.000000e+00> : vector<512x50xf32>
    %dot_general3A_31 = tpu.matmul %mul3A_29, %get3A_1, %dot_general3A_30 {dimension_numbers = #tpu.dot_dimension_numbers<[1], [0], [0], [1], [0, 0, 1, 1], [], []>, precision = #tpu.contract_precision<fp32>, transpose_lhs_hint = false} : vector<512x50xf32>, vector<50x50xf32>, vector<512x50xf32> -> vector<512x50xf32>
    %mul3A_32 = arith.mulf %dot_general3A_31, %slice3A_23 : vector<512x50xf32>
    %add3A_33 = arith.addf %add3A, %mul3A_32 : vector<512x50xf32>
    %add3A_34 = arith.addf %add3A_17, %slice3A_23 : vector<512x50xf32>
    %get3A_35 = arith.constant 2 : index
    %get3A_36 = arith.constant 0 : index
    %get3A_37 = arith.constant 0 : index
    %get3A_38 = vector.load %arg1[%get3A_35, %get3A_36, %get3A_37] : memref<10x512x64xf32, #tpu.memory_space<vmem>>, vector<1x512x64xf32>
    %get3A_39 = vector.shape_cast %get3A_38 : vector<1x512x64xf32> to vector<512x64xf32>
    %slice3A_40 = vector.extract_strided_slice %get3A_39 {offsets = [0, 0], sizes = [512, 50], strides = [1, 1]} : vector<512x64xf32> to vector<512x50xf32>
    %get3A_41 = arith.constant 2 : index
    %get3A_42 = arith.constant 0 : index
    %get3A_43 = arith.constant 0 : index
    %get3A_44 = vector.load %arg2[%get3A_41, %get3A_42, %get3A_43] : memref<8x512x50xf32, #tpu.memory_space<vmem>>, vector<1x512x50xf32>
    %get3A_45 = vector.shape_cast %get3A_44 : vector<1x512x50xf32> to vector<512x50xf32>
    %mul3A_46 = arith.mulf %slice3A_40, %get3A_45 : vector<512x50xf32>
    %dot_general3A_47 = arith.constant dense<0.000000e+00> : vector<512x50xf32>
    %dot_general3A_48 = tpu.matmul %mul3A_46, %get3A_1, %dot_general3A_47 {dimension_numbers = #tpu.dot_dimension_numbers<[1], [0], [0], [1], [0, 0, 1, 1], [], []>, precision = #tpu.contract_precision<fp32>, transpose_lhs_hint = false} : vector<512x50xf32>, vector<50x50xf32>, vector<512x50xf32> -> vector<512x50xf32>
    %mul3A_49 = arith.mulf %dot_general3A_48, %slice3A_40 : vector<512x50xf32>
    %add3A_50 = arith.addf %add3A_33, %mul3A_49 : vector<512x50xf32>
    %add3A_51 = arith.addf %add3A_34, %slice3A_40 : vector<512x50xf32>
    %get3A_52 = arith.constant 3 : index
    %get3A_53 = arith.constant 0 : index
    %get3A_54 = arith.constant 0 : index
    %get3A_55 = vector.load %arg1[%get3A_52, %get3A_53, %get3A_54] : memref<10x512x64xf32, #tpu.memory_space<vmem>>, vector<1x512x64xf32>
    %get3A_56 = vector.shape_cast %get3A_55 : vector<1x512x64xf32> to vector<512x64xf32>
    %slice3A_57 = vector.extract_strided_slice %get3A_56 {offsets = [0, 0], sizes = [512, 50], strides = [1, 1]} : vector<512x64xf32> to vector<512x50xf32>
    %get3A_58 = arith.constant 3 : index
    %get3A_59 = arith.constant 0 : index
    %get3A_60 = arith.constant 0 : index
    %get3A_61 = vector.load %arg2[%get3A_58, %get3A_59, %get3A_60] : memref<8x512x50xf32, #tpu.memory_space<vmem>>, vector<1x512x50xf32>
    %get3A_62 = vector.shape_cast %get3A_61 : vector<1x512x50xf32> to vector<512x50xf32>
    %mul3A_63 = arith.mulf %slice3A_57, %get3A_62 : vector<512x50xf32>
    %dot_general3A_64 = arith.constant dense<0.000000e+00> : vector<512x50xf32>
    %dot_general3A_65 = tpu.matmul %mul3A_63, %get3A_1, %dot_general3A_64 {dimension_numbers = #tpu.dot_dimension_numbers<[1], [0], [0], [1], [0, 0, 1, 1], [], []>, precision = #tpu.contract_precision<fp32>, transpose_lhs_hint = false} : vector<512x50xf32>, vector<50x50xf32>, vector<512x50xf32> -> vector<512x50xf32>
    %mul3A_66 = arith.mulf %dot_general3A_65, %slice3A_57 : vector<512x50xf32>
    %add3A_67 = arith.addf %add3A_50, %mul3A_66 : vector<512x50xf32>
    %add3A_68 = arith.addf %add3A_51, %slice3A_57 : vector<512x50xf32>
    %get3A_69 = arith.constant 4 : index
    %get3A_70 = arith.constant 0 : index
    %get3A_71 = arith.constant 0 : index
    %get3A_72 = vector.load %arg1[%get3A_69, %get3A_70, %get3A_71] : memref<10x512x64xf32, #tpu.memory_space<vmem>>, vector<1x512x64xf32>
    %get3A_73 = vector.shape_cast %get3A_72 : vector<1x512x64xf32> to vector<512x64xf32>
    %slice3A_74 = vector.extract_strided_slice %get3A_73 {offsets = [0, 0], sizes = [512, 50], strides = [1, 1]} : vector<512x64xf32> to vector<512x50xf32>
    %get3A_75 = arith.constant 4 : index
    %get3A_76 = arith.constant 0 : index
    %get3A_77 = arith.constant 0 : index
    %get3A_78 = vector.load %arg2[%get3A_75, %get3A_76, %get3A_77] : memref<8x512x50xf32, #tpu.memory_space<vmem>>, vector<1x512x50xf32>
    %get3A_79 = vector.shape_cast %get3A_78 : vector<1x512x50xf32> to vector<512x50xf32>
    %mul3A_80 = arith.mulf %slice3A_74, %get3A_79 : vector<512x50xf32>
    %dot_general3A_81 = arith.constant dense<0.000000e+00> : vector<512x50xf32>
    %dot_general3A_82 = tpu.matmul %mul3A_80, %get3A_1, %dot_general3A_81 {dimension_numbers = #tpu.dot_dimension_numbers<[1], [0], [0], [1], [0, 0, 1, 1], [], []>, precision = #tpu.contract_precision<fp32>, transpose_lhs_hint = false} : vector<512x50xf32>, vector<50x50xf32>, vector<512x50xf32> -> vector<512x50xf32>
    %mul3A_83 = arith.mulf %dot_general3A_82, %slice3A_74 : vector<512x50xf32>
    %add3A_84 = arith.addf %add3A_67, %mul3A_83 : vector<512x50xf32>
    %add3A_85 = arith.addf %add3A_68, %slice3A_74 : vector<512x50xf32>
    %get3A_86 = arith.constant 5 : index
    %get3A_87 = arith.constant 0 : index
    %get3A_88 = arith.constant 0 : index
    %get3A_89 = vector.load %arg1[%get3A_86, %get3A_87, %get3A_88] : memref<10x512x64xf32, #tpu.memory_space<vmem>>, vector<1x512x64xf32>
    %get3A_90 = vector.shape_cast %get3A_89 : vector<1x512x64xf32> to vector<512x64xf32>
    %slice3A_91 = vector.extract_strided_slice %get3A_90 {offsets = [0, 0], sizes = [512, 50], strides = [1, 1]} : vector<512x64xf32> to vector<512x50xf32>
    %get3A_92 = arith.constant 5 : index
    %get3A_93 = arith.constant 0 : index
    %get3A_94 = arith.constant 0 : index
    %get3A_95 = vector.load %arg2[%get3A_92, %get3A_93, %get3A_94] : memref<8x512x50xf32, #tpu.memory_space<vmem>>, vector<1x512x50xf32>
    %get3A_96 = vector.shape_cast %get3A_95 : vector<1x512x50xf32> to vector<512x50xf32>
    %mul3A_97 = arith.mulf %slice3A_91, %get3A_96 : vector<512x50xf32>
    %dot_general3A_98 = arith.constant dense<0.000000e+00> : vector<512x50xf32>
    %dot_general3A_99 = tpu.matmul %mul3A_97, %get3A_1, %dot_general3A_98 {dimension_numbers = #tpu.dot_dimension_numbers<[1], [0], [0], [1], [0, 0, 1, 1], [], []>, precision = #tpu.contract_precision<fp32>, transpose_lhs_hint = false} : vector<512x50xf32>, vector<50x50xf32>, vector<512x50xf32> -> vector<512x50xf32>
    %mul3A_100 = arith.mulf %dot_general3A_99, %slice3A_91 : vector<512x50xf32>
    %add3A_101 = arith.addf %add3A_84, %mul3A_100 : vector<512x50xf32>
    %add3A_102 = arith.addf %add3A_85, %slice3A_91 : vector<512x50xf32>
    %get3A_103 = arith.constant 6 : index
    %get3A_104 = arith.constant 0 : index
    %get3A_105 = arith.constant 0 : index
    %get3A_106 = vector.load %arg1[%get3A_103, %get3A_104, %get3A_105] : memref<10x512x64xf32, #tpu.memory_space<vmem>>, vector<1x512x64xf32>
    %get3A_107 = vector.shape_cast %get3A_106 : vector<1x512x64xf32> to vector<512x64xf32>
    %slice3A_108 = vector.extract_strided_slice %get3A_107 {offsets = [0, 0], sizes = [512, 50], strides = [1, 1]} : vector<512x64xf32> to vector<512x50xf32>
    %get3A_109 = arith.constant 6 : index
    %get3A_110 = arith.constant 0 : index
    %get3A_111 = arith.constant 0 : index
    %get3A_112 = vector.load %arg2[%get3A_109, %get3A_110, %get3A_111] : memref<8x512x50xf32, #tpu.memory_space<vmem>>, vector<1x512x50xf32>
    %get3A_113 = vector.shape_cast %get3A_112 : vector<1x512x50xf32> to vector<512x50xf32>
    %mul3A_114 = arith.mulf %slice3A_108, %get3A_113 : vector<512x50xf32>
    %dot_general3A_115 = arith.constant dense<0.000000e+00> : vector<512x50xf32>
    %dot_general3A_116 = tpu.matmul %mul3A_114, %get3A_1, %dot_general3A_115 {dimension_numbers = #tpu.dot_dimension_numbers<[1], [0], [0], [1], [0, 0, 1, 1], [], []>, precision = #tpu.contract_precision<fp32>, transpose_lhs_hint = false} : vector<512x50xf32>, vector<50x50xf32>, vector<512x50xf32> -> vector<512x50xf32>
    %mul3A_117 = arith.mulf %dot_general3A_116, %slice3A_108 : vector<512x50xf32>
    %add3A_118 = arith.addf %add3A_101, %mul3A_117 : vector<512x50xf32>
    %add3A_119 = arith.addf %add3A_102, %slice3A_108 : vector<512x50xf32>
    %get3A_120 = arith.constant 7 : index
    %get3A_121 = arith.constant 0 : index
    %get3A_122 = arith.constant 0 : index
    %get3A_123 = vector.load %arg1[%get3A_120, %get3A_121, %get3A_122] : memref<10x512x64xf32, #tpu.memory_space<vmem>>, vector<1x512x64xf32>
    %get3A_124 = vector.shape_cast %get3A_123 : vector<1x512x64xf32> to vector<512x64xf32>
    %slice3A_125 = vector.extract_strided_slice %get3A_124 {offsets = [0, 0], sizes = [512, 50], strides = [1, 1]} : vector<512x64xf32> to vector<512x50xf32>
    %get3A_126 = arith.constant 7 : index
    %get3A_127 = arith.constant 0 : index
    %get3A_128 = arith.constant 0 : index
    %get3A_129 = vector.load %arg2[%get3A_126, %get3A_127, %get3A_128] : memref<8x512x50xf32, #tpu.memory_space<vmem>>, vector<1x512x50xf32>
    %get3A_130 = vector.shape_cast %get3A_129 : vector<1x512x50xf32> to vector<512x50xf32>
    %mul3A_131 = arith.mulf %slice3A_125, %get3A_130 : vector<512x50xf32>
    %dot_general3A_132 = arith.constant dense<0.000000e+00> : vector<512x50xf32>
    %dot_general3A_133 = tpu.matmul %mul3A_131, %get3A_1, %dot_general3A_132 {dimension_numbers = #tpu.dot_dimension_numbers<[1], [0], [0], [1], [0, 0, 1, 1], [], []>, precision = #tpu.contract_precision<fp32>, transpose_lhs_hint = false} : vector<512x50xf32>, vector<50x50xf32>, vector<512x50xf32> -> vector<512x50xf32>
    %mul3A_134 = arith.mulf %dot_general3A_133, %slice3A_125 : vector<512x50xf32>
    %add3A_135 = arith.addf %add3A_118, %mul3A_134 : vector<512x50xf32>
    %add3A_136 = arith.addf %add3A_119, %slice3A_125 : vector<512x50xf32>
    %get3A_137 = arith.constant 8 : index
    %get3A_138 = arith.constant 0 : index
    %get3A_139 = arith.constant 0 : index
    %get3A_140 = vector.load %arg1[%get3A_137, %get3A_138, %get3A_139] : memref<10x512x64xf32, #tpu.memory_space<vmem>>, vector<1x512x64xf32>
    %get3A_141 = vector.shape_cast %get3A_140 : vector<1x512x64xf32> to vector<512x64xf32>
    %slice3A_142 = vector.extract_strided_slice %get3A_141 {offsets = [0, 0], sizes = [512, 50], strides = [1, 1]} : vector<512x64xf32> to vector<512x50xf32>
    %get3A_143 = arith.constant 9 : index
    %get3A_144 = arith.constant 0 : index
    %get3A_145 = arith.constant 0 : index
    %get3A_146 = vector.load %arg1[%get3A_143, %get3A_144, %get3A_145] : memref<10x512x64xf32, #tpu.memory_space<vmem>>, vector<1x512x64xf32>
    %get3A_147 = vector.shape_cast %get3A_146 : vector<1x512x64xf32> to vector<512x64xf32>
    %slice3A_148 = vector.extract_strided_slice %get3A_147 {offsets = [0, 0], sizes = [512, 50], strides = [1, 1]} : vector<512x64xf32> to vector<512x50xf32>
    %max3A = arith.constant 9.99999993E-9 : f32
    %max3A_149 = vector.broadcast %max3A : f32 to vector<512x50xf32>
    %max3A_150 = arith.maximumf %add3A_136, %max3A_149 : vector<512x50xf32>
    %div3A = arith.divf %add3A_135, %max3A_150 : vector<512x50xf32>
    %sub3A = arith.subf %div3A, %slice3A_142 : vector<512x50xf32>
    %mul3A_151 = arith.mulf %slice3A_148, %sub3A : vector<512x50xf32>
    %swap3A = arith.constant 0 : index
    %swap3A_152 = arith.constant 0 : index
    %swap3A_153 = vector.load %arg4[%swap3A, %swap3A_152] : memref<512x50xf32, #tpu.memory_space<vmem>>, vector<512x50xf32>
    tpu.vector_store %arg4[%swap3A, %swap3A_152], %mul3A_151 {strides = array<i32>} : memref<512x50xf32, #tpu.memory_space<vmem>>, vector<512x50xf32>,
    return
  }
  func.func @transform_0(%arg0: i32) -> (i32, i32, i32) {
    %c0_i32 = arith.constant 0 : i32
    %c0_i32_0 = arith.constant 0 : i32
    %c0_i32_1 = arith.constant 0 : i32
    return %c0_i32, %arg0, %c0_i32_0 : i32, i32, i32
  }
  func.func @transform_1(%arg0: i32) -> (i32, i32, i32) {
    %c0_i32 = arith.constant 0 : i32
    %c0_i32_0 = arith.constant 0 : i32
    %c0_i32_1 = arith.constant 0 : i32
    return %c0_i32, %arg0, %c0_i32_0 : i32, i32, i32
  }
  func.func @transform_2(%arg0: i32) -> (i32, i32) {
    %c0_i32 = arith.constant 0 : i32
    %c0_i32_0 = arith.constant 0 : i32
    %c0_i32_1 = arith.constant 0 : i32
    return %c0_i32, %c0_i32_0 : i32, i32
  }
  func.func @transform_3(%arg0: i32) -> (i32, i32) {
    %c0_i32 = arith.constant 0 : i32
    %c0_i32_0 = arith.constant 0 : i32
    return %arg0, %c0_i32 : i32, i32
  }
}

</mosaic_0001>

<sc_bundles>
// kernel: kernel.4.cloned.1.call-start
scs
__scs_entry_jumppad:
0x0: {  	(pc) =	sbr.rel $0x88, $3  }
0x1: {  	(tag) =	ssettag $0x0;
	lr =	simm.s32 $0x1  }
0x2: {  	[smem:$0x3F9C] =	sst lr;
	_ =	strace $0xD0000000  }
0x3: {  	_ = 	snop  }
0x4: {  	_ = 	snop  }
0x5: {  	_ = 	snop  }
0x6: {  	_ = 	snop  }
0x7: {  	_ = 	snop  }
__scs_overlays_trampoline_lowered:
0x8: {  	[smem:$0x3FAB] =	sst s0  }
0x9: {  	[smem:$0x3FAC] =	sst s1  }
0xa: {  	[smem:$0x3FAD] =	sst s2  }
0xb: {  	[smem:$0x3FAE] =	sst s3  }
0xc: {  	[smem:$0x3FAF] =	sst s4  }
0xd: {  	[smem:$0x3FB0] =	sst s5  }
0xe: {  	[smem:$0x3FB1] =	sst s6  }
0xf: {  	[smem:$0x3FB2] =	sst s7  }
0x10: {  	[smem:$0x3FB3] =	sst s8  }
0x11: {  	[smem:$0x3FB4] =	sst s9;
	s0 =	simm.s32 @!p0 $0x0  }
0x12: {  	s1 =	sld [smem:$0x3F9A];
	s0 =	simm.s32 @p0 $0x1  }
0x13: {  	[smem:$0x3FB5] =	sst s0;
	s0 =	simm.s32 @!p1 $0x0  }
0x14: {  	s2 =	sld [smem:$0x3F99];
	s0 =	simm.s32 @p1 $0x1  }
0x15: {  	[smem:$0x3FB6] =	sst s0;
	s0 =	simm.s32 @!p2 $0x0  }
0x16: {  	s3 =	sld [smem:$0x3FDB];
	s0 =	simm.s32 @p2 $0x1  }
0x17: {  	s4 =	simm.s32 $0x1BF5;
	[smem:$0x3FB8] =	sst s0  }
0x18: {  	s0 =	sld [smem:$0x3F9B];
	_ =	swait.ge [sflag:s4], $0x0  }
0x19: {  	s7 =	sld [smem:$0x3F9C]  }
0x1a: {  	s8 =	sadd.s32 $0xFFFFE003, lr  }
0x1b: {  	s9 =	sadd.s32 $0xFFFFFEF7, lr;
	s5 =	simm.s32 $0xFFFFFFFF;
	p2 =	slt.u32 s8, $0xFFFFF086  }
0x1c: {  	p1 =	slt.u32 s9, $0xF7A;
	s5 =	simm.s32 @!p2 $0x0  }
0x1d: {  	s5 =	simm.s32 @p1 $0x1;
	p0 =	seq.s32 s7, s2  }
0x1e: {  	s7 =	smul.u32 @!p0 $0xF7A, s2;
	p2 =	seq.s32 @!p0 s5, $0x0  }
0x1f: {  	s9 =	smul.u32 $0xF7A, s1;
	s8 =	simm.s32 @!p0 $0x1BF5;
	p2 =	por !p2, p0  }
0x20: {  	[sflag:s8] =	ssyncset.s32 @!p0 $0xFFFFF086;
	s6 =	sadd.s32 @!p0 s3, s7;
	s7 =	simm.s32 @!p0 $0x108  }
0x21: {  	s3 =	sadd.s32 s3, s9;
	s6 =	sadd.s32 @!p0 $0x88, s6;
	s7 =	simm.s32 @p2 $0x1082  }
0x22: {  	[simem:s7], [sflag:s8] =	dma.local @!p0 [hbm:s6], $0xF7A  }
0x23: {  	s9 =	sor.u32 $0xD0000000, s2;
	s6 =	simm.s32 $0x108;
	_ =	swait.ge @!p0 [sflag:s8], $0x0  }
0x24: {  	s3 =	sadd.s32 $0x88, s3;
	s6 =	simm.s32 @!p1 $0x1082;
	[sflag:s4] =	ssyncset.s32 $0xFFFFF086  }
0x25: {  	[simem:s6], [sflag:s4] =	dma.local [hbm:s3], $0xF7A  }
0x26: {  	[smem:$0x3F9C] =	sst s1;
	(tag) =	ssettag s2;
	_ =	strace s9  }
0x27: {  	s1 =	sld [smem:$0x3FAC]  }
0x28: {  	s2 =	sld [smem:$0x3FAD]  }
0x29: {  	s4 =	sld [smem:$0x3FAF]  }
0x2a: {  	p0 =	seq.s32 s5, $0x0;
	s5 =	sld [smem:$0x3FB0]  }
0x2b: {  	s6 =	sld [smem:$0x3FB1]  }
0x2c: {  	s7 =	sld [smem:$0x3FB2]  }
0x2d: {  	s3 =	simm.s32 $0x108;
	s8 =	sld [smem:$0x3FB3]  }
0x2e: {  	s3 =	simm.s32 @!p0 $0x1082;
	s9 =	sld [smem:$0x3FB4]  }
0x2f: {  	lr =	sadd.s32 s0, s3;
	s0 =	sld [smem:$0x3FAB]  }
0x30: {  	s3 =	sld [smem:$0x3FAE]  }
0x31: {  	[smem:$0x3FB7] =	sst s10  }
0x32: {  	s10 =	sld [smem:$0x3FB5];
	_ =	sdelay $0x3  }
0x33: {  	p0 =	seq.s32 s10, $0x1;
	s10 =	sld [smem:$0x3FB7];
	_ =	sdelay $0x3  }
0x34: {  	[smem:$0x3FB7] =	sst s10  }
0x35: {  	s10 =	sld [smem:$0x3FB6];
	_ =	sdelay $0x3  }
0x36: {  	p1 =	seq.s32 s10, $0x1;
	s10 =	sld [smem:$0x3FB7];
	_ =	sdelay $0x3  }
0x37: {  	[smem:$0x3FB7] =	sst s10  }
0x38: {  	s10 =	sld [smem:$0x3FB8]  }
0x39: {  	_ = 	snop;
	(pc) =	sbr.ind lr, $3  }
0x3a: {  	_ = 	snop  }
0x3b: {  	_ = 	snop  }
0x3c: {  	p2 =	seq.s32 s10, $0x1;
	s10 =	sld [smem:$0x3FB7]  }
0x3d: {  	_ =	shalt  }
0x3e: {  	_ =	shalt  }
0x3f: {  	_ =	shalt  }
0x40: {  	_ =	shalt  }
0x41: {  	_ =	shalt  }
0x42: {  	_ =	shalt  }
0x43: {  	_ =	shalt  }
0x44: {  	_ =	shalt  }
0x45: {  	_ =	shalt  }
0x46: {  	_ =	shalt  }
0x47: {  	_ =	shalt  }
0x48: {  	_ =	shalt  }
0x49: {  	_ =	shalt  }
0x4a: {  	_ =	shalt  }
0x4b: {  	_ =	shalt  }
0x4c: {  	_ =	shalt  }
0x4d: {  	_ =	shalt  }
0x4e: {  	_ =	shalt  }
0x4f: {  	_ =	shalt  }
0x50: {  	_ =	shalt  }
0x51: {  	_ =	shalt  }
0x52: {  	_ =	shalt  }
0x53: {  	_ =	shalt  }
0x54: {  	_ =	shalt  }
0x55: {  	_ =	shalt  }
0x56: {  	_ =	shalt  }
0x57: {  	_ =	shalt  }
0x58: {  	_ =	shalt  }
0x59: {  	_ =	shalt  }
0x5a: {  	_ =	shalt  }
0x5b: {  	_ =	shalt  }
0x5c: {  	_ =	shalt  }
0x5d: {  	_ =	shalt  }
0x5e: {  	_ =	shalt  }
0x5f: {  	_ =	shalt  }
0x60: {  	_ =	shalt  }
0x61: {  	_ =	shalt  }
0x62: {  	_ =	shalt  }
0x63: {  	_ =	shalt  }
0x64: {  	_ =	shalt  }
0x65: {  	_ =	shalt  }
0x66: {  	_ =	shalt  }
0x67: {  	_ =	shalt  }
0x68: {  	_ =	shalt  }
0x69: {  	_ =	shalt  }
0x6a: {  	_ =	shalt  }
0x6b: {  	_ =	shalt  }
0x6c: {  	_ =	shalt  }
0x6d: {  	_ =	shalt  }
0x6e: {  	_ =	shalt  }
0x6f: {  	_ =	shalt  }
0x70: {  	_ =	shalt  }
0x71: {  	_ =	shalt  }
0x72: {  	_ =	shalt  }
0x73: {  	_ =	shalt  }
0x74: {  	_ =	shalt  }
0x75: {  	_ =	shalt  }
0x76: {  	_ =	shalt  }
0x77: {  	_ =	shalt  }
0x78: {  	_ =	shalt  }
0x79: {  	_ =	shalt  }
0x7a: {  	_ =	shalt  }
0x7b: {  	_ =	shalt  }
0x7c: {  	_ =	shalt  }
0x7d: {  	_ =	shalt  }
0x7e: {  	_ =	shalt  }
0x7f: {  	_ =	shalt  }
0x80: {  	_ =	shalt  }
0x81: {  	_ =	shalt  }
0x82: {  	_ =	shalt  }
0x83: {  	_ =	shalt  }
0x84: {  	_ =	shalt  }
0x85: {  	_ =	shalt  }
0x86: {  	_ =	shalt  }
0x87: {  	_ =	shalt  }
.Lfunc_end0:
.L_simem_size_0:
called_computation_lowered:
.L_overlay_start_0:
0x88: {  	s2 =	sld [smem:$0x3FD9]  }
0x89: {  	s3 =	sld [smem:$0x3FFE];
	_ =	sdelay $0x1  }
0x8a: {  	s1 =	srdreg.scid  }
0x8b: {  	s0 =	sand.u32 $0x1, s1  }
0x8c: {  	s17 =	sshll.u32 s0, $0xA;
	s2 =	sadd.s32 s3, s2  }
0x8d: {  	s2 =	sadd.s32 s2, s17  }
0x8e: {  	[smem:$0x3FC3] =	sst s2  }
0x8f: {  	_ = 	snop  }
0x90: {  	s2 =	sld [smem:$0x3FD0];
	(tm) =	ssettm $0x1  }
0x91: {  	s18 =	sld [smem:$0x3FFB];
	_ =	sdelay $0x3  }
0x92: {  	_ =	strace s18  }
0x93: {  	s3 =	sld [smem:$0x3FFC];
	_ =	sdelay $0x3  }
0x94: {  	_ =	strace s3  }
0x95: {  	s3 =	sld [smem:$0x3FFD];
	_ =	sdelay $0x3  }
0x96: {  	_ =	strace s3  }
0x97: {  	_ =	strace $0x8FFFFFFF  }
0x98: {  	s19 =	sld [smem:$0x3FDB];
	_ =	sdelay $0x1  }
0x99: {  	s4 =	simm.s32 $_scs_section_size  }
0x9a: {  	s5 =	simm.s32 $_size__tile_overlayer_lowered;
	s6 =	simm.s32 $_tile_overlayer_lowered  }
0x9b: {  	s22 =	simm.s32 $0x1BFF;
	s21 =	sshll.u32 s6, $0x1;
	s3 =	sadd.s32 s4, s19  }
0x9c: {  	s7 =	simm.s32 $0x0;
	s20 =	sshll.u32 s5, $0x1;
	s5 =	sadd.s32 s21, s3  }
0x9d: {  	[timem:s7], [sflag:s22] =	dma.local [hbm:s5], s20  }
0x9e: {  	_ =	swait.ge [sflag:s22], s20  }
0x9f: {  	s4 =	ssub.s32 $0x0, s20;
	[sflag:s22] =	ssyncset.done $0x0  }
0xa0: {  	[sflag:s22] =	ssyncadd.s32 s4;
	_ =	sdelay $0x1  }
0xa1: {  	s23 =	simm.s32 $0x1B8B  }
0xa2: {  	_ =	swait.ge [sflag:s23], $0x1  }
0xa3: {  	[sflag:s23] =	ssyncset.done $0x0  }
0xa4: {  	s25 =	simm.s32 $0x1B8E;
	s24 =	sld [smem:$0x3FFE];
	[sflag:s23] =	ssyncadd.s32 $0xFFFFFFFF  }
0xa5: {  	s26 =	simm.s32 $execute0_lowered;
	[smem:$0x3FD2] =	sst s25  }
0xa6: {  	s5 =	sshll.u32 s26, $0x1;
	_ =	strace $0x80000046;
	[dreg:$0x1] =	wrdreg $0xFFFFFFFF  }
0xa7: {  	s28 =	simm.s32 $_size_execute0_lowered;
	s3 =	sadd.s32 s3, s5;
	[dreg:$0x0] =	wrdreg $0x0  }
0xa8: {  	s5 =	sshll.u32 s28, $0x1;
	[dreg:$0x2] =	wrdreg s3  }
0xa9: {  	[dreg:$0x3] =	wrdreg s5  }
0xaa: {  	[dreg:$0x4] =	wrdreg $0xC0  }
0xab: {  	_ =	task [dreg:s7], $0x5FFFF  }
0xac: {  	[dreg:$0x1] =	wrdreg $0xFFFFFFFF  }
0xad: {  	[dreg:$0x0] =	wrdreg $0x60  }
0xae: {  	[dreg:$0x2] =	wrdreg s2  }
0xaf: {  	[dreg:$0x3] =	wrdreg s24  }
0xb0: {  	[dreg:$0x4] =	wrdreg $0x9  }
0xb1: {  	_ =	task.clear_ibuf [dreg:s7], $0x5FFFF;
	_ =	strace $0x90000046  }
0xb2: {  	s29 =	simm.s32 $0x9;
	_ =	strace $0x80000048  }
0xb3: {  	_ =	swait.ge [sflag:s29], $0x1  }
0xb4: {  	[sflag:s29] =	ssyncadd.s32 $0xFFFFFFFF  }
0xb5: {  	_ =	strace $0x90000048  }
0xb6: {  	_ =	sfence  }
0xb7: {  	s30 =	sld [smem:$0x0];
	_ =	sdelay $0x2  }
0xb8: {  	s31 =	sshll.u32 s1, $0xD;
	s1 =	sshrl.u32 s1, $0x2  }
0xb9: {  	s3 =	sand.u32 $0x4000, s31;
	s1 =	sadd.s32 s1, s30  }
0xba: {  	s0 =	sor.u32 s3, s0;
	s1 =	sshll.u32 s1, $0x11  }
0xbb: {  	s0 =	sor.u32 s1, s0  }
0xbc: {  	s0 =	sadd.s32 $0x8F2B, s0  }
0xbd: {  	[sflag:s0] =	ssyncadd.remote.s32 $0x1  }
0xbe: {  	_ =	sfence.sel $0xFFFF  }
0xbf: {  	[dreg:$0x0] =	wrdreg $0xFFFFFFFF;
	(pc) =	sbr.abs _section_cstart, $3  }
0xc0: {  	[dreg:$0x1] =	wrdreg $0xFFFFFFFF  }
0xc1: {  	_ =	task.clear_ibuf [dreg:s7], $0x2FFFF;
	_ =	strace $0x9FFFFFFF  }
0xc2: {  	(tm) =	ssettm $0x7FFFFFFF  }
0xc3: {  	_ =	shalt  }
tec
execute0_lowered:
.L_overlay_start_1:
0x0: {  	(tag) =	ssettag $0x1  }
0x1: {  	s4 =	rddreg [dreg:$0x0]  }
0x2: {  	s5 =	rddreg [dreg:$0x1]  }
0x3: {  	s0 =	rddreg [dreg:$0x2]  }
0x4: {  	s2 =	simm.s32 $0x0;
	s3 =	srdreg.scid;
	s1 =	stileid.u32  }
0x5: {  	s10 =	simm.s32 $0x3;
	s11 =	simm.s32 $0x640;
	s12 =	simm.s32 $0x1900  }
0x6: {  	s13 =	simm.s32 $0x7D00;
	s14 =	simm.s32 $0x1;
	s15 =	simm.s32 $0xC80  }
0x7: {  	s16 =	simm.s32 $0x800;
	s17 =	simm.s32 $0x40000;
	s18 =	simm.s32 $0xE100  }
0x8: {  	s19 =	simm.s32 $0x2;
	s20 =	simm.s32 $0x12C0;
	s21 =	simm.s32 $0x0  }
0x9: {  	[smem:$0x7FF] =	sst s2;
	s3 =	sand.u32 $0x1, s3;
	s6 =	sshll.u32 s1, $0x1  }
0xa: {  	_ =	strace $0x80000047;
	s6 =	sor.u32 s3, s6;
	s7 =	ssub.s32 $0x2, s3  }
0xb: {  	v0 =	vlaneseq.u32;
	s8 =	sshll.u32 s6, $0xA;
	s9 =	sshrl.u32 s7, $0x1;
	s6 =	smul.u32 $0x320, s6  }
0xc: {  	v0 =	vmul.u32 $0x10, v0;
	s3 =	sadd.s32 $0x187800, s5;
	s8 =	sadd.s32 s8, s5;
	s9 =	ssub.s32 s7, s9  }
0xd: {  	v1 =	vimm.s32 $0x310;
	vm0 =	vcmask $0x300;
	s4 =	sadd.s32 s4, s6;
	s5 =	sadd.s32 $0xE00, s8;
	s6 =	sadd.s32 $0xF00, s8  }
0xe: {  	v1 =	vsel vm0, $0x300, v1;
	v2 =	vor.u32 $0x200, v0;
	v3 =	vor.u32 $0x100, v0;
	s7 =	sadd.s32 $0x1000, s8;
	s8 =	sadd.s32 $0x1100, s8;
	s9 =	smax.u32 s9, $0x1  }
.LBB2_1:
0xf: {  	[tilespmem:s2], [sflag:$0x3] =	stream.linear.gather [hbm4b:s4+s2], $0x1900, $0x38;
	[tilespmem:$0x13100] =	vst v63  }
0x10: {  	_ =	swait.ge [sflag:s10], $0x1900  }
0x11: {  	[sflag:s10] =	ssyncset.done $0x0  }
0x12: {  	v4 =	vmov s2;
	[sflag:s10] =	ssyncadd.s32 $0xFFFFE700  }
0x13: {  	v4 =	vshll.u32 v4, $0x4;
	[tilespmem:s12], [sflag:$0x1] =	stream.indirect.gather [hbm4b:s3+s11], $0x10, s2, s11, $0xb8;
	[tilespmem:$0x13100] =	vst v63  }
0x14: {  	v5 =	vadd.s32 v0, v4  }
0x15: {  	[tilespmem:s13], [sflag:$0x2] =	stream.indirect.gather [hbm4b:s3+s11], $0x10, s11, s11, $0xb8;
	[tilespmem:$0x13100] =	vst v63  }
0x16: {  	_ =	swait.ge [sflag:s14], $0x6400  }
0x17: {  	[sflag:s14] =	ssyncset.done $0x0  }
0x18: {  	[sflag:s14] =	ssyncadd.s32 $0xFFFF9C00  }
0x19: {  	v6 =	vld.idx.msk [tilespmem:v5+s12+$0x0], $0xffff  }
0x1a: {  	v7 =	vor.u32 $0x1, v5;
	_ =	sdelay $0x2  }
0x1b: {  	s22 =	simm.s32 $0x0  }
0x1c: {  	[tilespmem:s22+$0xE100] =	vst v6  }
0x1d: {  	v6 =	vld.idx.msk [tilespmem:v7+s12+$0x0], $0xffff  }
0x1e: {  	v7 =	vor.u32 $0x2, v5;
	_ =	sdelay $0x3  }
0x1f: {  	[tilespmem:s22+$0xE900] =	vst v6  }
0x20: {  	v6 =	vld.idx.msk [tilespmem:v7+s12+$0x0], $0xffff  }
0x21: {  	v7 =	vor.u32 $0x3, v5;
	_ =	sdelay $0x3  }
0x22: {  	[tilespmem:s22+$0xF100] =	vst v6  }
0x23: {  	v6 =	vld.idx.msk [tilespmem:v7+s12+$0x0], $0xffff  }
0x24: {  	v7 =	vor.u32 $0x4, v5;
	_ =	sdelay $0x3  }
0x25: {  	[tilespmem:s22+$0xF900] =	vst v6  }
0x26: {  	v6 =	vld.idx.msk [tilespmem:v7+s12+$0x0], $0xffff  }
0x27: {  	v7 =	vor.u32 $0x5, v5;
	_ =	sdelay $0x3  }
0x28: {  	[tilespmem:s22+$0x10100] =	vst v6  }
0x29: {  	v6 =	vld.idx.msk [tilespmem:v7+s12+$0x0], $0xffff  }
0x2a: {  	v7 =	vor.u32 $0x6, v5;
	_ =	sdelay $0x3  }
0x2b: {  	[tilespmem:s22+$0x10900] =	vst v6  }
0x2c: {  	v6 =	vld.idx.msk [tilespmem:v7+s12+$0x0], $0xffff  }
0x2d: {  	v7 =	vor.u32 $0x7, v5;
	_ =	sdelay $0x3  }
0x2e: {  	[tilespmem:s22+$0x11100] =	vst v6  }
0x2f: {  	v6 =	vld.idx.msk [tilespmem:v7+s12+$0x0], $0xffff  }
0x30: {  	v7 =	vor.u32 $0x8, v5;
	_ =	sdelay $0x3  }
0x31: {  	[tilespmem:s22+$0x11900] =	vst v6  }
0x32: {  	v6 =	vld.idx.msk [tilespmem:v7+s12+$0x0], $0xffff  }
0x33: {  	v5 =	vor.u32 $0x9, v5;
	_ =	sdelay $0x3  }
0x34: {  	[tilespmem:s22+$0x12100] =	vst v6  }
0x35: {  	v5 =	vld.idx.msk [tilespmem:v5+s12+$0x0], $0xffff  }
0x36: {  	v6 =	vadd.s32 v3, v4;
	_ =	sdelay $0x3  }
0x37: {  	[tilespmem:s22+$0x12900] =	vst v5  }
0x38: {  	v5 =	vld.idx.msk [tilespmem:v6+s12+$0x0], $0xffff  }
0x39: {  	v7 =	vor.u32 $0x1, v6;
	_ =	sdelay $0x3  }
0x3a: {  	[tilespmem:s22+$0xE110] =	vst v5  }
0x3b: {  	v5 =	vld.idx.msk [tilespmem:v7+s12+$0x0], $0xffff  }
0x3c: {  	v7 =	vor.u32 $0x2, v6;
	_ =	sdelay $0x3  }
0x3d: {  	[tilespmem:s22+$0xE910] =	vst v5  }
0x3e: {  	v5 =	vld.idx.msk [tilespmem:v7+s12+$0x0], $0xffff  }
0x3f: {  	v7 =	vor.u32 $0x3, v6;
	_ =	sdelay $0x3  }
0x40: {  	[tilespmem:s22+$0xF110] =	vst v5  }
0x41: {  	v5 =	vld.idx.msk [tilespmem:v7+s12+$0x0], $0xffff  }
0x42: {  	v7 =	vor.u32 $0x4, v6;
	_ =	sdelay $0x3  }
0x43: {  	[tilespmem:s22+$0xF910] =	vst v5  }
0x44: {  	v5 =	vld.idx.msk [tilespmem:v7+s12+$0x0], $0xffff  }
0x45: {  	v7 =	vor.u32 $0x5, v6;
	_ =	sdelay $0x3  }
0x46: {  	[tilespmem:s22+$0x10110] =	vst v5  }
0x47: {  	v5 =	vld.idx.msk [tilespmem:v7+s12+$0x0], $0xffff  }
0x48: {  	v7 =	vor.u32 $0x6, v6;
	_ =	sdelay $0x3  }
0x49: {  	[tilespmem:s22+$0x10910] =	vst v5  }
0x4a: {  	v5 =	vld.idx.msk [tilespmem:v7+s12+$0x0], $0xffff  }
0x4b: {  	v7 =	vor.u32 $0x7, v6;
	_ =	sdelay $0x3  }
0x4c: {  	[tilespmem:s22+$0x11110] =	vst v5  }
0x4d: {  	v5 =	vld.idx.msk [tilespmem:v7+s12+$0x0], $0xffff  }
0x4e: {  	v7 =	vor.u32 $0x8, v6;
	_ =	sdelay $0x3  }
0x4f: {  	[tilespmem:s22+$0x11910] =	vst v5  }
0x50: {  	v5 =	vld.idx.msk [tilespmem:v7+s12+$0x0], $0xffff  }
0x51: {  	v6 =	vor.u32 $0x9, v6;
	_ =	sdelay $0x3  }
0x52: {  	[tilespmem:s22+$0x12110] =	vst v5  }
0x53: {  	v5 =	vld.idx.msk [tilespmem:v6+s12+$0x0], $0xffff  }
0x54: {  	v6 =	vadd.s32 v2, v4;
	_ =	sdelay $0x3  }
0x55: {  	[tilespmem:s22+$0x12910] =	vst v5  }
0x56: {  	v5 =	vld.idx.msk [tilespmem:v6+s12+$0x0], $0xffff  }
0x57: {  	v7 =	vor.u32 $0x1, v6;
	_ =	sdelay $0x3  }
0x58: {  	[tilespmem:s22+$0xE120] =	vst v5  }
0x59: {  	v5 =	vld.idx.msk [tilespmem:v7+s12+$0x0], $0xffff  }
0x5a: {  	v7 =	vor.u32 $0x2, v6;
	_ =	sdelay $0x3  }
0x5b: {  	[tilespmem:s22+$0xE920] =	vst v5  }
0x5c: {  	v5 =	vld.idx.msk [tilespmem:v7+s12+$0x0], $0xffff  }
0x5d: {  	v7 =	vor.u32 $0x3, v6;
	_ =	sdelay $0x3  }
0x5e: {  	[tilespmem:s22+$0xF120] =	vst v5  }
0x5f: {  	v5 =	vld.idx.msk [tilespmem:v7+s12+$0x0], $0xffff  }
0x60: {  	v7 =	vor.u32 $0x4, v6;
	_ =	sdelay $0x3  }
0x61: {  	[tilespmem:s22+$0xF920] =	vst v5  }
0x62: {  	v5 =	vld.idx.msk [tilespmem:v7+s12+$0x0], $0xffff  }
0x63: {  	v7 =	vor.u32 $0x5, v6;
	_ =	sdelay $0x3  }
0x64: {  	[tilespmem:s22+$0x10120] =	vst v5  }
0x65: {  	v5 =	vld.idx.msk [tilespmem:v7+s12+$0x0], $0xffff  }
0x66: {  	v7 =	vor.u32 $0x6, v6;
	_ =	sdelay $0x3  }
0x67: {  	[tilespmem:s22+$0x10920] =	vst v5  }
0x68: {  	v5 =	vld.idx.msk [tilespmem:v7+s12+$0x0], $0xffff  }
0x69: {  	v7 =	vor.u32 $0x7, v6;
	_ =	sdelay $0x3  }
0x6a: {  	[tilespmem:s22+$0x11120] =	vst v5  }
0x6b: {  	v5 =	vld.idx.msk [tilespmem:v7+s12+$0x0], $0xffff  }
0x6c: {  	v7 =	vor.u32 $0x8, v6;
	_ =	sdelay $0x3  }
0x6d: {  	[tilespmem:s22+$0x11920] =	vst v5  }
0x6e: {  	v5 =	vld.idx.msk [tilespmem:v7+s12+$0x0], $0xffff  }
0x6f: {  	v6 =	vor.u32 $0x9, v6;
	_ =	sdelay $0x3  }
0x70: {  	[tilespmem:s22+$0x12120] =	vst v5  }
0x71: {  	v5 =	vld.idx.msk [tilespmem:v6+s12+$0x0], $0xffff  }
0x72: {  	v4 =	vadd.s32 v1, v4;
	_ =	sdelay $0x3  }
0x73: {  	[tilespmem:s22+$0x12920] =	vst v5  }
0x74: {  	v5 =	vld.idx.msk [tilespmem:v4+s12+$0x0], $0xffff  }
0x75: {  	v6 =	vor.u32 $0x1, v4;
	_ =	sdelay $0x3  }
0x76: {  	[tilespmem:s22+$0xE130] =	vst v5  }
0x77: {  	v5 =	vld.idx.msk [tilespmem:v6+s12+$0x0], $0xffff  }
0x78: {  	v6 =	vor.u32 $0x2, v4;
	_ =	sdelay $0x3  }
0x79: {  	[tilespmem:s22+$0xE930] =	vst v5  }
0x7a: {  	v5 =	vld.idx.msk [tilespmem:v6+s12+$0x0], $0xffff  }
0x7b: {  	v6 =	vor.u32 $0x3, v4;
	_ =	sdelay $0x3  }
0x7c: {  	[tilespmem:s22+$0xF130] =	vst v5  }
0x7d: {  	v5 =	vld.idx.msk [tilespmem:v6+s12+$0x0], $0xffff  }
0x7e: {  	v6 =	vor.u32 $0x4, v4;
	_ =	sdelay $0x3  }
0x7f: {  	[tilespmem:s22+$0xF930] =	vst v5  }
0x80: {  	v5 =	vld.idx.msk [tilespmem:v6+s12+$0x0], $0xffff  }
0x81: {  	v6 =	vor.u32 $0x5, v4;
	_ =	sdelay $0x3  }
0x82: {  	[tilespmem:s22+$0x10130] =	vst v5  }
0x83: {  	v5 =	vld.idx.msk [tilespmem:v6+s12+$0x0], $0xffff  }
0x84: {  	v6 =	vor.u32 $0x6, v4;
	_ =	sdelay $0x3  }
0x85: {  	[tilespmem:s22+$0x10930] =	vst v5  }
0x86: {  	v5 =	vld.idx.msk [tilespmem:v6+s12+$0x0], $0xffff  }
0x87: {  	v6 =	vor.u32 $0x7, v4;
	_ =	sdelay $0x3  }
0x88: {  	[tilespmem:s22+$0x11130] =	vst v5  }
0x89: {  	v5 =	vld.idx.msk [tilespmem:v6+s12+$0x0], $0xffff  }
0x8a: {  	v6 =	vor.u32 $0x8, v4;
	_ =	sdelay $0x3  }
0x8b: {  	[tilespmem:s22+$0x11930] =	vst v5  }
0x8c: {  	v5 =	vld.idx.msk [tilespmem:v6+s12+$0x0], $0xffff  }
0x8d: {  	v6 =	vor.u32 $0x9, v4;
	_ =	sdelay $0x3  }
0x8e: {  	s24 =	simm.s32 $0x32;
	[tilespmem:s22+$0x12130] =	vst v5  }
0x8f: {  	s23 =	simm.s32 $0x100;
	s25 =	simm.s32 $0x200;
	v4 =	vmov s24;
	v5 =	vld.idx.msk [tilespmem:v6+s12+$0x0], $0xffff  }
.LBB2_2:
0x90: {  	p0 =	sne.s32 s25, $0x1F00;
	v4 =	vshll.u32 v4, $0x4  }
0x91: {  	v6 =	vadd.s32 v0, v4;
	_ =	sdelay $0x3  }
0x92: {  	[tilespmem:s22+$0x12930] =	vst v5  }
0x93: {  	v5 =	vld.idx.msk [tilespmem:v6+s12+$0x0], $0xffff;
	_ =	sdelay $0x1  }
0x94: {  	v7 =	vor.u32 $0x1, v6;
	_ =	sdelay $0x2  }
0x95: {  	s22 =	sshra.s32 s23, $0x2;
	s23 =	smov.u32 s25  }
0x96: {  	[tilespmem:s22+$0xE100] =	vst v5  }
0x97: {  	v5 =	vld.idx.msk [tilespmem:v7+s12+$0x0], $0xffff;
	_ =	sdelay $0x1  }
0x98: {  	v7 =	vor.u32 $0x2, v6;
	_ =	sdelay $0x3  }
0x99: {  	[tilespmem:s22+$0xE900] =	vst v5  }
0x9a: {  	v5 =	vld.idx.msk [tilespmem:v7+s12+$0x0], $0xffff;
	_ =	sdelay $0x1  }
0x9b: {  	v7 =	vor.u32 $0x3, v6;
	_ =	sdelay $0x3  }
0x9c: {  	[tilespmem:s22+$0xF100] =	vst v5  }
0x9d: {  	v5 =	vld.idx.msk [tilespmem:v7+s12+$0x0], $0xffff;
	_ =	sdelay $0x1  }
0x9e: {  	v7 =	vor.u32 $0x4, v6;
	_ =	sdelay $0x3  }
0x9f: {  	[tilespmem:s22+$0xF900] =	vst v5  }
0xa0: {  	v5 =	vld.idx.msk [tilespmem:v7+s12+$0x0], $0xffff;
	_ =	sdelay $0x1  }
0xa1: {  	v7 =	vor.u32 $0x5, v6;
	_ =	sdelay $0x3  }
0xa2: {  	[tilespmem:s22+$0x10100] =	vst v5  }
0xa3: {  	v5 =	vld.idx.msk [tilespmem:v7+s12+$0x0], $0xffff;
	_ =	sdelay $0x1  }
0xa4: {  	v7 =	vor.u32 $0x6, v6;
	_ =	sdelay $0x3  }
0xa5: {  	[tilespmem:s22+$0x10900] =	vst v5  }
0xa6: {  	v5 =	vld.idx.msk [tilespmem:v7+s12+$0x0], $0xffff;
	_ =	sdelay $0x1  }
0xa7: {  	v7 =	vor.u32 $0x7, v6;
	_ =	sdelay $0x3  }
0xa8: {  	[tilespmem:s22+$0x11100] =	vst v5  }
0xa9: {  	v5 =	vld.idx.msk [tilespmem:v7+s12+$0x0], $0xffff;
	_ =	sdelay $0x1  }
0xaa: {  	v7 =	vor.u32 $0x8, v6;
	_ =	sdelay $0x3  }
0xab: {  	[tilespmem:s22+$0x11900] =	vst v5  }
0xac: {  	v5 =	vld.idx.msk [tilespmem:v7+s12+$0x0], $0xffff;
	_ =	sdelay $0x1  }
0xad: {  	v6 =	vor.u32 $0x9, v6;
	_ =	sdelay $0x3  }
0xae: {  	[tilespmem:s22+$0x12100] =	vst v5  }
0xaf: {  	v5 =	vld.idx.msk [tilespmem:v6+s12+$0x0], $0xffff;
	_ =	sdelay $0x1  }
0xb0: {  	v6 =	vadd.s32 v3, v4;
	_ =	sdelay $0x3  }
0xb1: {  	[tilespmem:s22+$0x12900] =	vst v5  }
0xb2: {  	v5 =	vld.idx.msk [tilespmem:v6+s12+$0x0], $0xffff;
	_ =	sdelay $0x1  }
0xb3: {  	v7 =	vor.u32 $0x1, v6;
	_ =	sdelay $0x3  }
0xb4: {  	[tilespmem:s22+$0xE110] =	vst v5  }
0xb5: {  	v5 =	vld.idx.msk [tilespmem:v7+s12+$0x0], $0xffff;
	_ =	sdelay $0x1  }
0xb6: {  	v7 =	vor.u32 $0x2, v6;
	_ =	sdelay $0x3  }
0xb7: {  	[tilespmem:s22+$0xE910] =	vst v5  }
0xb8: {  	v5 =	vld.idx.msk [tilespmem:v7+s12+$0x0], $0xffff;
	_ =	sdelay $0x1  }
0xb9: {  	v7 =	vor.u32 $0x3, v6;
	_ =	sdelay $0x3  }
0xba: {  	[tilespmem:s22+$0xF110] =	vst v5  }
0xbb: {  	v5 =	vld.idx.msk [tilespmem:v7+s12+$0x0], $0xffff;
	_ =	sdelay $0x1  }
0xbc: {  	v7 =	vor.u32 $0x4, v6;
	_ =	sdelay $0x3  }
0xbd: {  	[tilespmem:s22+$0xF910] =	vst v5  }
0xbe: {  	v5 =	vld.idx.msk [tilespmem:v7+s12+$0x0], $0xffff;
	_ =	sdelay $0x1  }
0xbf: {  	v7 =	vor.u32 $0x5, v6;
	_ =	sdelay $0x3  }
0xc0: {  	[tilespmem:s22+$0x10110] =	vst v5  }
0xc1: {  	v5 =	vld.idx.msk [tilespmem:v7+s12+$0x0], $0xffff;
	_ =	sdelay $0x1  }
0xc2: {  	v7 =	vor.u32 $0x6, v6;
	_ =	sdelay $0x3  }
0xc3: {  	[tilespmem:s22+$0x10910] =	vst v5  }
0xc4: {  	v5 =	vld.idx.msk [tilespmem:v7+s12+$0x0], $0xffff;
	_ =	sdelay $0x1  }
0xc5: {  	v7 =	vor.u32 $0x7, v6;
	_ =	sdelay $0x3  }
0xc6: {  	[tilespmem:s22+$0x11110] =	vst v5  }
0xc7: {  	v5 =	vld.idx.msk [tilespmem:v7+s12+$0x0], $0xffff;
	_ =	sdelay $0x1  }
0xc8: {  	v7 =	vor.u32 $0x8, v6;
	_ =	sdelay $0x3  }
0xc9: {  	[tilespmem:s22+$0x11910] =	vst v5  }
0xca: {  	v5 =	vld.idx.msk [tilespmem:v7+s12+$0x0], $0xffff;
	_ =	sdelay $0x1  }
0xcb: {  	v6 =	vor.u32 $0x9, v6;
	_ =	sdelay $0x3  }
0xcc: {  	[tilespmem:s22+$0x12110] =	vst v5  }
0xcd: {  	v5 =	vld.idx.msk [tilespmem:v6+s12+$0x0], $0xffff;
	_ =	sdelay $0x1  }
0xce: {  	v6 =	vadd.s32 v2, v4;
	_ =	sdelay $0x3  }
0xcf: {  	[tilespmem:s22+$0x12910] =	vst v5  }
0xd0: {  	v5 =	vld.idx.msk [tilespmem:v6+s12+$0x0], $0xffff;
	_ =	sdelay $0x1  }
0xd1: {  	v7 =	vor.u32 $0x1, v6;
	_ =	sdelay $0x3  }
0xd2: {  	[tilespmem:s22+$0xE120] =	vst v5  }
0xd3: {  	v5 =	vld.idx.msk [tilespmem:v7+s12+$0x0], $0xffff;
	_ =	sdelay $0x1  }
0xd4: {  	v7 =	vor.u32 $0x2, v6;
	_ =	sdelay $0x3  }
0xd5: {  	[tilespmem:s22+$0xE920] =	vst v5  }
0xd6: {  	v5 =	vld.idx.msk [tilespmem:v7+s12+$0x0], $0xffff;
	_ =	sdelay $0x1  }
0xd7: {  	v7 =	vor.u32 $0x3, v6;
	_ =	sdelay $0x3  }
0xd8: {  	[tilespmem:s22+$0xF120] =	vst v5  }
0xd9: {  	v5 =	vld.idx.msk [tilespmem:v7+s12+$0x0], $0xffff;
	_ =	sdelay $0x1  }
0xda: {  	v7 =	vor.u32 $0x4, v6;
	_ =	sdelay $0x3  }
0xdb: {  	[tilespmem:s22+$0xF920] =	vst v5  }
0xdc: {  	v5 =	vld.idx.msk [tilespmem:v7+s12+$0x0], $0xffff;
	_ =	sdelay $0x1  }
0xdd: {  	v7 =	vor.u32 $0x5, v6;
	_ =	sdelay $0x3  }
0xde: {  	[tilespmem:s22+$0x10120] =	vst v5  }
0xdf: {  	v5 =	vld.idx.msk [tilespmem:v7+s12+$0x0], $0xffff;
	_ =	sdelay $0x1  }
0xe0: {  	v7 =	vor.u32 $0x6, v6;
	_ =	sdelay $0x3  }
0xe1: {  	[tilespmem:s22+$0x10920] =	vst v5  }
0xe2: {  	v5 =	vld.idx.msk [tilespmem:v7+s12+$0x0], $0xffff;
	_ =	sdelay $0x1  }
0xe3: {  	v7 =	vor.u32 $0x7, v6;
	_ =	sdelay $0x3  }
0xe4: {  	[tilespmem:s22+$0x11120] =	vst v5  }
0xe5: {  	v5 =	vld.idx.msk [tilespmem:v7+s12+$0x0], $0xffff;
	_ =	sdelay $0x1  }
0xe6: {  	v7 =	vor.u32 $0x8, v6;
	_ =	sdelay $0x3  }
0xe7: {  	[tilespmem:s22+$0x11920] =	vst v5  }
0xe8: {  	v5 =	vld.idx.msk [tilespmem:v7+s12+$0x0], $0xffff;
	_ =	sdelay $0x1  }
0xe9: {  	v6 =	vor.u32 $0x9, v6;
	_ =	sdelay $0x3  }
0xea: {  	[tilespmem:s22+$0x12120] =	vst v5  }
0xeb: {  	v5 =	vld.idx.msk [tilespmem:v6+s12+$0x0], $0xffff;
	_ =	sdelay $0x1  }
0xec: {  	v4 =	vadd.s32 v1, v4;
	_ =	sdelay $0x3  }
0xed: {  	[tilespmem:s22+$0x12920] =	vst v5  }
0xee: {  	v5 =	vld.idx.msk [tilespmem:v4+s12+$0x0], $0xffff;
	_ =	sdelay $0x1  }
0xef: {  	v6 =	vor.u32 $0x1, v4;
	_ =	sdelay $0x3  }
0xf0: {  	[tilespmem:s22+$0xE130] =	vst v5  }
0xf1: {  	v5 =	vld.idx.msk [tilespmem:v6+s12+$0x0], $0xffff;
	_ =	sdelay $0x1  }
0xf2: {  	v6 =	vor.u32 $0x2, v4;
	_ =	sdelay $0x3  }
0xf3: {  	[tilespmem:s22+$0xE930] =	vst v5  }
0xf4: {  	v5 =	vld.idx.msk [tilespmem:v6+s12+$0x0], $0xffff;
	_ =	sdelay $0x1  }
0xf5: {  	v6 =	vor.u32 $0x3, v4;
	_ =	sdelay $0x3  }
0xf6: {  	[tilespmem:s22+$0xF130] =	vst v5  }
0xf7: {  	v5 =	vld.idx.msk [tilespmem:v6+s12+$0x0], $0xffff;
	_ =	sdelay $0x1  }
0xf8: {  	v6 =	vor.u32 $0x4, v4;
	_ =	sdelay $0x3  }
0xf9: {  	[tilespmem:s22+$0xF930] =	vst v5  }
0xfa: {  	v5 =	vld.idx.msk [tilespmem:v6+s12+$0x0], $0xffff;
	_ =	sdelay $0x1  }
0xfb: {  	v6 =	vor.u32 $0x5, v4;
	_ =	sdelay $0x3  }
0xfc: {  	[tilespmem:s22+$0x10130] =	vst v5  }
0xfd: {  	v5 =	vld.idx.msk [tilespmem:v6+s12+$0x0], $0xffff;
	_ =	sdelay $0x1  }
0xfe: {  	v6 =	vor.u32 $0x6, v4;
	_ =	sdelay $0x3  }
0xff: {  	[tilespmem:s22+$0x10930] =	vst v5  }
0x100: {  	v5 =	vld.idx.msk [tilespmem:v6+s12+$0x0], $0xffff;
	_ =	sdelay $0x1  }
0x101: {  	v6 =	vor.u32 $0x7, v4;
	_ =	sdelay $0x3  }
0x102: {  	[tilespmem:s22+$0x11130] =	vst v5  }
0x103: {  	v5 =	vld.idx.msk [tilespmem:v6+s12+$0x0], $0xffff;
	_ =	sdelay $0x1  }
0x104: {  	v6 =	vor.u32 $0x8, v4;
	_ =	sdelay $0x3  }
0x105: {  	[tilespmem:s22+$0x11930] =	vst v5  }
0x106: {  	v5 =	vld.idx.msk [tilespmem:v6+s12+$0x0], $0xffff;
	_ =	sdelay $0x1  }
0x107: {  	v6 =	vor.u32 $0x9, v4  }
.Ltmp0:
0x108: {  	(pc) =	sbr.rel @p0 .LBB2_2-.Ltmp0, $3  }
0x109: {  	_ =	sdelay $0x1  }
0x10a: {  	s24 =	sadd.s32 $0x32, s24;
	[tilespmem:s22+$0x12130] =	vst v5  }
0x10b: {  	s25 =	sadd.s32 $0x100, s25;
	v4 =	vmov s24;
	v5 =	vld.idx.msk [tilespmem:v6+s12+$0x0], $0xffff  }
0x10c: {  	v4 =	vshll.u32 v4, $0x4  }
0x10d: {  	v6 =	vadd.s32 v0, v4;
	_ =	sdelay $0x3  }
0x10e: {  	[tilespmem:s22+$0x12930] =	vst v5  }
0x10f: {  	v5 =	vld.idx.msk [tilespmem:v6+s12+$0x0], $0xffff  }
0x110: {  	v7 =	vor.u32 $0x1, v6;
	_ =	sdelay $0x2  }
0x111: {  	s30 =	sshra.s32 s23, $0x2  }
0x112: {  	[tilespmem:s30+$0xE100] =	vst v5  }
0x113: {  	v5 =	vld.idx.msk [tilespmem:v7+s12+$0x0], $0xffff  }
0x114: {  	v7 =	vor.u32 $0x2, v6;
	_ =	sdelay $0x3  }
0x115: {  	[tilespmem:s30+$0xE900] =	vst v5  }
0x116: {  	v5 =	vld.idx.msk [tilespmem:v7+s12+$0x0], $0xffff  }
0x117: {  	v7 =	vor.u32 $0x3, v6;
	_ =	sdelay $0x3  }
0x118: {  	[tilespmem:s30+$0xF100] =	vst v5  }
0x119: {  	v5 =	vld.idx.msk [tilespmem:v7+s12+$0x0], $0xffff  }
0x11a: {  	v7 =	vor.u32 $0x4, v6;
	_ =	sdelay $0x3  }
0x11b: {  	[tilespmem:s30+$0xF900] =	vst v5  }
0x11c: {  	v5 =	vld.idx.msk [tilespmem:v7+s12+$0x0], $0xffff  }
0x11d: {  	v7 =	vor.u32 $0x5, v6;
	_ =	sdelay $0x3  }
0x11e: {  	[tilespmem:s30+$0x10100] =	vst v5  }
0x11f: {  	v5 =	vld.idx.msk [tilespmem:v7+s12+$0x0], $0xffff  }
0x120: {  	v7 =	vor.u32 $0x6, v6;
	_ =	sdelay $0x3  }
0x121: {  	[tilespmem:s30+$0x10900] =	vst v5  }
0x122: {  	v5 =	vld.idx.msk [tilespmem:v7+s12+$0x0], $0xffff  }
0x123: {  	v7 =	vor.u32 $0x7, v6;
	_ =	sdelay $0x3  }
0x124: {  	[tilespmem:s30+$0x11100] =	vst v5  }
0x125: {  	v5 =	vld.idx.msk [tilespmem:v7+s12+$0x0], $0xffff  }
0x126: {  	v7 =	vor.u32 $0x8, v6;
	_ =	sdelay $0x3  }
0x127: {  	[tilespmem:s30+$0x11900] =	vst v5  }
0x128: {  	v5 =	vld.idx.msk [tilespmem:v7+s12+$0x0], $0xffff  }
0x129: {  	v6 =	vor.u32 $0x9, v6;
	_ =	sdelay $0x3  }
0x12a: {  	[tilespmem:s30+$0x12100] =	vst v5  }
0x12b: {  	v5 =	vld.idx.msk [tilespmem:v6+s12+$0x0], $0xffff  }
0x12c: {  	v6 =	vadd.s32 v3, v4;
	_ =	sdelay $0x3  }
0x12d: {  	[tilespmem:s30+$0x12900] =	vst v5  }
0x12e: {  	v5 =	vld.idx.msk [tilespmem:v6+s12+$0x0], $0xffff  }
0x12f: {  	v7 =	vor.u32 $0x1, v6;
	_ =	sdelay $0x3  }
0x130: {  	[tilespmem:s30+$0xE110] =	vst v5  }
0x131: {  	v5 =	vld.idx.msk [tilespmem:v7+s12+$0x0], $0xffff  }
0x132: {  	v7 =	vor.u32 $0x2, v6;
	_ =	sdelay $0x3  }
0x133: {  	[tilespmem:s30+$0xE910] =	vst v5  }
0x134: {  	v5 =	vld.idx.msk [tilespmem:v7+s12+$0x0], $0xffff  }
0x135: {  	v7 =	vor.u32 $0x3, v6;
	_ =	sdelay $0x3  }
0x136: {  	[tilespmem:s30+$0xF110] =	vst v5  }
0x137: {  	v5 =	vld.idx.msk [tilespmem:v7+s12+$0x0], $0xffff  }
0x138: {  	v7 =	vor.u32 $0x4, v6;
	_ =	sdelay $0x3  }
0x139: {  	[tilespmem:s30+$0xF910] =	vst v5  }
0x13a: {  	v5 =	vld.idx.msk [tilespmem:v7+s12+$0x0], $0xffff  }
0x13b: {  	v7 =	vor.u32 $0x5, v6;
	_ =	sdelay $0x3  }
0x13c: {  	[tilespmem:s30+$0x10110] =	vst v5  }
0x13d: {  	v5 =	vld.idx.msk [tilespmem:v7+s12+$0x0], $0xffff  }
0x13e: {  	v7 =	vor.u32 $0x6, v6;
	_ =	sdelay $0x3  }
0x13f: {  	[tilespmem:s30+$0x10910] =	vst v5  }
0x140: {  	v5 =	vld.idx.msk [tilespmem:v7+s12+$0x0], $0xffff  }
0x141: {  	v7 =	vor.u32 $0x7, v6;
	_ =	sdelay $0x3  }
0x142: {  	[tilespmem:s30+$0x11110] =	vst v5  }
0x143: {  	v5 =	vld.idx.msk [tilespmem:v7+s12+$0x0], $0xffff  }
0x144: {  	v7 =	vor.u32 $0x8, v6;
	_ =	sdelay $0x3  }
0x145: {  	[tilespmem:s30+$0x11910] =	vst v5  }
0x146: {  	v5 =	vld.idx.msk [tilespmem:v7+s12+$0x0], $0xffff  }
0x147: {  	v6 =	vor.u32 $0x9, v6;
	_ =	sdelay $0x3  }
0x148: {  	[tilespmem:s30+$0x12110] =	vst v5  }
0x149: {  	v5 =	vld.idx.msk [tilespmem:v6+s12+$0x0], $0xffff  }
0x14a: {  	v6 =	vadd.s32 v2, v4;
	_ =	sdelay $0x3  }
0x14b: {  	[tilespmem:s30+$0x12910] =	vst v5  }
0x14c: {  	v5 =	vld.idx.msk [tilespmem:v6+s12+$0x0], $0xffff  }
0x14d: {  	v7 =	vor.u32 $0x1, v6;
	_ =	sdelay $0x3  }
0x14e: {  	[tilespmem:s30+$0xE120] =	vst v5  }
0x14f: {  	v5 =	vld.idx.msk [tilespmem:v7+s12+$0x0], $0xffff  }
0x150: {  	v7 =	vor.u32 $0x2, v6;
	_ =	sdelay $0x3  }
0x151: {  	[tilespmem:s30+$0xE920] =	vst v5  }
0x152: {  	v5 =	vld.idx.msk [tilespmem:v7+s12+$0x0], $0xffff  }
0x153: {  	v7 =	vor.u32 $0x3, v6;
	_ =	sdelay $0x3  }
0x154: {  	[tilespmem:s30+$0xF120] =	vst v5  }
0x155: {  	v5 =	vld.idx.msk [tilespmem:v7+s12+$0x0], $0xffff  }
0x156: {  	v7 =	vor.u32 $0x4, v6;
	_ =	sdelay $0x3  }
0x157: {  	[tilespmem:s30+$0xF920] =	vst v5  }
0x158: {  	v5 =	vld.idx.msk [tilespmem:v7+s12+$0x0], $0xffff  }
0x159: {  	v7 =	vor.u32 $0x5, v6;
	_ =	sdelay $0x3  }
0x15a: {  	[tilespmem:s30+$0x10120] =	vst v5  }
0x15b: {  	v5 =	vld.idx.msk [tilespmem:v7+s12+$0x0], $0xffff  }
0x15c: {  	v7 =	vor.u32 $0x6, v6;
	_ =	sdelay $0x3  }
0x15d: {  	[tilespmem:s30+$0x10920] =	vst v5  }
0x15e: {  	v5 =	vld.idx.msk [tilespmem:v7+s12+$0x0], $0xffff  }
0x15f: {  	v7 =	vor.u32 $0x7, v6;
	_ =	sdelay $0x3  }
0x160: {  	[tilespmem:s30+$0x11120] =	vst v5  }
0x161: {  	v5 =	vld.idx.msk [tilespmem:v7+s12+$0x0], $0xffff  }
0x162: {  	v7 =	vor.u32 $0x8, v6;
	_ =	sdelay $0x3  }
0x163: {  	[tilespmem:s30+$0x11920] =	vst v5  }
0x164: {  	v5 =	vld.idx.msk [tilespmem:v7+s12+$0x0], $0xffff  }
0x165: {  	v6 =	vor.u32 $0x9, v6;
	_ =	sdelay $0x3  }
0x166: {  	[tilespmem:s30+$0x12120] =	vst v5  }
0x167: {  	v5 =	vld.idx.msk [tilespmem:v6+s12+$0x0], $0xffff  }
0x168: {  	v4 =	vadd.s32 v1, v4;
	_ =	sdelay $0x3  }
0x169: {  	[tilespmem:s30+$0x12920] =	vst v5  }
0x16a: {  	v5 =	vld.idx.msk [tilespmem:v4+s12+$0x0], $0xffff  }
0x16b: {  	v6 =	vor.u32 $0x1, v4;
	_ =	sdelay $0x3  }
0x16c: {  	[tilespmem:s30+$0xE130] =	vst v5  }
0x16d: {  	v5 =	vld.idx.msk [tilespmem:v6+s12+$0x0], $0xffff  }
0x16e: {  	v6 =	vor.u32 $0x2, v4;
	_ =	sdelay $0x3  }
0x16f: {  	[tilespmem:s30+$0xE930] =	vst v5  }
0x170: {  	v5 =	vld.idx.msk [tilespmem:v6+s12+$0x0], $0xffff  }
0x171: {  	v6 =	vor.u32 $0x3, v4;
	_ =	sdelay $0x3  }
0x172: {  	[tilespmem:s30+$0xF130] =	vst v5  }
0x173: {  	v5 =	vld.idx.msk [tilespmem:v6+s12+$0x0], $0xffff  }
0x174: {  	v6 =	vor.u32 $0x4, v4;
	_ =	sdelay $0x3  }
0x175: {  	[tilespmem:s30+$0xF930] =	vst v5  }
0x176: {  	v5 =	vld.idx.msk [tilespmem:v6+s12+$0x0], $0xffff  }
0x177: {  	v6 =	vor.u32 $0x5, v4;
	_ =	sdelay $0x3  }
0x178: {  	[tilespmem:s30+$0x10130] =	vst v5  }
0x179: {  	v5 =	vld.idx.msk [tilespmem:v6+s12+$0x0], $0xffff  }
0x17a: {  	v6 =	vor.u32 $0x6, v4;
	_ =	sdelay $0x3  }
0x17b: {  	[tilespmem:s30+$0x10930] =	vst v5  }
0x17c: {  	v5 =	vld.idx.msk [tilespmem:v6+s12+$0x0], $0xffff  }
0x17d: {  	v6 =	vor.u32 $0x7, v4;
	_ =	sdelay $0x3  }
0x17e: {  	[tilespmem:s30+$0x11130] =	vst v5  }
0x17f: {  	v5 =	vld.idx.msk [tilespmem:v6+s12+$0x0], $0xffff  }
0x180: {  	v6 =	vor.u32 $0x8, v4;
	_ =	sdelay $0x3  }
0x181: {  	[tilespmem:s30+$0x11930] =	vst v5  }
0x182: {  	v5 =	vld.idx.msk [tilespmem:v6+s12+$0x0], $0xffff  }
0x183: {  	v4 =	vor.u32 $0x9, v4;
	_ =	sdelay $0x3  }
0x184: {  	[tilespmem:s30+$0x12130] =	vst v5  }
0x185: {  	v4 =	vld.idx.msk [tilespmem:v4+s12+$0x0], $0xffff;
	_ =	sdelay $0x4  }
0x186: {  	[tilespmem:s30+$0x12930] =	vst v4  }
0x187: {  	[tilespmem:s12], [sflag:$0x1] =	stream.indirect.gather [hbm4b:s3+s11], $0x10, s15, s11, $0xb8;
	[tilespmem:$0x13100] =	vst v63  }
0x188: {  	s31 =	simm.s32 $0x0  }
0x189: {  	v4 =	vmov s31;
	[hbm4b:s5+s16] =	stream.strided.scatter [tilespmem:s18], [sflag:$0x3], $0x5000, s17, s16, $0x38;
	[tilespmem:$0x13100] =	vst v63  }
0x18a: {  	v4 =	vshll.u32 v4, $0x4;
	_ =	swait.ge [sflag:s10], $0x5000  }
0x18b: {  	v5 =	vadd.s32 v0, v4;
	[sflag:s10] =	ssyncset.done $0x0  }
0x18c: {  	[sflag:s10] =	ssyncadd.s32 $0xFFFFB000  }
0x18d: {  	_ =	swait.ge [sflag:s19], $0x6400  }
0x18e: {  	[sflag:s19] =	ssyncset.done $0x0  }
0x18f: {  	[sflag:s19] =	ssyncadd.s32 $0xFFFF9C00  }
0x190: {  	v6 =	vld.idx.msk [tilespmem:v5+s13+$0x0], $0xffff  }
0x191: {  	v7 =	vor.u32 $0x1, v5;
	_ =	sdelay $0x2  }
0x192: {  	s22 =	simm.s32 $0x0  }
0x193: {  	[tilespmem:s22+$0xE100] =	vst v6  }
0x194: {  	v6 =	vld.idx.msk [tilespmem:v7+s13+$0x0], $0xffff  }
0x195: {  	v7 =	vor.u32 $0x2, v5;
	_ =	sdelay $0x3  }
0x196: {  	[tilespmem:s22+$0xE900] =	vst v6  }
0x197: {  	v6 =	vld.idx.msk [tilespmem:v7+s13+$0x0], $0xffff  }
0x198: {  	v7 =	vor.u32 $0x3, v5;
	_ =	sdelay $0x3  }
0x199: {  	[tilespmem:s22+$0xF100] =	vst v6  }
0x19a: {  	v6 =	vld.idx.msk [tilespmem:v7+s13+$0x0], $0xffff  }
0x19b: {  	v7 =	vor.u32 $0x4, v5;
	_ =	sdelay $0x3  }
0x19c: {  	[tilespmem:s22+$0xF900] =	vst v6  }
0x19d: {  	v6 =	vld.idx.msk [tilespmem:v7+s13+$0x0], $0xffff  }
0x19e: {  	v7 =	vor.u32 $0x5, v5;
	_ =	sdelay $0x3  }
0x19f: {  	[tilespmem:s22+$0x10100] =	vst v6  }
0x1a0: {  	v6 =	vld.idx.msk [tilespmem:v7+s13+$0x0], $0xffff  }
0x1a1: {  	v7 =	vor.u32 $0x6, v5;
	_ =	sdelay $0x3  }
0x1a2: {  	[tilespmem:s22+$0x10900] =	vst v6  }
0x1a3: {  	v6 =	vld.idx.msk [tilespmem:v7+s13+$0x0], $0xffff  }
0x1a4: {  	v7 =	vor.u32 $0x7, v5;
	_ =	sdelay $0x3  }
0x1a5: {  	[tilespmem:s22+$0x11100] =	vst v6  }
0x1a6: {  	v6 =	vld.idx.msk [tilespmem:v7+s13+$0x0], $0xffff  }
0x1a7: {  	v7 =	vor.u32 $0x8, v5;
	_ =	sdelay $0x3  }
0x1a8: {  	[tilespmem:s22+$0x11900] =	vst v6  }
0x1a9: {  	v6 =	vld.idx.msk [tilespmem:v7+s13+$0x0], $0xffff  }
0x1aa: {  	v5 =	vor.u32 $0x9, v5;
	_ =	sdelay $0x3  }
0x1ab: {  	[tilespmem:s22+$0x12100] =	vst v6  }
0x1ac: {  	v5 =	vld.idx.msk [tilespmem:v5+s13+$0x0], $0xffff  }
0x1ad: {  	v6 =	vadd.s32 v3, v4;
	_ =	sdelay $0x3  }
0x1ae: {  	[tilespmem:s22+$0x12900] =	vst v5  }
0x1af: {  	v5 =	vld.idx.msk [tilespmem:v6+s13+$0x0], $0xffff  }
0x1b0: {  	v7 =	vor.u32 $0x1, v6;
	_ =	sdelay $0x3  }
0x1b1: {  	[tilespmem:s22+$0xE110] =	vst v5  }
0x1b2: {  	v5 =	vld.idx.msk [tilespmem:v7+s13+$0x0], $0xffff  }
0x1b3: {  	v7 =	vor.u32 $0x2, v6;
	_ =	sdelay $0x3  }
0x1b4: {  	[tilespmem:s22+$0xE910] =	vst v5  }
0x1b5: {  	v5 =	vld.idx.msk [tilespmem:v7+s13+$0x0], $0xffff  }
0x1b6: {  	v7 =	vor.u32 $0x3, v6;
	_ =	sdelay $0x3  }
0x1b7: {  	[tilespmem:s22+$0xF110] =	vst v5  }
0x1b8: {  	v5 =	vld.idx.msk [tilespmem:v7+s13+$0x0], $0xffff  }
0x1b9: {  	v7 =	vor.u32 $0x4, v6;
	_ =	sdelay $0x3  }
0x1ba: {  	[tilespmem:s22+$0xF910] =	vst v5  }
0x1bb: {  	v5 =	vld.idx.msk [tilespmem:v7+s13+$0x0], $0xffff  }
0x1bc: {  	v7 =	vor.u32 $0x5, v6;
	_ =	sdelay $0x3  }
0x1bd: {  	[tilespmem:s22+$0x10110] =	vst v5  }
0x1be: {  	v5 =	vld.idx.msk [tilespmem:v7+s13+$0x0], $0xffff  }
0x1bf: {  	v7 =	vor.u32 $0x6, v6;
	_ =	sdelay $0x3  }
0x1c0: {  	[tilespmem:s22+$0x10910] =	vst v5  }
0x1c1: {  	v5 =	vld.idx.msk [tilespmem:v7+s13+$0x0], $0xffff  }
0x1c2: {  	v7 =	vor.u32 $0x7, v6;
	_ =	sdelay $0x3  }
0x1c3: {  	[tilespmem:s22+$0x11110] =	vst v5  }
0x1c4: {  	v5 =	vld.idx.msk [tilespmem:v7+s13+$0x0], $0xffff  }
0x1c5: {  	v7 =	vor.u32 $0x8, v6;
	_ =	sdelay $0x3  }
0x1c6: {  	[tilespmem:s22+$0x11910] =	vst v5  }
0x1c7: {  	v5 =	vld.idx.msk [tilespmem:v7+s13+$0x0], $0xffff  }
0x1c8: {  	v6 =	vor.u32 $0x9, v6;
	_ =	sdelay $0x3  }
0x1c9: {  	[tilespmem:s22+$0x12110] =	vst v5  }
0x1ca: {  	v5 =	vld.idx.msk [tilespmem:v6+s13+$0x0], $0xffff  }
0x1cb: {  	v6 =	vadd.s32 v2, v4;
	_ =	sdelay $0x3  }
0x1cc: {  	[tilespmem:s22+$0x12910] =	vst v5  }
0x1cd: {  	v5 =	vld.idx.msk [tilespmem:v6+s13+$0x0], $0xffff  }
0x1ce: {  	v7 =	vor.u32 $0x1, v6;
	_ =	sdelay $0x3  }
0x1cf: {  	[tilespmem:s22+$0xE120] =	vst v5  }
0x1d0: {  	v5 =	vld.idx.msk [tilespmem:v7+s13+$0x0], $0xffff  }
0x1d1: {  	v7 =	vor.u32 $0x2, v6;
	_ =	sdelay $0x3  }
0x1d2: {  	[tilespmem:s22+$0xE920] =	vst v5  }
0x1d3: {  	v5 =	vld.idx.msk [tilespmem:v7+s13+$0x0], $0xffff  }
0x1d4: {  	v7 =	vor.u32 $0x3, v6;
	_ =	sdelay $0x3  }
0x1d5: {  	[tilespmem:s22+$0xF120] =	vst v5  }
0x1d6: {  	v5 =	vld.idx.msk [tilespmem:v7+s13+$0x0], $0xffff  }
0x1d7: {  	v7 =	vor.u32 $0x4, v6;
	_ =	sdelay $0x3  }
0x1d8: {  	[tilespmem:s22+$0xF920] =	vst v5  }
0x1d9: {  	v5 =	vld.idx.msk [tilespmem:v7+s13+$0x0], $0xffff  }
0x1da: {  	v7 =	vor.u32 $0x5, v6;
	_ =	sdelay $0x3  }
0x1db: {  	[tilespmem:s22+$0x10120] =	vst v5  }
0x1dc: {  	v5 =	vld.idx.msk [tilespmem:v7+s13+$0x0], $0xffff  }
0x1dd: {  	v7 =	vor.u32 $0x6, v6;
	_ =	sdelay $0x3  }
0x1de: {  	[tilespmem:s22+$0x10920] =	vst v5  }
0x1df: {  	v5 =	vld.idx.msk [tilespmem:v7+s13+$0x0], $0xffff  }
0x1e0: {  	v7 =	vor.u32 $0x7, v6;
	_ =	sdelay $0x3  }
0x1e1: {  	[tilespmem:s22+$0x11120] =	vst v5  }
0x1e2: {  	v5 =	vld.idx.msk [tilespmem:v7+s13+$0x0], $0xffff  }
0x1e3: {  	v7 =	vor.u32 $0x8, v6;
	_ =	sdelay $0x3  }
0x1e4: {  	[tilespmem:s22+$0x11920] =	vst v5  }
0x1e5: {  	v5 =	vld.idx.msk [tilespmem:v7+s13+$0x0], $0xffff  }
0x1e6: {  	v6 =	vor.u32 $0x9, v6;
	_ =	sdelay $0x3  }
0x1e7: {  	[tilespmem:s22+$0x12120] =	vst v5  }
0x1e8: {  	v5 =	vld.idx.msk [tilespmem:v6+s13+$0x0], $0xffff  }
0x1e9: {  	v4 =	vadd.s32 v1, v4;
	_ =	sdelay $0x3  }
0x1ea: {  	[tilespmem:s22+$0x12920] =	vst v5  }
0x1eb: {  	v5 =	vld.idx.msk [tilespmem:v4+s13+$0x0], $0xffff  }
0x1ec: {  	v6 =	vor.u32 $0x1, v4;
	_ =	sdelay $0x3  }
0x1ed: {  	[tilespmem:s22+$0xE130] =	vst v5  }
0x1ee: {  	v5 =	vld.idx.msk [tilespmem:v6+s13+$0x0], $0xffff  }
0x1ef: {  	v6 =	vor.u32 $0x2, v4;
	_ =	sdelay $0x3  }
0x1f0: {  	[tilespmem:s22+$0xE930] =	vst v5  }
0x1f1: {  	v5 =	vld.idx.msk [tilespmem:v6+s13+$0x0], $0xffff  }
0x1f2: {  	v6 =	vor.u32 $0x3, v4;
	_ =	sdelay $0x3  }
0x1f3: {  	[tilespmem:s22+$0xF130] =	vst v5  }
0x1f4: {  	v5 =	vld.idx.msk [tilespmem:v6+s13+$0x0], $0xffff  }
0x1f5: {  	v6 =	vor.u32 $0x4, v4;
	_ =	sdelay $0x3  }
0x1f6: {  	[tilespmem:s22+$0xF930] =	vst v5  }
0x1f7: {  	v5 =	vld.idx.msk [tilespmem:v6+s13+$0x0], $0xffff  }
0x1f8: {  	v6 =	vor.u32 $0x5, v4;
	_ =	sdelay $0x3  }
0x1f9: {  	[tilespmem:s22+$0x10130] =	vst v5  }
0x1fa: {  	v5 =	vld.idx.msk [tilespmem:v6+s13+$0x0], $0xffff  }
0x1fb: {  	v6 =	vor.u32 $0x6, v4;
	_ =	sdelay $0x3  }
0x1fc: {  	[tilespmem:s22+$0x10930] =	vst v5  }
0x1fd: {  	v5 =	vld.idx.msk [tilespmem:v6+s13+$0x0], $0xffff  }
0x1fe: {  	v6 =	vor.u32 $0x7, v4;
	_ =	sdelay $0x3  }
0x1ff: {  	[tilespmem:s22+$0x11130] =	vst v5  }
0x200: {  	v5 =	vld.idx.msk [tilespmem:v6+s13+$0x0], $0xffff  }
0x201: {  	v6 =	vor.u32 $0x8, v4;
	_ =	sdelay $0x3  }
0x202: {  	[tilespmem:s22+$0x11930] =	vst v5  }
0x203: {  	v5 =	vld.idx.msk [tilespmem:v6+s13+$0x0], $0xffff  }
0x204: {  	v6 =	vor.u32 $0x9, v4;
	_ =	sdelay $0x3  }
0x205: {  	s24 =	simm.s32 $0x32;
	[tilespmem:s22+$0x12130] =	vst v5  }
0x206: {  	s23 =	simm.s32 $0x100;
	s25 =	simm.s32 $0x200;
	v4 =	vmov s24;
	v5 =	vld.idx.msk [tilespmem:v6+s13+$0x0], $0xffff  }
.LBB2_4:
0x207: {  	p0 =	sne.s32 s25, $0x1F00;
	v4 =	vshll.u32 v4, $0x4  }
0x208: {  	v6 =	vadd.s32 v0, v4;
	_ =	sdelay $0x3  }
0x209: {  	[tilespmem:s22+$0x12930] =	vst v5  }
0x20a: {  	v5 =	vld.idx.msk [tilespmem:v6+s13+$0x0], $0xffff;
	_ =	sdelay $0x1  }
0x20b: {  	v7 =	vor.u32 $0x1, v6;
	_ =	sdelay $0x2  }
0x20c: {  	s22 =	sshra.s32 s23, $0x2;
	s23 =	smov.u32 s25  }
0x20d: {  	[tilespmem:s22+$0xE100] =	vst v5  }
0x20e: {  	v5 =	vld.idx.msk [tilespmem:v7+s13+$0x0], $0xffff;
	_ =	sdelay $0x1  }
0x20f: {  	v7 =	vor.u32 $0x2, v6;
	_ =	sdelay $0x3  }
0x210: {  	[tilespmem:s22+$0xE900] =	vst v5  }
0x211: {  	v5 =	vld.idx.msk [tilespmem:v7+s13+$0x0], $0xffff;
	_ =	sdelay $0x1  }
0x212: {  	v7 =	vor.u32 $0x3, v6;
	_ =	sdelay $0x3  }
0x213: {  	[tilespmem:s22+$0xF100] =	vst v5  }
0x214: {  	v5 =	vld.idx.msk [tilespmem:v7+s13+$0x0], $0xffff;
	_ =	sdelay $0x1  }
0x215: {  	v7 =	vor.u32 $0x4, v6;
	_ =	sdelay $0x3  }
0x216: {  	[tilespmem:s22+$0xF900] =	vst v5  }
0x217: {  	v5 =	vld.idx.msk [tilespmem:v7+s13+$0x0], $0xffff;
	_ =	sdelay $0x1  }
0x218: {  	v7 =	vor.u32 $0x5, v6;
	_ =	sdelay $0x3  }
0x219: {  	[tilespmem:s22+$0x10100] =	vst v5  }
0x21a: {  	v5 =	vld.idx.msk [tilespmem:v7+s13+$0x0], $0xffff;
	_ =	sdelay $0x1  }
0x21b: {  	v7 =	vor.u32 $0x6, v6;
	_ =	sdelay $0x3  }
0x21c: {  	[tilespmem:s22+$0x10900] =	vst v5  }
0x21d: {  	v5 =	vld.idx.msk [tilespmem:v7+s13+$0x0], $0xffff;
	_ =	sdelay $0x1  }
0x21e: {  	v7 =	vor.u32 $0x7, v6;
	_ =	sdelay $0x3  }
0x21f: {  	[tilespmem:s22+$0x11100] =	vst v5  }
0x220: {  	v5 =	vld.idx.msk [tilespmem:v7+s13+$0x0], $0xffff;
	_ =	sdelay $0x1  }
0x221: {  	v7 =	vor.u32 $0x8, v6;
	_ =	sdelay $0x3  }
0x222: {  	[tilespmem:s22+$0x11900] =	vst v5  }
0x223: {  	v5 =	vld.idx.msk [tilespmem:v7+s13+$0x0], $0xffff;
	_ =	sdelay $0x1  }
0x224: {  	v6 =	vor.u32 $0x9, v6;
	_ =	sdelay $0x3  }
0x225: {  	[tilespmem:s22+$0x12100] =	vst v5  }
0x226: {  	v5 =	vld.idx.msk [tilespmem:v6+s13+$0x0], $0xffff;
	_ =	sdelay $0x1  }
0x227: {  	v6 =	vadd.s32 v3, v4;
	_ =	sdelay $0x3  }
0x228: {  	[tilespmem:s22+$0x12900] =	vst v5  }
0x229: {  	v5 =	vld.idx.msk [tilespmem:v6+s13+$0x0], $0xffff;
	_ =	sdelay $0x1  }
0x22a: {  	v7 =	vor.u32 $0x1, v6;
	_ =	sdelay $0x3  }
0x22b: {  	[tilespmem:s22+$0xE110] =	vst v5  }
0x22c: {  	v5 =	vld.idx.msk [tilespmem:v7+s13+$0x0], $0xffff;
	_ =	sdelay $0x1  }
0x22d: {  	v7 =	vor.u32 $0x2, v6;
	_ =	sdelay $0x3  }
0x22e: {  	[tilespmem:s22+$0xE910] =	vst v5  }
0x22f: {  	v5 =	vld.idx.msk [tilespmem:v7+s13+$0x0], $0xffff;
	_ =	sdelay $0x1  }
0x230: {  	v7 =	vor.u32 $0x3, v6;
	_ =	sdelay $0x3  }
0x231: {  	[tilespmem:s22+$0xF110] =	vst v5  }
0x232: {  	v5 =	vld.idx.msk [tilespmem:v7+s13+$0x0], $0xffff;
	_ =	sdelay $0x1  }
0x233: {  	v7 =	vor.u32 $0x4, v6;
	_ =	sdelay $0x3  }
0x234: {  	[tilespmem:s22+$0xF910] =	vst v5  }
0x235: {  	v5 =	vld.idx.msk [tilespmem:v7+s13+$0x0], $0xffff;
	_ =	sdelay $0x1  }
0x236: {  	v7 =	vor.u32 $0x5, v6;
	_ =	sdelay $0x3  }
0x237: {  	[tilespmem:s22+$0x10110] =	vst v5  }
0x238: {  	v5 =	vld.idx.msk [tilespmem:v7+s13+$0x0], $0xffff;
	_ =	sdelay $0x1  }
0x239: {  	v7 =	vor.u32 $0x6, v6;
	_ =	sdelay $0x3  }
0x23a: {  	[tilespmem:s22+$0x10910] =	vst v5  }
0x23b: {  	v5 =	vld.idx.msk [tilespmem:v7+s13+$0x0], $0xffff;
	_ =	sdelay $0x1  }
0x23c: {  	v7 =	vor.u32 $0x7, v6;
	_ =	sdelay $0x3  }
0x23d: {  	[tilespmem:s22+$0x11110] =	vst v5  }
0x23e: {  	v5 =	vld.idx.msk [tilespmem:v7+s13+$0x0], $0xffff;
	_ =	sdelay $0x1  }
0x23f: {  	v7 =	vor.u32 $0x8, v6;
	_ =	sdelay $0x3  }
0x240: {  	[tilespmem:s22+$0x11910] =	vst v5  }
0x241: {  	v5 =	vld.idx.msk [tilespmem:v7+s13+$0x0], $0xffff;
	_ =	sdelay $0x1  }
0x242: {  	v6 =	vor.u32 $0x9, v6;
	_ =	sdelay $0x3  }
0x243: {  	[tilespmem:s22+$0x12110] =	vst v5  }
0x244: {  	v5 =	vld.idx.msk [tilespmem:v6+s13+$0x0], $0xffff;
	_ =	sdelay $0x1  }
0x245: {  	v6 =	vadd.s32 v2, v4;
	_ =	sdelay $0x3  }
0x246: {  	[tilespmem:s22+$0x12910] =	vst v5  }
0x247: {  	v5 =	vld.idx.msk [tilespmem:v6+s13+$0x0], $0xffff;
	_ =	sdelay $0x1  }
0x248: {  	v7 =	vor.u32 $0x1, v6;
	_ =	sdelay $0x3  }
0x249: {  	[tilespmem:s22+$0xE120] =	vst v5  }
0x24a: {  	v5 =	vld.idx.msk [tilespmem:v7+s13+$0x0], $0xffff;
	_ =	sdelay $0x1  }
0x24b: {  	v7 =	vor.u32 $0x2, v6;
	_ =	sdelay $0x3  }
0x24c: {  	[tilespmem:s22+$0xE920] =	vst v5  }
0x24d: {  	v5 =	vld.idx.msk [tilespmem:v7+s13+$0x0], $0xffff;
	_ =	sdelay $0x1  }
0x24e: {  	v7 =	vor.u32 $0x3, v6;
	_ =	sdelay $0x3  }
0x24f: {  	[tilespmem:s22+$0xF120] =	vst v5  }
0x250: {  	v5 =	vld.idx.msk [tilespmem:v7+s13+$0x0], $0xffff;
	_ =	sdelay $0x1  }
0x251: {  	v7 =	vor.u32 $0x4, v6;
	_ =	sdelay $0x3  }
0x252: {  	[tilespmem:s22+$0xF920] =	vst v5  }
0x253: {  	v5 =	vld.idx.msk [tilespmem:v7+s13+$0x0], $0xffff;
	_ =	sdelay $0x1  }
0x254: {  	v7 =	vor.u32 $0x5, v6;
	_ =	sdelay $0x3  }
0x255: {  	[tilespmem:s22+$0x10120] =	vst v5  }
0x256: {  	v5 =	vld.idx.msk [tilespmem:v7+s13+$0x0], $0xffff;
	_ =	sdelay $0x1  }
0x257: {  	v7 =	vor.u32 $0x6, v6;
	_ =	sdelay $0x3  }
0x258: {  	[tilespmem:s22+$0x10920] =	vst v5  }
0x259: {  	v5 =	vld.idx.msk [tilespmem:v7+s13+$0x0], $0xffff;
	_ =	sdelay $0x1  }
0x25a: {  	v7 =	vor.u32 $0x7, v6;
	_ =	sdelay $0x3  }
0x25b: {  	[tilespmem:s22+$0x11120] =	vst v5  }
0x25c: {  	v5 =	vld.idx.msk [tilespmem:v7+s13+$0x0], $0xffff;
	_ =	sdelay $0x1  }
0x25d: {  	v7 =	vor.u32 $0x8, v6;
	_ =	sdelay $0x3  }
0x25e: {  	[tilespmem:s22+$0x11920] =	vst v5  }
0x25f: {  	v5 =	vld.idx.msk [tilespmem:v7+s13+$0x0], $0xffff;
	_ =	sdelay $0x1  }
0x260: {  	v6 =	vor.u32 $0x9, v6;
	_ =	sdelay $0x3  }
0x261: {  	[tilespmem:s22+$0x12120] =	vst v5  }
0x262: {  	v5 =	vld.idx.msk [tilespmem:v6+s13+$0x0], $0xffff;
	_ =	sdelay $0x1  }
0x263: {  	v4 =	vadd.s32 v1, v4;
	_ =	sdelay $0x3  }
0x264: {  	[tilespmem:s22+$0x12920] =	vst v5  }
0x265: {  	v5 =	vld.idx.msk [tilespmem:v4+s13+$0x0], $0xffff;
	_ =	sdelay $0x1  }
0x266: {  	v6 =	vor.u32 $0x1, v4;
	_ =	sdelay $0x3  }
0x267: {  	[tilespmem:s22+$0xE130] =	vst v5  }
0x268: {  	v5 =	vld.idx.msk [tilespmem:v6+s13+$0x0], $0xffff;
	_ =	sdelay $0x1  }
0x269: {  	v6 =	vor.u32 $0x2, v4;
	_ =	sdelay $0x3  }
0x26a: {  	[tilespmem:s22+$0xE930] =	vst v5  }
0x26b: {  	v5 =	vld.idx.msk [tilespmem:v6+s13+$0x0], $0xffff;
	_ =	sdelay $0x1  }
0x26c: {  	v6 =	vor.u32 $0x3, v4;
	_ =	sdelay $0x3  }
0x26d: {  	[tilespmem:s22+$0xF130] =	vst v5  }
0x26e: {  	v5 =	vld.idx.msk [tilespmem:v6+s13+$0x0], $0xffff;
	_ =	sdelay $0x1  }
0x26f: {  	v6 =	vor.u32 $0x4, v4;
	_ =	sdelay $0x3  }
0x270: {  	[tilespmem:s22+$0xF930] =	vst v5  }
0x271: {  	v5 =	vld.idx.msk [tilespmem:v6+s13+$0x0], $0xffff;
	_ =	sdelay $0x1  }
0x272: {  	v6 =	vor.u32 $0x5, v4;
	_ =	sdelay $0x3  }
0x273: {  	[tilespmem:s22+$0x10130] =	vst v5  }
0x274: {  	v5 =	vld.idx.msk [tilespmem:v6+s13+$0x0], $0xffff;
	_ =	sdelay $0x1  }
0x275: {  	v6 =	vor.u32 $0x6, v4;
	_ =	sdelay $0x3  }
0x276: {  	[tilespmem:s22+$0x10930] =	vst v5  }
0x277: {  	v5 =	vld.idx.msk [tilespmem:v6+s13+$0x0], $0xffff;
	_ =	sdelay $0x1  }
0x278: {  	v6 =	vor.u32 $0x7, v4;
	_ =	sdelay $0x3  }
0x279: {  	[tilespmem:s22+$0x11130] =	vst v5  }
0x27a: {  	v5 =	vld.idx.msk [tilespmem:v6+s13+$0x0], $0xffff;
	_ =	sdelay $0x1  }
0x27b: {  	v6 =	vor.u32 $0x8, v4;
	_ =	sdelay $0x3  }
0x27c: {  	[tilespmem:s22+$0x11930] =	vst v5  }
0x27d: {  	v5 =	vld.idx.msk [tilespmem:v6+s13+$0x0], $0xffff;
	_ =	sdelay $0x1  }
0x27e: {  	v6 =	vor.u32 $0x9, v4  }
.Ltmp1:
0x27f: {  	(pc) =	sbr.rel @p0 .LBB2_4-.Ltmp1, $3  }
0x280: {  	_ =	sdelay $0x1  }
0x281: {  	s24 =	sadd.s32 $0x32, s24;
	[tilespmem:s22+$0x12130] =	vst v5  }
0x282: {  	s25 =	sadd.s32 $0x100, s25;
	v4 =	vmov s24;
	v5 =	vld.idx.msk [tilespmem:v6+s13+$0x0], $0xffff  }
0x283: {  	v4 =	vshll.u32 v4, $0x4  }
0x284: {  	v6 =	vadd.s32 v0, v4;
	_ =	sdelay $0x3  }
0x285: {  	[tilespmem:s22+$0x12930] =	vst v5  }
0x286: {  	v5 =	vld.idx.msk [tilespmem:v6+s13+$0x0], $0xffff  }
0x287: {  	v7 =	vor.u32 $0x1, v6;
	_ =	sdelay $0x2  }
0x288: {  	s30 =	sshra.s32 s23, $0x2  }
0x289: {  	[tilespmem:s30+$0xE100] =	vst v5  }
0x28a: {  	v5 =	vld.idx.msk [tilespmem:v7+s13+$0x0], $0xffff  }
0x28b: {  	v7 =	vor.u32 $0x2, v6;
	_ =	sdelay $0x3  }
0x28c: {  	[tilespmem:s30+$0xE900] =	vst v5  }
0x28d: {  	v5 =	vld.idx.msk [tilespmem:v7+s13+$0x0], $0xffff  }
0x28e: {  	v7 =	vor.u32 $0x3, v6;
	_ =	sdelay $0x3  }
0x28f: {  	[tilespmem:s30+$0xF100] =	vst v5  }
0x290: {  	v5 =	vld.idx.msk [tilespmem:v7+s13+$0x0], $0xffff  }
0x291: {  	v7 =	vor.u32 $0x4, v6;
	_ =	sdelay $0x3  }
0x292: {  	[tilespmem:s30+$0xF900] =	vst v5  }
0x293: {  	v5 =	vld.idx.msk [tilespmem:v7+s13+$0x0], $0xffff  }
0x294: {  	v7 =	vor.u32 $0x5, v6;
	_ =	sdelay $0x3  }
0x295: {  	[tilespmem:s30+$0x10100] =	vst v5  }
0x296: {  	v5 =	vld.idx.msk [tilespmem:v7+s13+$0x0], $0xffff  }
0x297: {  	v7 =	vor.u32 $0x6, v6;
	_ =	sdelay $0x3  }
0x298: {  	[tilespmem:s30+$0x10900] =	vst v5  }
0x299: {  	v5 =	vld.idx.msk [tilespmem:v7+s13+$0x0], $0xffff  }
0x29a: {  	v7 =	vor.u32 $0x7, v6;
	_ =	sdelay $0x3  }
0x29b: {  	[tilespmem:s30+$0x11100] =	vst v5  }
0x29c: {  	v5 =	vld.idx.msk [tilespmem:v7+s13+$0x0], $0xffff  }
0x29d: {  	v7 =	vor.u32 $0x8, v6;
	_ =	sdelay $0x3  }
0x29e: {  	[tilespmem:s30+$0x11900] =	vst v5  }
0x29f: {  	v5 =	vld.idx.msk [tilespmem:v7+s13+$0x0], $0xffff  }
0x2a0: {  	v6 =	vor.u32 $0x9, v6;
	_ =	sdelay $0x3  }
0x2a1: {  	[tilespmem:s30+$0x12100] =	vst v5  }
0x2a2: {  	v5 =	vld.idx.msk [tilespmem:v6+s13+$0x0], $0xffff  }
0x2a3: {  	v6 =	vadd.s32 v3, v4;
	_ =	sdelay $0x3  }
0x2a4: {  	[tilespmem:s30+$0x12900] =	vst v5  }
0x2a5: {  	v5 =	vld.idx.msk [tilespmem:v6+s13+$0x0], $0xffff  }
0x2a6: {  	v7 =	vor.u32 $0x1, v6;
	_ =	sdelay $0x3  }
0x2a7: {  	[tilespmem:s30+$0xE110] =	vst v5  }
0x2a8: {  	v5 =	vld.idx.msk [tilespmem:v7+s13+$0x0], $0xffff  }
0x2a9: {  	v7 =	vor.u32 $0x2, v6;
	_ =	sdelay $0x3  }
0x2aa: {  	[tilespmem:s30+$0xE910] =	vst v5  }
0x2ab: {  	v5 =	vld.idx.msk [tilespmem:v7+s13+$0x0], $0xffff  }
0x2ac: {  	v7 =	vor.u32 $0x3, v6;
	_ =	sdelay $0x3  }
0x2ad: {  	[tilespmem:s30+$0xF110] =	vst v5  }
0x2ae: {  	v5 =	vld.idx.msk [tilespmem:v7+s13+$0x0], $0xffff  }
0x2af: {  	v7 =	vor.u32 $0x4, v6;
	_ =	sdelay $0x3  }
0x2b0: {  	[tilespmem:s30+$0xF910] =	vst v5  }
0x2b1: {  	v5 =	vld.idx.msk [tilespmem:v7+s13+$0x0], $0xffff  }
0x2b2: {  	v7 =	vor.u32 $0x5, v6;
	_ =	sdelay $0x3  }
0x2b3: {  	[tilespmem:s30+$0x10110] =	vst v5  }
0x2b4: {  	v5 =	vld.idx.msk [tilespmem:v7+s13+$0x0], $0xffff  }
0x2b5: {  	v7 =	vor.u32 $0x6, v6;
	_ =	sdelay $0x3  }
0x2b6: {  	[tilespmem:s30+$0x10910] =	vst v5  }
0x2b7: {  	v5 =	vld.idx.msk [tilespmem:v7+s13+$0x0], $0xffff  }
0x2b8: {  	v7 =	vor.u32 $0x7, v6;
	_ =	sdelay $0x3  }
0x2b9: {  	[tilespmem:s30+$0x11110] =	vst v5  }
0x2ba: {  	v5 =	vld.idx.msk [tilespmem:v7+s13+$0x0], $0xffff  }
0x2bb: {  	v7 =	vor.u32 $0x8, v6;
	_ =	sdelay $0x3  }
0x2bc: {  	[tilespmem:s30+$0x11910] =	vst v5  }
0x2bd: {  	v5 =	vld.idx.msk [tilespmem:v7+s13+$0x0], $0xffff  }
0x2be: {  	v6 =	vor.u32 $0x9, v6;
	_ =	sdelay $0x3  }
0x2bf: {  	[tilespmem:s30+$0x12110] =	vst v5  }
0x2c0: {  	v5 =	vld.idx.msk [tilespmem:v6+s13+$0x0], $0xffff  }
0x2c1: {  	v6 =	vadd.s32 v2, v4;
	_ =	sdelay $0x3  }
0x2c2: {  	[tilespmem:s30+$0x12910] =	vst v5  }
0x2c3: {  	v5 =	vld.idx.msk [tilespmem:v6+s13+$0x0], $0xffff  }
0x2c4: {  	v7 =	vor.u32 $0x1, v6;
	_ =	sdelay $0x3  }
0x2c5: {  	[tilespmem:s30+$0xE120] =	vst v5  }
0x2c6: {  	v5 =	vld.idx.msk [tilespmem:v7+s13+$0x0], $0xffff  }
0x2c7: {  	v7 =	vor.u32 $0x2, v6;
	_ =	sdelay $0x3  }
0x2c8: {  	[tilespmem:s30+$0xE920] =	vst v5  }
0x2c9: {  	v5 =	vld.idx.msk [tilespmem:v7+s13+$0x0], $0xffff  }
0x2ca: {  	v7 =	vor.u32 $0x3, v6;
	_ =	sdelay $0x3  }
0x2cb: {  	[tilespmem:s30+$0xF120] =	vst v5  }
0x2cc: {  	v5 =	vld.idx.msk [tilespmem:v7+s13+$0x0], $0xffff  }
0x2cd: {  	v7 =	vor.u32 $0x4, v6;
	_ =	sdelay $0x3  }
0x2ce: {  	[tilespmem:s30+$0xF920] =	vst v5  }
0x2cf: {  	v5 =	vld.idx.msk [tilespmem:v7+s13+$0x0], $0xffff  }
0x2d0: {  	v7 =	vor.u32 $0x5, v6;
	_ =	sdelay $0x3  }
0x2d1: {  	[tilespmem:s30+$0x10120] =	vst v5  }
0x2d2: {  	v5 =	vld.idx.msk [tilespmem:v7+s13+$0x0], $0xffff  }
0x2d3: {  	v7 =	vor.u32 $0x6, v6;
	_ =	sdelay $0x3  }
0x2d4: {  	[tilespmem:s30+$0x10920] =	vst v5  }
0x2d5: {  	v5 =	vld.idx.msk [tilespmem:v7+s13+$0x0], $0xffff  }
0x2d6: {  	v7 =	vor.u32 $0x7, v6;
	_ =	sdelay $0x3  }
0x2d7: {  	[tilespmem:s30+$0x11120] =	vst v5  }
0x2d8: {  	v5 =	vld.idx.msk [tilespmem:v7+s13+$0x0], $0xffff  }
0x2d9: {  	v7 =	vor.u32 $0x8, v6;
	_ =	sdelay $0x3  }
0x2da: {  	[tilespmem:s30+$0x11920] =	vst v5  }
0x2db: {  	v5 =	vld.idx.msk [tilespmem:v7+s13+$0x0], $0xffff  }
0x2dc: {  	v6 =	vor.u32 $0x9, v6;
	_ =	sdelay $0x3  }
0x2dd: {  	[tilespmem:s30+$0x12120] =	vst v5  }
0x2de: {  	v5 =	vld.idx.msk [tilespmem:v6+s13+$0x0], $0xffff  }
0x2df: {  	v4 =	vadd.s32 v1, v4;
	_ =	sdelay $0x3  }
0x2e0: {  	[tilespmem:s30+$0x12920] =	vst v5  }
0x2e1: {  	v5 =	vld.idx.msk [tilespmem:v4+s13+$0x0], $0xffff  }
0x2e2: {  	v6 =	vor.u32 $0x1, v4;
	_ =	sdelay $0x3  }
0x2e3: {  	[tilespmem:s30+$0xE130] =	vst v5  }
0x2e4: {  	v5 =	vld.idx.msk [tilespmem:v6+s13+$0x0], $0xffff  }
0x2e5: {  	v6 =	vor.u32 $0x2, v4;
	_ =	sdelay $0x3  }
0x2e6: {  	[tilespmem:s30+$0xE930] =	vst v5  }
0x2e7: {  	v5 =	vld.idx.msk [tilespmem:v6+s13+$0x0], $0xffff  }
0x2e8: {  	v6 =	vor.u32 $0x3, v4;
	_ =	sdelay $0x3  }
0x2e9: {  	[tilespmem:s30+$0xF130] =	vst v5  }
0x2ea: {  	v5 =	vld.idx.msk [tilespmem:v6+s13+$0x0], $0xffff  }
0x2eb: {  	v6 =	vor.u32 $0x4, v4;
	_ =	sdelay $0x3  }
0x2ec: {  	[tilespmem:s30+$0xF930] =	vst v5  }
0x2ed: {  	v5 =	vld.idx.msk [tilespmem:v6+s13+$0x0], $0xffff  }
0x2ee: {  	v6 =	vor.u32 $0x5, v4;
	_ =	sdelay $0x3  }
0x2ef: {  	[tilespmem:s30+$0x10130] =	vst v5  }
0x2f0: {  	v5 =	vld.idx.msk [tilespmem:v6+s13+$0x0], $0xffff  }
0x2f1: {  	v6 =	vor.u32 $0x6, v4;
	_ =	sdelay $0x3  }
0x2f2: {  	[tilespmem:s30+$0x10930] =	vst v5  }
0x2f3: {  	v5 =	vld.idx.msk [tilespmem:v6+s13+$0x0], $0xffff  }
0x2f4: {  	v6 =	vor.u32 $0x7, v4;
	_ =	sdelay $0x3  }
0x2f5: {  	[tilespmem:s30+$0x11130] =	vst v5  }
0x2f6: {  	v5 =	vld.idx.msk [tilespmem:v6+s13+$0x0], $0xffff  }
0x2f7: {  	v6 =	vor.u32 $0x8, v4;
	_ =	sdelay $0x3  }
0x2f8: {  	[tilespmem:s30+$0x11930] =	vst v5  }
0x2f9: {  	v5 =	vld.idx.msk [tilespmem:v6+s13+$0x0], $0xffff  }
0x2fa: {  	v4 =	vor.u32 $0x9, v4;
	_ =	sdelay $0x3  }
0x2fb: {  	[tilespmem:s30+$0x12130] =	vst v5  }
0x2fc: {  	v4 =	vld.idx.msk [tilespmem:v4+s13+$0x0], $0xffff;
	_ =	sdelay $0x4  }
0x2fd: {  	[tilespmem:s30+$0x12930] =	vst v4  }
0x2fe: {  	[tilespmem:s13], [sflag:$0x2] =	stream.indirect.gather [hbm4b:s3+s11], $0x10, s20, s11, $0xb8;
	[tilespmem:$0x13100] =	vst v63  }
0x2ff: {  	s31 =	simm.s32 $0x0  }
0x300: {  	v4 =	vmov s31;
	[hbm4b:s6+s16] =	stream.strided.scatter [tilespmem:s18], [sflag:$0x3], $0x5000, s17, s16, $0x38;
	[tilespmem:$0x13100] =	vst v63  }
0x301: {  	v4 =	vshll.u32 v4, $0x4;
	_ =	swait.ge [sflag:s10], $0x5000  }
0x302: {  	v5 =	vadd.s32 v0, v4;
	[sflag:s10] =	ssyncset.done $0x0  }
0x303: {  	[sflag:s10] =	ssyncadd.s32 $0xFFFFB000  }
0x304: {  	_ =	swait.ge [sflag:s14], $0x6400  }
0x305: {  	[sflag:s14] =	ssyncset.done $0x0  }
0x306: {  	[sflag:s14] =	ssyncadd.s32 $0xFFFF9C00  }
0x307: {  	v6 =	vld.idx.msk [tilespmem:v5+s12+$0x0], $0xffff  }
0x308: {  	v7 =	vor.u32 $0x1, v5;
	_ =	sdelay $0x2  }
0x309: {  	s22 =	simm.s32 $0x0  }
0x30a: {  	[tilespmem:s22+$0xE100] =	vst v6  }
0x30b: {  	v6 =	vld.idx.msk [tilespmem:v7+s12+$0x0], $0xffff  }
0x30c: {  	v7 =	vor.u32 $0x2, v5;
	_ =	sdelay $0x3  }
0x30d: {  	[tilespmem:s22+$0xE900] =	vst v6  }
0x30e: {  	v6 =	vld.idx.msk [tilespmem:v7+s12+$0x0], $0xffff  }
0x30f: {  	v7 =	vor.u32 $0x3, v5;
	_ =	sdelay $0x3  }
0x310: {  	[tilespmem:s22+$0xF100] =	vst v6  }
0x311: {  	v6 =	vld.idx.msk [tilespmem:v7+s12+$0x0], $0xffff  }
0x312: {  	v7 =	vor.u32 $0x4, v5;
	_ =	sdelay $0x3  }
0x313: {  	[tilespmem:s22+$0xF900] =	vst v6  }
0x314: {  	v6 =	vld.idx.msk [tilespmem:v7+s12+$0x0], $0xffff  }
0x315: {  	v7 =	vor.u32 $0x5, v5;
	_ =	sdelay $0x3  }
0x316: {  	[tilespmem:s22+$0x10100] =	vst v6  }
0x317: {  	v6 =	vld.idx.msk [tilespmem:v7+s12+$0x0], $0xffff  }
0x318: {  	v7 =	vor.u32 $0x6, v5;
	_ =	sdelay $0x3  }
0x319: {  	[tilespmem:s22+$0x10900] =	vst v6  }
0x31a: {  	v6 =	vld.idx.msk [tilespmem:v7+s12+$0x0], $0xffff  }
0x31b: {  	v7 =	vor.u32 $0x7, v5;
	_ =	sdelay $0x3  }
0x31c: {  	[tilespmem:s22+$0x11100] =	vst v6  }
0x31d: {  	v6 =	vld.idx.msk [tilespmem:v7+s12+$0x0], $0xffff  }
0x31e: {  	v7 =	vor.u32 $0x8, v5;
	_ =	sdelay $0x3  }
0x31f: {  	[tilespmem:s22+$0x11900] =	vst v6  }
0x320: {  	v6 =	vld.idx.msk [tilespmem:v7+s12+$0x0], $0xffff  }
0x321: {  	v5 =	vor.u32 $0x9, v5;
	_ =	sdelay $0x3  }
0x322: {  	[tilespmem:s22+$0x12100] =	vst v6  }
0x323: {  	v5 =	vld.idx.msk [tilespmem:v5+s12+$0x0], $0xffff  }
0x324: {  	v6 =	vadd.s32 v3, v4;
	_ =	sdelay $0x3  }
0x325: {  	[tilespmem:s22+$0x12900] =	vst v5  }
0x326: {  	v5 =	vld.idx.msk [tilespmem:v6+s12+$0x0], $0xffff  }
0x327: {  	v7 =	vor.u32 $0x1, v6;
	_ =	sdelay $0x3  }
0x328: {  	[tilespmem:s22+$0xE110] =	vst v5  }
0x329: {  	v5 =	vld.idx.msk [tilespmem:v7+s12+$0x0], $0xffff  }
0x32a: {  	v7 =	vor.u32 $0x2, v6;
	_ =	sdelay $0x3  }
0x32b: {  	[tilespmem:s22+$0xE910] =	vst v5  }
0x32c: {  	v5 =	vld.idx.msk [tilespmem:v7+s12+$0x0], $0xffff  }
0x32d: {  	v7 =	vor.u32 $0x3, v6;
	_ =	sdelay $0x3  }
0x32e: {  	[tilespmem:s22+$0xF110] =	vst v5  }
0x32f: {  	v5 =	vld.idx.msk [tilespmem:v7+s12+$0x0], $0xffff  }
0x330: {  	v7 =	vor.u32 $0x4, v6;
	_ =	sdelay $0x3  }
0x331: {  	[tilespmem:s22+$0xF910] =	vst v5  }
0x332: {  	v5 =	vld.idx.msk [tilespmem:v7+s12+$0x0], $0xffff  }
0x333: {  	v7 =	vor.u32 $0x5, v6;
	_ =	sdelay $0x3  }
0x334: {  	[tilespmem:s22+$0x10110] =	vst v5  }
0x335: {  	v5 =	vld.idx.msk [tilespmem:v7+s12+$0x0], $0xffff  }
0x336: {  	v7 =	vor.u32 $0x6, v6;
	_ =	sdelay $0x3  }
0x337: {  	[tilespmem:s22+$0x10910] =	vst v5  }
0x338: {  	v5 =	vld.idx.msk [tilespmem:v7+s12+$0x0], $0xffff  }
0x339: {  	v7 =	vor.u32 $0x7, v6;
	_ =	sdelay $0x3  }
0x33a: {  	[tilespmem:s22+$0x11110] =	vst v5  }
0x33b: {  	v5 =	vld.idx.msk [tilespmem:v7+s12+$0x0], $0xffff  }
0x33c: {  	v7 =	vor.u32 $0x8, v6;
	_ =	sdelay $0x3  }
0x33d: {  	[tilespmem:s22+$0x11910] =	vst v5  }
0x33e: {  	v5 =	vld.idx.msk [tilespmem:v7+s12+$0x0], $0xffff  }
0x33f: {  	v6 =	vor.u32 $0x9, v6;
	_ =	sdelay $0x3  }
0x340: {  	[tilespmem:s22+$0x12110] =	vst v5  }
0x341: {  	v5 =	vld.idx.msk [tilespmem:v6+s12+$0x0], $0xffff  }
0x342: {  	v6 =	vadd.s32 v2, v4;
	_ =	sdelay $0x3  }
0x343: {  	[tilespmem:s22+$0x12910] =	vst v5  }
0x344: {  	v5 =	vld.idx.msk [tilespmem:v6+s12+$0x0], $0xffff  }
0x345: {  	v7 =	vor.u32 $0x1, v6;
	_ =	sdelay $0x3  }
0x346: {  	[tilespmem:s22+$0xE120] =	vst v5  }
0x347: {  	v5 =	vld.idx.msk [tilespmem:v7+s12+$0x0], $0xffff  }
0x348: {  	v7 =	vor.u32 $0x2, v6;
	_ =	sdelay $0x3  }
0x349: {  	[tilespmem:s22+$0xE920] =	vst v5  }
0x34a: {  	v5 =	vld.idx.msk [tilespmem:v7+s12+$0x0], $0xffff  }
0x34b: {  	v7 =	vor.u32 $0x3, v6;
	_ =	sdelay $0x3  }
0x34c: {  	[tilespmem:s22+$0xF120] =	vst v5  }
0x34d: {  	v5 =	vld.idx.msk [tilespmem:v7+s12+$0x0], $0xffff  }
0x34e: {  	v7 =	vor.u32 $0x4, v6;
	_ =	sdelay $0x3  }
0x34f: {  	[tilespmem:s22+$0xF920] =	vst v5  }
0x350: {  	v5 =	vld.idx.msk [tilespmem:v7+s12+$0x0], $0xffff  }
0x351: {  	v7 =	vor.u32 $0x5, v6;
	_ =	sdelay $0x3  }
0x352: {  	[tilespmem:s22+$0x10120] =	vst v5  }
0x353: {  	v5 =	vld.idx.msk [tilespmem:v7+s12+$0x0], $0xffff  }
0x354: {  	v7 =	vor.u32 $0x6, v6;
	_ =	sdelay $0x3  }
0x355: {  	[tilespmem:s22+$0x10920] =	vst v5  }
0x356: {  	v5 =	vld.idx.msk [tilespmem:v7+s12+$0x0], $0xffff  }
0x357: {  	v7 =	vor.u32 $0x7, v6;
	_ =	sdelay $0x3  }
0x358: {  	[tilespmem:s22+$0x11120] =	vst v5  }
0x359: {  	v5 =	vld.idx.msk [tilespmem:v7+s12+$0x0], $0xffff  }
0x35a: {  	v7 =	vor.u32 $0x8, v6;
	_ =	sdelay $0x3  }
0x35b: {  	[tilespmem:s22+$0x11920] =	vst v5  }
0x35c: {  	v5 =	vld.idx.msk [tilespmem:v7+s12+$0x0], $0xffff  }
0x35d: {  	v6 =	vor.u32 $0x9, v6;
	_ =	sdelay $0x3  }
0x35e: {  	[tilespmem:s22+$0x12120] =	vst v5  }
0x35f: {  	v5 =	vld.idx.msk [tilespmem:v6+s12+$0x0], $0xffff  }
0x360: {  	v4 =	vadd.s32 v1, v4;
	_ =	sdelay $0x3  }
0x361: {  	[tilespmem:s22+$0x12920] =	vst v5  }
0x362: {  	v5 =	vld.idx.msk [tilespmem:v4+s12+$0x0], $0xffff  }
0x363: {  	v6 =	vor.u32 $0x1, v4;
	_ =	sdelay $0x3  }
0x364: {  	[tilespmem:s22+$0xE130] =	vst v5  }
0x365: {  	v5 =	vld.idx.msk [tilespmem:v6+s12+$0x0], $0xffff  }
0x366: {  	v6 =	vor.u32 $0x2, v4;
	_ =	sdelay $0x3  }
0x367: {  	[tilespmem:s22+$0xE930] =	vst v5  }
0x368: {  	v5 =	vld.idx.msk [tilespmem:v6+s12+$0x0], $0xffff  }
0x369: {  	v6 =	vor.u32 $0x3, v4;
	_ =	sdelay $0x3  }
0x36a: {  	[tilespmem:s22+$0xF130] =	vst v5  }
0x36b: {  	v5 =	vld.idx.msk [tilespmem:v6+s12+$0x0], $0xffff  }
0x36c: {  	v6 =	vor.u32 $0x4, v4;
	_ =	sdelay $0x3  }
0x36d: {  	[tilespmem:s22+$0xF930] =	vst v5  }
0x36e: {  	v5 =	vld.idx.msk [tilespmem:v6+s12+$0x0], $0xffff  }
0x36f: {  	v6 =	vor.u32 $0x5, v4;
	_ =	sdelay $0x3  }
0x370: {  	[tilespmem:s22+$0x10130] =	vst v5  }
0x371: {  	v5 =	vld.idx.msk [tilespmem:v6+s12+$0x0], $0xffff  }
0x372: {  	v6 =	vor.u32 $0x6, v4;
	_ =	sdelay $0x3  }
0x373: {  	[tilespmem:s22+$0x10930] =	vst v5  }
0x374: {  	v5 =	vld.idx.msk [tilespmem:v6+s12+$0x0], $0xffff  }
0x375: {  	v6 =	vor.u32 $0x7, v4;
	_ =	sdelay $0x3  }
0x376: {  	[tilespmem:s22+$0x11130] =	vst v5  }
0x377: {  	v5 =	vld.idx.msk [tilespmem:v6+s12+$0x0], $0xffff  }
0x378: {  	v6 =	vor.u32 $0x8, v4;
	_ =	sdelay $0x3  }
0x379: {  	[tilespmem:s22+$0x11930] =	vst v5  }
0x37a: {  	v5 =	vld.idx.msk [tilespmem:v6+s12+$0x0], $0xffff  }
0x37b: {  	v6 =	vor.u32 $0x9, v4;
	_ =	sdelay $0x3  }
0x37c: {  	s24 =	simm.s32 $0x32;
	[tilespmem:s22+$0x12130] =	vst v5  }
0x37d: {  	s23 =	simm.s32 $0x100;
	s25 =	simm.s32 $0x200;
	v4 =	vmov s24;
	v5 =	vld.idx.msk [tilespmem:v6+s12+$0x0], $0xffff  }
.LBB2_6:
0x37e: {  	p0 =	sne.s32 s25, $0x1F00;
	v4 =	vshll.u32 v4, $0x4  }
0x37f: {  	v6 =	vadd.s32 v0, v4;
	_ =	sdelay $0x3  }
0x380: {  	[tilespmem:s22+$0x12930] =	vst v5  }
0x381: {  	v5 =	vld.idx.msk [tilespmem:v6+s12+$0x0], $0xffff;
	_ =	sdelay $0x1  }
0x382: {  	v7 =	vor.u32 $0x1, v6;
	_ =	sdelay $0x2  }
0x383: {  	s22 =	sshra.s32 s23, $0x2;
	s23 =	smov.u32 s25  }
0x384: {  	[tilespmem:s22+$0xE100] =	vst v5  }
0x385: {  	v5 =	vld.idx.msk [tilespmem:v7+s12+$0x0], $0xffff;
	_ =	sdelay $0x1  }
0x386: {  	v7 =	vor.u32 $0x2, v6;
	_ =	sdelay $0x3  }
0x387: {  	[tilespmem:s22+$0xE900] =	vst v5  }
0x388: {  	v5 =	vld.idx.msk [tilespmem:v7+s12+$0x0], $0xffff;
	_ =	sdelay $0x1  }
0x389: {  	v7 =	vor.u32 $0x3, v6;
	_ =	sdelay $0x3  }
0x38a: {  	[tilespmem:s22+$0xF100] =	vst v5  }
0x38b: {  	v5 =	vld.idx.msk [tilespmem:v7+s12+$0x0], $0xffff;
	_ =	sdelay $0x1  }
0x38c: {  	v7 =	vor.u32 $0x4, v6;
	_ =	sdelay $0x3  }
0x38d: {  	[tilespmem:s22+$0xF900] =	vst v5  }
0x38e: {  	v5 =	vld.idx.msk [tilespmem:v7+s12+$0x0], $0xffff;
	_ =	sdelay $0x1  }
0x38f: {  	v7 =	vor.u32 $0x5, v6;
	_ =	sdelay $0x3  }
0x390: {  	[tilespmem:s22+$0x10100] =	vst v5  }
0x391: {  	v5 =	vld.idx.msk [tilespmem:v7+s12+$0x0], $0xffff;
	_ =	sdelay $0x1  }
0x392: {  	v7 =	vor.u32 $0x6, v6;
	_ =	sdelay $0x3  }
0x393: {  	[tilespmem:s22+$0x10900] =	vst v5  }
0x394: {  	v5 =	vld.idx.msk [tilespmem:v7+s12+$0x0], $0xffff;
	_ =	sdelay $0x1  }
0x395: {  	v7 =	vor.u32 $0x7, v6;
	_ =	sdelay $0x3  }
0x396: {  	[tilespmem:s22+$0x11100] =	vst v5  }
0x397: {  	v5 =	vld.idx.msk [tilespmem:v7+s12+$0x0], $0xffff;
	_ =	sdelay $0x1  }
0x398: {  	v7 =	vor.u32 $0x8, v6;
	_ =	sdelay $0x3  }
0x399: {  	[tilespmem:s22+$0x11900] =	vst v5  }
0x39a: {  	v5 =	vld.idx.msk [tilespmem:v7+s12+$0x0], $0xffff;
	_ =	sdelay $0x1  }
0x39b: {  	v6 =	vor.u32 $0x9, v6;
	_ =	sdelay $0x3  }
0x39c: {  	[tilespmem:s22+$0x12100] =	vst v5  }
0x39d: {  	v5 =	vld.idx.msk [tilespmem:v6+s12+$0x0], $0xffff;
	_ =	sdelay $0x1  }
0x39e: {  	v6 =	vadd.s32 v3, v4;
	_ =	sdelay $0x3  }
0x39f: {  	[tilespmem:s22+$0x12900] =	vst v5  }
0x3a0: {  	v5 =	vld.idx.msk [tilespmem:v6+s12+$0x0], $0xffff;
	_ =	sdelay $0x1  }
0x3a1: {  	v7 =	vor.u32 $0x1, v6;
	_ =	sdelay $0x3  }
0x3a2: {  	[tilespmem:s22+$0xE110] =	vst v5  }
0x3a3: {  	v5 =	vld.idx.msk [tilespmem:v7+s12+$0x0], $0xffff;
	_ =	sdelay $0x1  }
0x3a4: {  	v7 =	vor.u32 $0x2, v6;
	_ =	sdelay $0x3  }
0x3a5: {  	[tilespmem:s22+$0xE910] =	vst v5  }
0x3a6: {  	v5 =	vld.idx.msk [tilespmem:v7+s12+$0x0], $0xffff;
	_ =	sdelay $0x1  }
0x3a7: {  	v7 =	vor.u32 $0x3, v6;
	_ =	sdelay $0x3  }
0x3a8: {  	[tilespmem:s22+$0xF110] =	vst v5  }
0x3a9: {  	v5 =	vld.idx.msk [tilespmem:v7+s12+$0x0], $0xffff;
	_ =	sdelay $0x1  }
0x3aa: {  	v7 =	vor.u32 $0x4, v6;
	_ =	sdelay $0x3  }
0x3ab: {  	[tilespmem:s22+$0xF910] =	vst v5  }
0x3ac: {  	v5 =	vld.idx.msk [tilespmem:v7+s12+$0x0], $0xffff;
	_ =	sdelay $0x1  }
0x3ad: {  	v7 =	vor.u32 $0x5, v6;
	_ =	sdelay $0x3  }
0x3ae: {  	[tilespmem:s22+$0x10110] =	vst v5  }
0x3af: {  	v5 =	vld.idx.msk [tilespmem:v7+s12+$0x0], $0xffff;
	_ =	sdelay $0x1  }
0x3b0: {  	v7 =	vor.u32 $0x6, v6;
	_ =	sdelay $0x3  }
0x3b1: {  	[tilespmem:s22+$0x10910] =	vst v5  }
0x3b2: {  	v5 =	vld.idx.msk [tilespmem:v7+s12+$0x0], $0xffff;
	_ =	sdelay $0x1  }
0x3b3: {  	v7 =	vor.u32 $0x7, v6;
	_ =	sdelay $0x3  }
0x3b4: {  	[tilespmem:s22+$0x11110] =	vst v5  }
0x3b5: {  	v5 =	vld.idx.msk [tilespmem:v7+s12+$0x0], $0xffff;
	_ =	sdelay $0x1  }
0x3b6: {  	v7 =	vor.u32 $0x8, v6;
	_ =	sdelay $0x3  }
0x3b7: {  	[tilespmem:s22+$0x11910] =	vst v5  }
0x3b8: {  	v5 =	vld.idx.msk [tilespmem:v7+s12+$0x0], $0xffff;
	_ =	sdelay $0x1  }
0x3b9: {  	v6 =	vor.u32 $0x9, v6;
	_ =	sdelay $0x3  }
0x3ba: {  	[tilespmem:s22+$0x12110] =	vst v5  }
0x3bb: {  	v5 =	vld.idx.msk [tilespmem:v6+s12+$0x0], $0xffff;
	_ =	sdelay $0x1  }
0x3bc: {  	v6 =	vadd.s32 v2, v4;
	_ =	sdelay $0x3  }
0x3bd: {  	[tilespmem:s22+$0x12910] =	vst v5  }
0x3be: {  	v5 =	vld.idx.msk [tilespmem:v6+s12+$0x0], $0xffff;
	_ =	sdelay $0x1  }
0x3bf: {  	v7 =	vor.u32 $0x1, v6;
	_ =	sdelay $0x3  }
0x3c0: {  	[tilespmem:s22+$0xE120] =	vst v5  }
0x3c1: {  	v5 =	vld.idx.msk [tilespmem:v7+s12+$0x0], $0xffff;
	_ =	sdelay $0x1  }
0x3c2: {  	v7 =	vor.u32 $0x2, v6;
	_ =	sdelay $0x3  }
0x3c3: {  	[tilespmem:s22+$0xE920] =	vst v5  }
0x3c4: {  	v5 =	vld.idx.msk [tilespmem:v7+s12+$0x0], $0xffff;
	_ =	sdelay $0x1  }
0x3c5: {  	v7 =	vor.u32 $0x3, v6;
	_ =	sdelay $0x3  }
0x3c6: {  	[tilespmem:s22+$0xF120] =	vst v5  }
0x3c7: {  	v5 =	vld.idx.msk [tilespmem:v7+s12+$0x0], $0xffff;
	_ =	sdelay $0x1  }
0x3c8: {  	v7 =	vor.u32 $0x4, v6;
	_ =	sdelay $0x3  }
0x3c9: {  	[tilespmem:s22+$0xF920] =	vst v5  }
0x3ca: {  	v5 =	vld.idx.msk [tilespmem:v7+s12+$0x0], $0xffff;
	_ =	sdelay $0x1  }
0x3cb: {  	v7 =	vor.u32 $0x5, v6;
	_ =	sdelay $0x3  }
0x3cc: {  	[tilespmem:s22+$0x10120] =	vst v5  }
0x3cd: {  	v5 =	vld.idx.msk [tilespmem:v7+s12+$0x0], $0xffff;
	_ =	sdelay $0x1  }
0x3ce: {  	v7 =	vor.u32 $0x6, v6;
	_ =	sdelay $0x3  }
0x3cf: {  	[tilespmem:s22+$0x10920] =	vst v5  }
0x3d0: {  	v5 =	vld.idx.msk [tilespmem:v7+s12+$0x0], $0xffff;
	_ =	sdelay $0x1  }
0x3d1: {  	v7 =	vor.u32 $0x7, v6;
	_ =	sdelay $0x3  }
0x3d2: {  	[tilespmem:s22+$0x11120] =	vst v5  }
0x3d3: {  	v5 =	vld.idx.msk [tilespmem:v7+s12+$0x0], $0xffff;
	_ =	sdelay $0x1  }
0x3d4: {  	v7 =	vor.u32 $0x8, v6;
	_ =	sdelay $0x3  }
0x3d5: {  	[tilespmem:s22+$0x11920] =	vst v5  }
0x3d6: {  	v5 =	vld.idx.msk [tilespmem:v7+s12+$0x0], $0xffff;
	_ =	sdelay $0x1  }
0x3d7: {  	v6 =	vor.u32 $0x9, v6;
	_ =	sdelay $0x3  }
0x3d8: {  	[tilespmem:s22+$0x12120] =	vst v5  }
0x3d9: {  	v5 =	vld.idx.msk [tilespmem:v6+s12+$0x0], $0xffff;
	_ =	sdelay $0x1  }
0x3da: {  	v4 =	vadd.s32 v1, v4;
	_ =	sdelay $0x3  }
0x3db: {  	[tilespmem:s22+$0x12920] =	vst v5  }
0x3dc: {  	v5 =	vld.idx.msk [tilespmem:v4+s12+$0x0], $0xffff;
	_ =	sdelay $0x1  }
0x3dd: {  	v6 =	vor.u32 $0x1, v4;
	_ =	sdelay $0x3  }
0x3de: {  	[tilespmem:s22+$0xE130] =	vst v5  }
0x3df: {  	v5 =	vld.idx.msk [tilespmem:v6+s12+$0x0], $0xffff;
	_ =	sdelay $0x1  }
0x3e0: {  	v6 =	vor.u32 $0x2, v4;
	_ =	sdelay $0x3  }
0x3e1: {  	[tilespmem:s22+$0xE930] =	vst v5  }
0x3e2: {  	v5 =	vld.idx.msk [tilespmem:v6+s12+$0x0], $0xffff;
	_ =	sdelay $0x1  }
0x3e3: {  	v6 =	vor.u32 $0x3, v4;
	_ =	sdelay $0x3  }
0x3e4: {  	[tilespmem:s22+$0xF130] =	vst v5  }
0x3e5: {  	v5 =	vld.idx.msk [tilespmem:v6+s12+$0x0], $0xffff;
	_ =	sdelay $0x1  }
0x3e6: {  	v6 =	vor.u32 $0x4, v4;
	_ =	sdelay $0x3  }
0x3e7: {  	[tilespmem:s22+$0xF930] =	vst v5  }
0x3e8: {  	v5 =	vld.idx.msk [tilespmem:v6+s12+$0x0], $0xffff;
	_ =	sdelay $0x1  }
0x3e9: {  	v6 =	vor.u32 $0x5, v4;
	_ =	sdelay $0x3  }
0x3ea: {  	[tilespmem:s22+$0x10130] =	vst v5  }
0x3eb: {  	v5 =	vld.idx.msk [tilespmem:v6+s12+$0x0], $0xffff;
	_ =	sdelay $0x1  }
0x3ec: {  	v6 =	vor.u32 $0x6, v4;
	_ =	sdelay $0x3  }
0x3ed: {  	[tilespmem:s22+$0x10930] =	vst v5  }
0x3ee: {  	v5 =	vld.idx.msk [tilespmem:v6+s12+$0x0], $0xffff;
	_ =	sdelay $0x1  }
0x3ef: {  	v6 =	vor.u32 $0x7, v4;
	_ =	sdelay $0x3  }
0x3f0: {  	[tilespmem:s22+$0x11130] =	vst v5  }
0x3f1: {  	v5 =	vld.idx.msk [tilespmem:v6+s12+$0x0], $0xffff;
	_ =	sdelay $0x1  }
0x3f2: {  	v6 =	vor.u32 $0x8, v4;
	_ =	sdelay $0x3  }
0x3f3: {  	[tilespmem:s22+$0x11930] =	vst v5  }
0x3f4: {  	v5 =	vld.idx.msk [tilespmem:v6+s12+$0x0], $0xffff;
	_ =	sdelay $0x1  }
0x3f5: {  	v6 =	vor.u32 $0x9, v4  }
.Ltmp2:
0x3f6: {  	(pc) =	sbr.rel @p0 .LBB2_6-.Ltmp2, $3  }
0x3f7: {  	_ =	sdelay $0x1  }
0x3f8: {  	s24 =	sadd.s32 $0x32, s24;
	[tilespmem:s22+$0x12130] =	vst v5  }
0x3f9: {  	s25 =	sadd.s32 $0x100, s25;
	v4 =	vmov s24;
	v5 =	vld.idx.msk [tilespmem:v6+s12+$0x0], $0xffff  }
0x3fa: {  	v4 =	vshll.u32 v4, $0x4  }
0x3fb: {  	v6 =	vadd.s32 v0, v4;
	_ =	sdelay $0x3  }
0x3fc: {  	[tilespmem:s22+$0x12930] =	vst v5  }
0x3fd: {  	v5 =	vld.idx.msk [tilespmem:v6+s12+$0x0], $0xffff  }
0x3fe: {  	v7 =	vor.u32 $0x1, v6;
	_ =	sdelay $0x2  }
0x3ff: {  	s30 =	sshra.s32 s23, $0x2  }
0x400: {  	[tilespmem:s30+$0xE100] =	vst v5  }
0x401: {  	v5 =	vld.idx.msk [tilespmem:v7+s12+$0x0], $0xffff  }
0x402: {  	v7 =	vor.u32 $0x2, v6;
	_ =	sdelay $0x3  }
0x403: {  	[tilespmem:s30+$0xE900] =	vst v5  }
0x404: {  	v5 =	vld.idx.msk [tilespmem:v7+s12+$0x0], $0xffff  }
0x405: {  	v7 =	vor.u32 $0x3, v6;
	_ =	sdelay $0x3  }
0x406: {  	[tilespmem:s30+$0xF100] =	vst v5  }
0x407: {  	v5 =	vld.idx.msk [tilespmem:v7+s12+$0x0], $0xffff  }
0x408: {  	v7 =	vor.u32 $0x4, v6;
	_ =	sdelay $0x3  }
0x409: {  	[tilespmem:s30+$0xF900] =	vst v5  }
0x40a: {  	v5 =	vld.idx.msk [tilespmem:v7+s12+$0x0], $0xffff  }
0x40b: {  	v7 =	vor.u32 $0x5, v6;
	_ =	sdelay $0x3  }
0x40c: {  	[tilespmem:s30+$0x10100] =	vst v5  }
0x40d: {  	v5 =	vld.idx.msk [tilespmem:v7+s12+$0x0], $0xffff  }
0x40e: {  	v7 =	vor.u32 $0x6, v6;
	_ =	sdelay $0x3  }
0x40f: {  	[tilespmem:s30+$0x10900] =	vst v5  }
0x410: {  	v5 =	vld.idx.msk [tilespmem:v7+s12+$0x0], $0xffff  }
0x411: {  	v7 =	vor.u32 $0x7, v6;
	_ =	sdelay $0x3  }
0x412: {  	[tilespmem:s30+$0x11100] =	vst v5  }
0x413: {  	v5 =	vld.idx.msk [tilespmem:v7+s12+$0x0], $0xffff  }
0x414: {  	v7 =	vor.u32 $0x8, v6;
	_ =	sdelay $0x3  }
0x415: {  	[tilespmem:s30+$0x11900] =	vst v5  }
0x416: {  	v5 =	vld.idx.msk [tilespmem:v7+s12+$0x0], $0xffff  }
0x417: {  	v6 =	vor.u32 $0x9, v6;
	_ =	sdelay $0x3  }
0x418: {  	[tilespmem:s30+$0x12100] =	vst v5  }
0x419: {  	v5 =	vld.idx.msk [tilespmem:v6+s12+$0x0], $0xffff  }
0x41a: {  	v6 =	vadd.s32 v3, v4;
	_ =	sdelay $0x3  }
0x41b: {  	[tilespmem:s30+$0x12900] =	vst v5  }
0x41c: {  	v5 =	vld.idx.msk [tilespmem:v6+s12+$0x0], $0xffff  }
0x41d: {  	v7 =	vor.u32 $0x1, v6;
	_ =	sdelay $0x3  }
0x41e: {  	[tilespmem:s30+$0xE110] =	vst v5  }
0x41f: {  	v5 =	vld.idx.msk [tilespmem:v7+s12+$0x0], $0xffff  }
0x420: {  	v7 =	vor.u32 $0x2, v6;
	_ =	sdelay $0x3  }
0x421: {  	[tilespmem:s30+$0xE910] =	vst v5  }
0x422: {  	v5 =	vld.idx.msk [tilespmem:v7+s12+$0x0], $0xffff  }
0x423: {  	v7 =	vor.u32 $0x3, v6;
	_ =	sdelay $0x3  }
0x424: {  	[tilespmem:s30+$0xF110] =	vst v5  }
0x425: {  	v5 =	vld.idx.msk [tilespmem:v7+s12+$0x0], $0xffff  }
0x426: {  	v7 =	vor.u32 $0x4, v6;
	_ =	sdelay $0x3  }
0x427: {  	[tilespmem:s30+$0xF910] =	vst v5  }
0x428: {  	v5 =	vld.idx.msk [tilespmem:v7+s12+$0x0], $0xffff  }
0x429: {  	v7 =	vor.u32 $0x5, v6;
	_ =	sdelay $0x3  }
0x42a: {  	[tilespmem:s30+$0x10110] =	vst v5  }
0x42b: {  	v5 =	vld.idx.msk [tilespmem:v7+s12+$0x0], $0xffff  }
0x42c: {  	v7 =	vor.u32 $0x6, v6;
	_ =	sdelay $0x3  }
0x42d: {  	[tilespmem:s30+$0x10910] =	vst v5  }
0x42e: {  	v5 =	vld.idx.msk [tilespmem:v7+s12+$0x0], $0xffff  }
0x42f: {  	v7 =	vor.u32 $0x7, v6;
	_ =	sdelay $0x3  }
0x430: {  	[tilespmem:s30+$0x11110] =	vst v5  }
0x431: {  	v5 =	vld.idx.msk [tilespmem:v7+s12+$0x0], $0xffff  }
0x432: {  	v7 =	vor.u32 $0x8, v6;
	_ =	sdelay $0x3  }
0x433: {  	[tilespmem:s30+$0x11910] =	vst v5  }
0x434: {  	v5 =	vld.idx.msk [tilespmem:v7+s12+$0x0], $0xffff  }
0x435: {  	v6 =	vor.u32 $0x9, v6;
	_ =	sdelay $0x3  }
0x436: {  	[tilespmem:s30+$0x12110] =	vst v5  }
0x437: {  	v5 =	vld.idx.msk [tilespmem:v6+s12+$0x0], $0xffff  }
0x438: {  	v6 =	vadd.s32 v2, v4;
	_ =	sdelay $0x3  }
0x439: {  	[tilespmem:s30+$0x12910] =	vst v5  }
0x43a: {  	v5 =	vld.idx.msk [tilespmem:v6+s12+$0x0], $0xffff  }
0x43b: {  	v7 =	vor.u32 $0x1, v6;
	_ =	sdelay $0x3  }
0x43c: {  	[tilespmem:s30+$0xE120] =	vst v5  }
0x43d: {  	v5 =	vld.idx.msk [tilespmem:v7+s12+$0x0], $0xffff  }
0x43e: {  	v7 =	vor.u32 $0x2, v6;
	_ =	sdelay $0x3  }
0x43f: {  	[tilespmem:s30+$0xE920] =	vst v5  }
0x440: {  	v5 =	vld.idx.msk [tilespmem:v7+s12+$0x0], $0xffff  }
0x441: {  	v7 =	vor.u32 $0x3, v6;
	_ =	sdelay $0x3  }
0x442: {  	[tilespmem:s30+$0xF120] =	vst v5  }
0x443: {  	v5 =	vld.idx.msk [tilespmem:v7+s12+$0x0], $0xffff  }
0x444: {  	v7 =	vor.u32 $0x4, v6;
	_ =	sdelay $0x3  }
0x445: {  	[tilespmem:s30+$0xF920] =	vst v5  }
0x446: {  	v5 =	vld.idx.msk [tilespmem:v7+s12+$0x0], $0xffff  }
0x447: {  	v7 =	vor.u32 $0x5, v6;
	_ =	sdelay $0x3  }
0x448: {  	[tilespmem:s30+$0x10120] =	vst v5  }
0x449: {  	v5 =	vld.idx.msk [tilespmem:v7+s12+$0x0], $0xffff  }
0x44a: {  	v7 =	vor.u32 $0x6, v6;
	_ =	sdelay $0x3  }
0x44b: {  	[tilespmem:s30+$0x10920] =	vst v5  }
0x44c: {  	v5 =	vld.idx.msk [tilespmem:v7+s12+$0x0], $0xffff  }
0x44d: {  	v7 =	vor.u32 $0x7, v6;
	_ =	sdelay $0x3  }
0x44e: {  	[tilespmem:s30+$0x11120] =	vst v5  }
0x44f: {  	v5 =	vld.idx.msk [tilespmem:v7+s12+$0x0], $0xffff  }
0x450: {  	v7 =	vor.u32 $0x8, v6;
	_ =	sdelay $0x3  }
0x451: {  	[tilespmem:s30+$0x11920] =	vst v5  }
0x452: {  	v5 =	vld.idx.msk [tilespmem:v7+s12+$0x0], $0xffff  }
0x453: {  	v6 =	vor.u32 $0x9, v6;
	_ =	sdelay $0x3  }
0x454: {  	[tilespmem:s30+$0x12120] =	vst v5  }
0x455: {  	v5 =	vld.idx.msk [tilespmem:v6+s12+$0x0], $0xffff  }
0x456: {  	v4 =	vadd.s32 v1, v4;
	_ =	sdelay $0x3  }
0x457: {  	[tilespmem:s30+$0x12920] =	vst v5  }
0x458: {  	v5 =	vld.idx.msk [tilespmem:v4+s12+$0x0], $0xffff  }
0x459: {  	v6 =	vor.u32 $0x1, v4;
	_ =	sdelay $0x3  }
0x45a: {  	[tilespmem:s30+$0xE130] =	vst v5  }
0x45b: {  	v5 =	vld.idx.msk [tilespmem:v6+s12+$0x0], $0xffff  }
0x45c: {  	v6 =	vor.u32 $0x2, v4;
	_ =	sdelay $0x3  }
0x45d: {  	[tilespmem:s30+$0xE930] =	vst v5  }
0x45e: {  	v5 =	vld.idx.msk [tilespmem:v6+s12+$0x0], $0xffff  }
0x45f: {  	v6 =	vor.u32 $0x3, v4;
	_ =	sdelay $0x3  }
0x460: {  	[tilespmem:s30+$0xF130] =	vst v5  }
0x461: {  	v5 =	vld.idx.msk [tilespmem:v6+s12+$0x0], $0xffff  }
0x462: {  	v6 =	vor.u32 $0x4, v4;
	_ =	sdelay $0x3  }
0x463: {  	[tilespmem:s30+$0xF930] =	vst v5  }
0x464: {  	v5 =	vld.idx.msk [tilespmem:v6+s12+$0x0], $0xffff  }
0x465: {  	v6 =	vor.u32 $0x5, v4;
	_ =	sdelay $0x3  }
0x466: {  	[tilespmem:s30+$0x10130] =	vst v5  }
0x467: {  	v5 =	vld.idx.msk [tilespmem:v6+s12+$0x0], $0xffff  }
0x468: {  	v6 =	vor.u32 $0x6, v4;
	_ =	sdelay $0x3  }
0x469: {  	[tilespmem:s30+$0x10930] =	vst v5  }
0x46a: {  	v5 =	vld.idx.msk [tilespmem:v6+s12+$0x0], $0xffff  }
0x46b: {  	v6 =	vor.u32 $0x7, v4;
	_ =	sdelay $0x3  }
0x46c: {  	[tilespmem:s30+$0x11130] =	vst v5  }
0x46d: {  	v5 =	vld.idx.msk [tilespmem:v6+s12+$0x0], $0xffff  }
0x46e: {  	v6 =	vor.u32 $0x8, v4;
	_ =	sdelay $0x3  }
0x46f: {  	[tilespmem:s30+$0x11930] =	vst v5  }
0x470: {  	v5 =	vld.idx.msk [tilespmem:v6+s12+$0x0], $0xffff  }
0x471: {  	v4 =	vor.u32 $0x9, v4;
	_ =	sdelay $0x3  }
0x472: {  	[tilespmem:s30+$0x12130] =	vst v5  }
0x473: {  	v4 =	vld.idx.msk [tilespmem:v4+s12+$0x0], $0xffff;
	_ =	sdelay $0x4  }
0x474: {  	s31 =	simm.s32 $0x0;
	[tilespmem:s30+$0x12930] =	vst v4  }
0x475: {  	v4 =	vmov s31;
	[hbm4b:s7+s16] =	stream.strided.scatter [tilespmem:s18], [sflag:$0x3], $0x5000, s17, s16, $0x38;
	[tilespmem:$0x13100] =	vst v63  }
0x476: {  	v4 =	vshll.u32 v4, $0x4;
	_ =	swait.ge [sflag:s10], $0x5000  }
0x477: {  	v5 =	vadd.s32 v0, v4;
	[sflag:s10] =	ssyncset.done $0x0  }
0x478: {  	[sflag:s10] =	ssyncadd.s32 $0xFFFFB000  }
0x479: {  	_ =	swait.ge [sflag:s19], $0x6400  }
0x47a: {  	[sflag:s19] =	ssyncset.done $0x0  }
0x47b: {  	[sflag:s19] =	ssyncadd.s32 $0xFFFF9C00  }
0x47c: {  	v6 =	vld.idx.msk [tilespmem:v5+s13+$0x0], $0xffff  }
0x47d: {  	v7 =	vor.u32 $0x1, v5;
	_ =	sdelay $0x2  }
0x47e: {  	s22 =	simm.s32 $0x0  }
0x47f: {  	[tilespmem:s22+$0xE100] =	vst v6  }
0x480: {  	v6 =	vld.idx.msk [tilespmem:v7+s13+$0x0], $0xffff  }
0x481: {  	v7 =	vor.u32 $0x2, v5;
	_ =	sdelay $0x3  }
0x482: {  	[tilespmem:s22+$0xE900] =	vst v6  }
0x483: {  	v6 =	vld.idx.msk [tilespmem:v7+s13+$0x0], $0xffff  }
0x484: {  	v7 =	vor.u32 $0x3, v5;
	_ =	sdelay $0x3  }
0x485: {  	[tilespmem:s22+$0xF100] =	vst v6  }
0x486: {  	v6 =	vld.idx.msk [tilespmem:v7+s13+$0x0], $0xffff  }
0x487: {  	v7 =	vor.u32 $0x4, v5;
	_ =	sdelay $0x3  }
0x488: {  	[tilespmem:s22+$0xF900] =	vst v6  }
0x489: {  	v6 =	vld.idx.msk [tilespmem:v7+s13+$0x0], $0xffff  }
0x48a: {  	v7 =	vor.u32 $0x5, v5;
	_ =	sdelay $0x3  }
0x48b: {  	[tilespmem:s22+$0x10100] =	vst v6  }
0x48c: {  	v6 =	vld.idx.msk [tilespmem:v7+s13+$0x0], $0xffff  }
0x48d: {  	v7 =	vor.u32 $0x6, v5;
	_ =	sdelay $0x3  }
0x48e: {  	[tilespmem:s22+$0x10900] =	vst v6  }
0x48f: {  	v6 =	vld.idx.msk [tilespmem:v7+s13+$0x0], $0xffff  }
0x490: {  	v7 =	vor.u32 $0x7, v5;
	_ =	sdelay $0x3  }
0x491: {  	[tilespmem:s22+$0x11100] =	vst v6  }
0x492: {  	v6 =	vld.idx.msk [tilespmem:v7+s13+$0x0], $0xffff  }
0x493: {  	v7 =	vor.u32 $0x8, v5;
	_ =	sdelay $0x3  }
0x494: {  	[tilespmem:s22+$0x11900] =	vst v6  }
0x495: {  	v6 =	vld.idx.msk [tilespmem:v7+s13+$0x0], $0xffff  }
0x496: {  	v5 =	vor.u32 $0x9, v5;
	_ =	sdelay $0x3  }
0x497: {  	[tilespmem:s22+$0x12100] =	vst v6  }
0x498: {  	v5 =	vld.idx.msk [tilespmem:v5+s13+$0x0], $0xffff  }
0x499: {  	v6 =	vadd.s32 v3, v4;
	_ =	sdelay $0x3  }
0x49a: {  	[tilespmem:s22+$0x12900] =	vst v5  }
0x49b: {  	v5 =	vld.idx.msk [tilespmem:v6+s13+$0x0], $0xffff  }
0x49c: {  	v7 =	vor.u32 $0x1, v6;
	_ =	sdelay $0x3  }
0x49d: {  	[tilespmem:s22+$0xE110] =	vst v5  }
0x49e: {  	v5 =	vld.idx.msk [tilespmem:v7+s13+$0x0], $0xffff  }
0x49f: {  	v7 =	vor.u32 $0x2, v6;
	_ =	sdelay $0x3  }
0x4a0: {  	[tilespmem:s22+$0xE910] =	vst v5  }
0x4a1: {  	v5 =	vld.idx.msk [tilespmem:v7+s13+$0x0], $0xffff  }
0x4a2: {  	v7 =	vor.u32 $0x3, v6;
	_ =	sdelay $0x3  }
0x4a3: {  	[tilespmem:s22+$0xF110] =	vst v5  }
0x4a4: {  	v5 =	vld.idx.msk [tilespmem:v7+s13+$0x0], $0xffff  }
0x4a5: {  	v7 =	vor.u32 $0x4, v6;
	_ =	sdelay $0x3  }
0x4a6: {  	[tilespmem:s22+$0xF910] =	vst v5  }
0x4a7: {  	v5 =	vld.idx.msk [tilespmem:v7+s13+$0x0], $0xffff  }
0x4a8: {  	v7 =	vor.u32 $0x5, v6;
	_ =	sdelay $0x3  }
0x4a9: {  	[tilespmem:s22+$0x10110] =	vst v5  }
0x4aa: {  	v5 =	vld.idx.msk [tilespmem:v7+s13+$0x0], $0xffff  }
0x4ab: {  	v7 =	vor.u32 $0x6, v6;
	_ =	sdelay $0x3  }
0x4ac: {  	[tilespmem:s22+$0x10910] =	vst v5  }
0x4ad: {  	v5 =	vld.idx.msk [tilespmem:v7+s13+$0x0], $0xffff  }
0x4ae: {  	v7 =	vor.u32 $0x7, v6;
	_ =	sdelay $0x3  }
0x4af: {  	[tilespmem:s22+$0x11110] =	vst v5  }
0x4b0: {  	v5 =	vld.idx.msk [tilespmem:v7+s13+$0x0], $0xffff  }
0x4b1: {  	v7 =	vor.u32 $0x8, v6;
	_ =	sdelay $0x3  }
0x4b2: {  	[tilespmem:s22+$0x11910] =	vst v5  }
0x4b3: {  	v5 =	vld.idx.msk [tilespmem:v7+s13+$0x0], $0xffff  }
0x4b4: {  	v6 =	vor.u32 $0x9, v6;
	_ =	sdelay $0x3  }
0x4b5: {  	[tilespmem:s22+$0x12110] =	vst v5  }
0x4b6: {  	v5 =	vld.idx.msk [tilespmem:v6+s13+$0x0], $0xffff  }
0x4b7: {  	v6 =	vadd.s32 v2, v4;
	_ =	sdelay $0x3  }
0x4b8: {  	[tilespmem:s22+$0x12910] =	vst v5  }
0x4b9: {  	v5 =	vld.idx.msk [tilespmem:v6+s13+$0x0], $0xffff  }
0x4ba: {  	v7 =	vor.u32 $0x1, v6;
	_ =	sdelay $0x3  }
0x4bb: {  	[tilespmem:s22+$0xE120] =	vst v5  }
0x4bc: {  	v5 =	vld.idx.msk [tilespmem:v7+s13+$0x0], $0xffff  }
0x4bd: {  	v7 =	vor.u32 $0x2, v6;
	_ =	sdelay $0x3  }
0x4be: {  	[tilespmem:s22+$0xE920] =	vst v5  }
0x4bf: {  	v5 =	vld.idx.msk [tilespmem:v7+s13+$0x0], $0xffff  }
0x4c0: {  	v7 =	vor.u32 $0x3, v6;
	_ =	sdelay $0x3  }
0x4c1: {  	[tilespmem:s22+$0xF120] =	vst v5  }
0x4c2: {  	v5 =	vld.idx.msk [tilespmem:v7+s13+$0x0], $0xffff  }
0x4c3: {  	v7 =	vor.u32 $0x4, v6;
	_ =	sdelay $0x3  }
0x4c4: {  	[tilespmem:s22+$0xF920] =	vst v5  }
0x4c5: {  	v5 =	vld.idx.msk [tilespmem:v7+s13+$0x0], $0xffff  }
0x4c6: {  	v7 =	vor.u32 $0x5, v6;
	_ =	sdelay $0x3  }
0x4c7: {  	[tilespmem:s22+$0x10120] =	vst v5  }
0x4c8: {  	v5 =	vld.idx.msk [tilespmem:v7+s13+$0x0], $0xffff  }
0x4c9: {  	v7 =	vor.u32 $0x6, v6;
	_ =	sdelay $0x3  }
0x4ca: {  	[tilespmem:s22+$0x10920] =	vst v5  }
0x4cb: {  	v5 =	vld.idx.msk [tilespmem:v7+s13+$0x0], $0xffff  }
0x4cc: {  	v7 =	vor.u32 $0x7, v6;
	_ =	sdelay $0x3  }
0x4cd: {  	[tilespmem:s22+$0x11120] =	vst v5  }
0x4ce: {  	v5 =	vld.idx.msk [tilespmem:v7+s13+$0x0], $0xffff  }
0x4cf: {  	v7 =	vor.u32 $0x8, v6;
	_ =	sdelay $0x3  }
0x4d0: {  	[tilespmem:s22+$0x11920] =	vst v5  }
0x4d1: {  	v5 =	vld.idx.msk [tilespmem:v7+s13+$0x0], $0xffff  }
0x4d2: {  	v6 =	vor.u32 $0x9, v6;
	_ =	sdelay $0x3  }
0x4d3: {  	[tilespmem:s22+$0x12120] =	vst v5  }
0x4d4: {  	v5 =	vld.idx.msk [tilespmem:v6+s13+$0x0], $0xffff  }
0x4d5: {  	v4 =	vadd.s32 v1, v4;
	_ =	sdelay $0x3  }
0x4d6: {  	[tilespmem:s22+$0x12920] =	vst v5  }
0x4d7: {  	v5 =	vld.idx.msk [tilespmem:v4+s13+$0x0], $0xffff  }
0x4d8: {  	v6 =	vor.u32 $0x1, v4;
	_ =	sdelay $0x3  }
0x4d9: {  	[tilespmem:s22+$0xE130] =	vst v5  }
0x4da: {  	v5 =	vld.idx.msk [tilespmem:v6+s13+$0x0], $0xffff  }
0x4db: {  	v6 =	vor.u32 $0x2, v4;
	_ =	sdelay $0x3  }
0x4dc: {  	[tilespmem:s22+$0xE930] =	vst v5  }
0x4dd: {  	v5 =	vld.idx.msk [tilespmem:v6+s13+$0x0], $0xffff  }
0x4de: {  	v6 =	vor.u32 $0x3, v4;
	_ =	sdelay $0x3  }
0x4df: {  	[tilespmem:s22+$0xF130] =	vst v5  }
0x4e0: {  	v5 =	vld.idx.msk [tilespmem:v6+s13+$0x0], $0xffff  }
0x4e1: {  	v6 =	vor.u32 $0x4, v4;
	_ =	sdelay $0x3  }
0x4e2: {  	[tilespmem:s22+$0xF930] =	vst v5  }
0x4e3: {  	v5 =	vld.idx.msk [tilespmem:v6+s13+$0x0], $0xffff  }
0x4e4: {  	v6 =	vor.u32 $0x5, v4;
	_ =	sdelay $0x3  }
0x4e5: {  	[tilespmem:s22+$0x10130] =	vst v5  }
0x4e6: {  	v5 =	vld.idx.msk [tilespmem:v6+s13+$0x0], $0xffff  }
0x4e7: {  	v6 =	vor.u32 $0x6, v4;
	_ =	sdelay $0x3  }
0x4e8: {  	[tilespmem:s22+$0x10930] =	vst v5  }
0x4e9: {  	v5 =	vld.idx.msk [tilespmem:v6+s13+$0x0], $0xffff  }
0x4ea: {  	v6 =	vor.u32 $0x7, v4;
	_ =	sdelay $0x3  }
0x4eb: {  	[tilespmem:s22+$0x11130] =	vst v5  }
0x4ec: {  	v5 =	vld.idx.msk [tilespmem:v6+s13+$0x0], $0xffff  }
0x4ed: {  	v6 =	vor.u32 $0x8, v4;
	_ =	sdelay $0x3  }
0x4ee: {  	[tilespmem:s22+$0x11930] =	vst v5  }
0x4ef: {  	v5 =	vld.idx.msk [tilespmem:v6+s13+$0x0], $0xffff  }
0x4f0: {  	v6 =	vor.u32 $0x9, v4;
	_ =	sdelay $0x3  }
0x4f1: {  	s24 =	simm.s32 $0x32;
	[tilespmem:s22+$0x12130] =	vst v5  }
0x4f2: {  	s23 =	simm.s32 $0x100;
	s25 =	simm.s32 $0x200;
	v4 =	vmov s24;
	v5 =	vld.idx.msk [tilespmem:v6+s13+$0x0], $0xffff  }
.LBB2_8:
0x4f3: {  	p0 =	sne.s32 s25, $0x1F00;
	v4 =	vshll.u32 v4, $0x4  }
0x4f4: {  	v6 =	vadd.s32 v0, v4;
	_ =	sdelay $0x3  }
0x4f5: {  	[tilespmem:s22+$0x12930] =	vst v5  }
0x4f6: {  	v5 =	vld.idx.msk [tilespmem:v6+s13+$0x0], $0xffff;
	_ =	sdelay $0x1  }
0x4f7: {  	v7 =	vor.u32 $0x1, v6;
	_ =	sdelay $0x2  }
0x4f8: {  	s22 =	sshra.s32 s23, $0x2;
	s23 =	smov.u32 s25  }
0x4f9: {  	[tilespmem:s22+$0xE100] =	vst v5  }
0x4fa: {  	v5 =	vld.idx.msk [tilespmem:v7+s13+$0x0], $0xffff;
	_ =	sdelay $0x1  }
0x4fb: {  	v7 =	vor.u32 $0x2, v6;
	_ =	sdelay $0x3  }
0x4fc: {  	[tilespmem:s22+$0xE900] =	vst v5  }
0x4fd: {  	v5 =	vld.idx.msk [tilespmem:v7+s13+$0x0], $0xffff;
	_ =	sdelay $0x1  }
0x4fe: {  	v7 =	vor.u32 $0x3, v6;
	_ =	sdelay $0x3  }
0x4ff: {  	[tilespmem:s22+$0xF100] =	vst v5  }
0x500: {  	v5 =	vld.idx.msk [tilespmem:v7+s13+$0x0], $0xffff;
	_ =	sdelay $0x1  }
0x501: {  	v7 =	vor.u32 $0x4, v6;
	_ =	sdelay $0x3  }
0x502: {  	[tilespmem:s22+$0xF900] =	vst v5  }
0x503: {  	v5 =	vld.idx.msk [tilespmem:v7+s13+$0x0], $0xffff;
	_ =	sdelay $0x1  }
0x504: {  	v7 =	vor.u32 $0x5, v6;
	_ =	sdelay $0x3  }
0x505: {  	[tilespmem:s22+$0x10100] =	vst v5  }
0x506: {  	v5 =	vld.idx.msk [tilespmem:v7+s13+$0x0], $0xffff;
	_ =	sdelay $0x1  }
0x507: {  	v7 =	vor.u32 $0x6, v6;
	_ =	sdelay $0x3  }
0x508: {  	[tilespmem:s22+$0x10900] =	vst v5  }
0x509: {  	v5 =	vld.idx.msk [tilespmem:v7+s13+$0x0], $0xffff;
	_ =	sdelay $0x1  }
0x50a: {  	v7 =	vor.u32 $0x7, v6;
	_ =	sdelay $0x3  }
0x50b: {  	[tilespmem:s22+$0x11100] =	vst v5  }
0x50c: {  	v5 =	vld.idx.msk [tilespmem:v7+s13+$0x0], $0xffff;
	_ =	sdelay $0x1  }
0x50d: {  	v7 =	vor.u32 $0x8, v6;
	_ =	sdelay $0x3  }
0x50e: {  	[tilespmem:s22+$0x11900] =	vst v5  }
0x50f: {  	v5 =	vld.idx.msk [tilespmem:v7+s13+$0x0], $0xffff;
	_ =	sdelay $0x1  }
0x510: {  	v6 =	vor.u32 $0x9, v6;
	_ =	sdelay $0x3  }
0x511: {  	[tilespmem:s22+$0x12100] =	vst v5  }
0x512: {  	v5 =	vld.idx.msk [tilespmem:v6+s13+$0x0], $0xffff;
	_ =	sdelay $0x1  }
0x513: {  	v6 =	vadd.s32 v3, v4;
	_ =	sdelay $0x3  }
0x514: {  	[tilespmem:s22+$0x12900] =	vst v5  }
0x515: {  	v5 =	vld.idx.msk [tilespmem:v6+s13+$0x0], $0xffff;
	_ =	sdelay $0x1  }
0x516: {  	v7 =	vor.u32 $0x1, v6;
	_ =	sdelay $0x3  }
0x517: {  	[tilespmem:s22+$0xE110] =	vst v5  }
0x518: {  	v5 =	vld.idx.msk [tilespmem:v7+s13+$0x0], $0xffff;
	_ =	sdelay $0x1  }
0x519: {  	v7 =	vor.u32 $0x2, v6;
	_ =	sdelay $0x3  }
0x51a: {  	[tilespmem:s22+$0xE910] =	vst v5  }
0x51b: {  	v5 =	vld.idx.msk [tilespmem:v7+s13+$0x0], $0xffff;
	_ =	sdelay $0x1  }
0x51c: {  	v7 =	vor.u32 $0x3, v6;
	_ =	sdelay $0x3  }
0x51d: {  	[tilespmem:s22+$0xF110] =	vst v5  }
0x51e: {  	v5 =	vld.idx.msk [tilespmem:v7+s13+$0x0], $0xffff;
	_ =	sdelay $0x1  }
0x51f: {  	v7 =	vor.u32 $0x4, v6;
	_ =	sdelay $0x3  }
0x520: {  	[tilespmem:s22+$0xF910] =	vst v5  }
0x521: {  	v5 =	vld.idx.msk [tilespmem:v7+s13+$0x0], $0xffff;
	_ =	sdelay $0x1  }
0x522: {  	v7 =	vor.u32 $0x5, v6;
	_ =	sdelay $0x3  }
0x523: {  	[tilespmem:s22+$0x10110] =	vst v5  }
0x524: {  	v5 =	vld.idx.msk [tilespmem:v7+s13+$0x0], $0xffff;
	_ =	sdelay $0x1  }
0x525: {  	v7 =	vor.u32 $0x6, v6;
	_ =	sdelay $0x3  }
0x526: {  	[tilespmem:s22+$0x10910] =	vst v5  }
0x527: {  	v5 =	vld.idx.msk [tilespmem:v7+s13+$0x0], $0xffff;
	_ =	sdelay $0x1  }
0x528: {  	v7 =	vor.u32 $0x7, v6;
	_ =	sdelay $0x3  }
0x529: {  	[tilespmem:s22+$0x11110] =	vst v5  }
0x52a: {  	v5 =	vld.idx.msk [tilespmem:v7+s13+$0x0], $0xffff;
	_ =	sdelay $0x1  }
0x52b: {  	v7 =	vor.u32 $0x8, v6;
	_ =	sdelay $0x3  }
0x52c: {  	[tilespmem:s22+$0x11910] =	vst v5  }
0x52d: {  	v5 =	vld.idx.msk [tilespmem:v7+s13+$0x0], $0xffff;
	_ =	sdelay $0x1  }
0x52e: {  	v6 =	vor.u32 $0x9, v6;
	_ =	sdelay $0x3  }
0x52f: {  	[tilespmem:s22+$0x12110] =	vst v5  }
0x530: {  	v5 =	vld.idx.msk [tilespmem:v6+s13+$0x0], $0xffff;
	_ =	sdelay $0x1  }
0x531: {  	v6 =	vadd.s32 v2, v4;
	_ =	sdelay $0x3  }
0x532: {  	[tilespmem:s22+$0x12910] =	vst v5  }
0x533: {  	v5 =	vld.idx.msk [tilespmem:v6+s13+$0x0], $0xffff;
	_ =	sdelay $0x1  }
0x534: {  	v7 =	vor.u32 $0x1, v6;
	_ =	sdelay $0x3  }
0x535: {  	[tilespmem:s22+$0xE120] =	vst v5  }
0x536: {  	v5 =	vld.idx.msk [tilespmem:v7+s13+$0x0], $0xffff;
	_ =	sdelay $0x1  }
0x537: {  	v7 =	vor.u32 $0x2, v6;
	_ =	sdelay $0x3  }
0x538: {  	[tilespmem:s22+$0xE920] =	vst v5  }
0x539: {  	v5 =	vld.idx.msk [tilespmem:v7+s13+$0x0], $0xffff;
	_ =	sdelay $0x1  }
0x53a: {  	v7 =	vor.u32 $0x3, v6;
	_ =	sdelay $0x3  }
0x53b: {  	[tilespmem:s22+$0xF120] =	vst v5  }
0x53c: {  	v5 =	vld.idx.msk [tilespmem:v7+s13+$0x0], $0xffff;
	_ =	sdelay $0x1  }
0x53d: {  	v7 =	vor.u32 $0x4, v6;
	_ =	sdelay $0x3  }
0x53e: {  	[tilespmem:s22+$0xF920] =	vst v5  }
0x53f: {  	v5 =	vld.idx.msk [tilespmem:v7+s13+$0x0], $0xffff;
	_ =	sdelay $0x1  }
0x540: {  	v7 =	vor.u32 $0x5, v6;
	_ =	sdelay $0x3  }
0x541: {  	[tilespmem:s22+$0x10120] =	vst v5  }
0x542: {  	v5 =	vld.idx.msk [tilespmem:v7+s13+$0x0], $0xffff;
	_ =	sdelay $0x1  }
0x543: {  	v7 =	vor.u32 $0x6, v6;
	_ =	sdelay $0x3  }
0x544: {  	[tilespmem:s22+$0x10920] =	vst v5  }
0x545: {  	v5 =	vld.idx.msk [tilespmem:v7+s13+$0x0], $0xffff;
	_ =	sdelay $0x1  }
0x546: {  	v7 =	vor.u32 $0x7, v6;
	_ =	sdelay $0x3  }
0x547: {  	[tilespmem:s22+$0x11120] =	vst v5  }
0x548: {  	v5 =	vld.idx.msk [tilespmem:v7+s13+$0x0], $0xffff;
	_ =	sdelay $0x1  }
0x549: {  	v7 =	vor.u32 $0x8, v6;
	_ =	sdelay $0x3  }
0x54a: {  	[tilespmem:s22+$0x11920] =	vst v5  }
0x54b: {  	v5 =	vld.idx.msk [tilespmem:v7+s13+$0x0], $0xffff;
	_ =	sdelay $0x1  }
0x54c: {  	v6 =	vor.u32 $0x9, v6;
	_ =	sdelay $0x3  }
0x54d: {  	[tilespmem:s22+$0x12120] =	vst v5  }
0x54e: {  	v5 =	vld.idx.msk [tilespmem:v6+s13+$0x0], $0xffff;
	_ =	sdelay $0x1  }
0x54f: {  	v4 =	vadd.s32 v1, v4;
	_ =	sdelay $0x3  }
0x550: {  	[tilespmem:s22+$0x12920] =	vst v5  }
0x551: {  	v5 =	vld.idx.msk [tilespmem:v4+s13+$0x0], $0xffff;
	_ =	sdelay $0x1  }
0x552: {  	v6 =	vor.u32 $0x1, v4;
	_ =	sdelay $0x3  }
0x553: {  	[tilespmem:s22+$0xE130] =	vst v5  }
0x554: {  	v5 =	vld.idx.msk [tilespmem:v6+s13+$0x0], $0xffff;
	_ =	sdelay $0x1  }
0x555: {  	v6 =	vor.u32 $0x2, v4;
	_ =	sdelay $0x3  }
0x556: {  	[tilespmem:s22+$0xE930] =	vst v5  }
0x557: {  	v5 =	vld.idx.msk [tilespmem:v6+s13+$0x0], $0xffff;
	_ =	sdelay $0x1  }
0x558: {  	v6 =	vor.u32 $0x3, v4;
	_ =	sdelay $0x3  }
0x559: {  	[tilespmem:s22+$0xF130] =	vst v5  }
0x55a: {  	v5 =	vld.idx.msk [tilespmem:v6+s13+$0x0], $0xffff;
	_ =	sdelay $0x1  }
0x55b: {  	v6 =	vor.u32 $0x4, v4;
	_ =	sdelay $0x3  }
0x55c: {  	[tilespmem:s22+$0xF930] =	vst v5  }
0x55d: {  	v5 =	vld.idx.msk [tilespmem:v6+s13+$0x0], $0xffff;
	_ =	sdelay $0x1  }
0x55e: {  	v6 =	vor.u32 $0x5, v4;
	_ =	sdelay $0x3  }
0x55f: {  	[tilespmem:s22+$0x10130] =	vst v5  }
0x560: {  	v5 =	vld.idx.msk [tilespmem:v6+s13+$0x0], $0xffff;
	_ =	sdelay $0x1  }
0x561: {  	v6 =	vor.u32 $0x6, v4;
	_ =	sdelay $0x3  }
0x562: {  	[tilespmem:s22+$0x10930] =	vst v5  }
0x563: {  	v5 =	vld.idx.msk [tilespmem:v6+s13+$0x0], $0xffff;
	_ =	sdelay $0x1  }
0x564: {  	v6 =	vor.u32 $0x7, v4;
	_ =	sdelay $0x3  }
0x565: {  	[tilespmem:s22+$0x11130] =	vst v5  }
0x566: {  	v5 =	vld.idx.msk [tilespmem:v6+s13+$0x0], $0xffff;
	_ =	sdelay $0x1  }
0x567: {  	v6 =	vor.u32 $0x8, v4;
	_ =	sdelay $0x3  }
0x568: {  	[tilespmem:s22+$0x11930] =	vst v5  }
0x569: {  	v5 =	vld.idx.msk [tilespmem:v6+s13+$0x0], $0xffff;
	_ =	sdelay $0x1  }
0x56a: {  	v6 =	vor.u32 $0x9, v4  }
.Ltmp3:
0x56b: {  	(pc) =	sbr.rel @p0 .LBB2_8-.Ltmp3, $3  }
0x56c: {  	_ =	sdelay $0x1  }
0x56d: {  	s24 =	sadd.s32 $0x32, s24;
	[tilespmem:s22+$0x12130] =	vst v5  }
0x56e: {  	s25 =	sadd.s32 $0x100, s25;
	v4 =	vmov s24;
	v5 =	vld.idx.msk [tilespmem:v6+s13+$0x0], $0xffff  }
0x56f: {  	v4 =	vshll.u32 v4, $0x4  }
0x570: {  	v6 =	vadd.s32 v0, v4;
	_ =	sdelay $0x3  }
0x571: {  	[tilespmem:s22+$0x12930] =	vst v5  }
0x572: {  	v5 =	vld.idx.msk [tilespmem:v6+s13+$0x0], $0xffff  }
0x573: {  	v7 =	vor.u32 $0x1, v6;
	_ =	sdelay $0x2  }
0x574: {  	s31 =	sshra.s32 s23, $0x2  }
0x575: {  	[tilespmem:s31+$0xE100] =	vst v5  }
0x576: {  	v5 =	vld.idx.msk [tilespmem:v7+s13+$0x0], $0xffff  }
0x577: {  	v31 =	vor.u32 $0x2, v6;
	_ =	sdelay $0x3  }
0x578: {  	[tilespmem:s31+$0xE900] =	vst v5  }
0x579: {  	v5 =	vld.idx.msk [tilespmem:v31+s13+$0x0], $0xffff  }
0x57a: {  	v32 =	vor.u32 $0x3, v6;
	_ =	sdelay $0x3  }
0x57b: {  	[tilespmem:s31+$0xF100] =	vst v5  }
0x57c: {  	v5 =	vld.idx.msk [tilespmem:v32+s13+$0x0], $0xffff  }
0x57d: {  	v33 =	vor.u32 $0x4, v6;
	_ =	sdelay $0x3  }
0x57e: {  	[tilespmem:s31+$0xF900] =	vst v5  }
0x57f: {  	v5 =	vld.idx.msk [tilespmem:v33+s13+$0x0], $0xffff  }
0x580: {  	v34 =	vor.u32 $0x5, v6;
	_ =	sdelay $0x3  }
0x581: {  	[tilespmem:s31+$0x10100] =	vst v5  }
0x582: {  	v5 =	vld.idx.msk [tilespmem:v34+s13+$0x0], $0xffff  }
0x583: {  	v35 =	vor.u32 $0x6, v6;
	_ =	sdelay $0x3  }
0x584: {  	[tilespmem:s31+$0x10900] =	vst v5  }
0x585: {  	v5 =	vld.idx.msk [tilespmem:v35+s13+$0x0], $0xffff  }
0x586: {  	v36 =	vor.u32 $0x7, v6;
	_ =	sdelay $0x3  }
0x587: {  	[tilespmem:s31+$0x11100] =	vst v5  }
0x588: {  	v5 =	vld.idx.msk [tilespmem:v36+s13+$0x0], $0xffff  }
0x589: {  	v37 =	vor.u32 $0x8, v6;
	_ =	sdelay $0x3  }
0x58a: {  	[tilespmem:s31+$0x11900] =	vst v5  }
0x58b: {  	v5 =	vld.idx.msk [tilespmem:v37+s13+$0x0], $0xffff  }
0x58c: {  	v6 =	vor.u32 $0x9, v6;
	_ =	sdelay $0x3  }
0x58d: {  	[tilespmem:s31+$0x12100] =	vst v5  }
0x58e: {  	v5 =	vld.idx.msk [tilespmem:v6+s13+$0x0], $0xffff  }
0x58f: {  	v38 =	vadd.s32 v3, v4;
	_ =	sdelay $0x3  }
0x590: {  	[tilespmem:s31+$0x12900] =	vst v5  }
0x591: {  	v5 =	vld.idx.msk [tilespmem:v38+s13+$0x0], $0xffff  }
0x592: {  	v39 =	vor.u32 $0x1, v38;
	_ =	sdelay $0x3  }
0x593: {  	[tilespmem:s31+$0xE110] =	vst v5  }
0x594: {  	v5 =	vld.idx.msk [tilespmem:v39+s13+$0x0], $0xffff  }
0x595: {  	v40 =	vor.u32 $0x2, v38;
	_ =	sdelay $0x3  }
0x596: {  	[tilespmem:s31+$0xE910] =	vst v5  }
0x597: {  	v5 =	vld.idx.msk [tilespmem:v40+s13+$0x0], $0xffff  }
0x598: {  	v41 =	vor.u32 $0x3, v38;
	_ =	sdelay $0x3  }
0x599: {  	[tilespmem:s31+$0xF110] =	vst v5  }
0x59a: {  	v5 =	vld.idx.msk [tilespmem:v41+s13+$0x0], $0xffff  }
0x59b: {  	v42 =	vor.u32 $0x4, v38;
	_ =	sdelay $0x3  }
0x59c: {  	[tilespmem:s31+$0xF910] =	vst v5  }
0x59d: {  	v5 =	vld.idx.msk [tilespmem:v42+s13+$0x0], $0xffff  }
0x59e: {  	v43 =	vor.u32 $0x5, v38;
	_ =	sdelay $0x3  }
0x59f: {  	[tilespmem:s31+$0x10110] =	vst v5  }
0x5a0: {  	v5 =	vld.idx.msk [tilespmem:v43+s13+$0x0], $0xffff  }
0x5a1: {  	v44 =	vor.u32 $0x6, v38;
	_ =	sdelay $0x3  }
0x5a2: {  	[tilespmem:s31+$0x10910] =	vst v5  }
0x5a3: {  	v5 =	vld.idx.msk [tilespmem:v44+s13+$0x0], $0xffff  }
0x5a4: {  	v45 =	vor.u32 $0x7, v38;
	_ =	sdelay $0x3  }
0x5a5: {  	[tilespmem:s31+$0x11110] =	vst v5  }
0x5a6: {  	v5 =	vld.idx.msk [tilespmem:v45+s13+$0x0], $0xffff  }
0x5a7: {  	v46 =	vor.u32 $0x8, v38;
	_ =	sdelay $0x3  }
0x5a8: {  	[tilespmem:s31+$0x11910] =	vst v5  }
0x5a9: {  	v5 =	vld.idx.msk [tilespmem:v46+s13+$0x0], $0xffff  }
0x5aa: {  	v6 =	vor.u32 $0x9, v38;
	_ =	sdelay $0x3  }
0x5ab: {  	[tilespmem:s31+$0x12110] =	vst v5  }
0x5ac: {  	v5 =	vld.idx.msk [tilespmem:v6+s13+$0x0], $0xffff  }
0x5ad: {  	v47 =	vadd.s32 v2, v4;
	_ =	sdelay $0x3  }
0x5ae: {  	[tilespmem:s31+$0x12910] =	vst v5  }
0x5af: {  	v5 =	vld.idx.msk [tilespmem:v47+s13+$0x0], $0xffff  }
0x5b0: {  	v48 =	vor.u32 $0x1, v47;
	_ =	sdelay $0x3  }
0x5b1: {  	[tilespmem:s31+$0xE120] =	vst v5  }
0x5b2: {  	v5 =	vld.idx.msk [tilespmem:v48+s13+$0x0], $0xffff  }
0x5b3: {  	v49 =	vor.u32 $0x2, v47;
	_ =	sdelay $0x3  }
0x5b4: {  	[tilespmem:s31+$0xE920] =	vst v5  }
0x5b5: {  	v5 =	vld.idx.msk [tilespmem:v49+s13+$0x0], $0xffff  }
0x5b6: {  	v50 =	vor.u32 $0x3, v47;
	_ =	sdelay $0x3  }
0x5b7: {  	[tilespmem:s31+$0xF120] =	vst v5  }
0x5b8: {  	v5 =	vld.idx.msk [tilespmem:v50+s13+$0x0], $0xffff  }
0x5b9: {  	v51 =	vor.u32 $0x4, v47;
	_ =	sdelay $0x3  }
0x5ba: {  	[tilespmem:s31+$0xF920] =	vst v5  }
0x5bb: {  	v5 =	vld.idx.msk [tilespmem:v51+s13+$0x0], $0xffff  }
0x5bc: {  	v52 =	vor.u32 $0x5, v47;
	_ =	sdelay $0x3  }
0x5bd: {  	[tilespmem:s31+$0x10120] =	vst v5  }
0x5be: {  	v5 =	vld.idx.msk [tilespmem:v52+s13+$0x0], $0xffff  }
0x5bf: {  	v53 =	vor.u32 $0x6, v47;
	_ =	sdelay $0x3  }
0x5c0: {  	[tilespmem:s31+$0x10920] =	vst v5  }
0x5c1: {  	v5 =	vld.idx.msk [tilespmem:v53+s13+$0x0], $0xffff  }
0x5c2: {  	v54 =	vor.u32 $0x7, v47;
	_ =	sdelay $0x3  }
0x5c3: {  	[tilespmem:s31+$0x11120] =	vst v5  }
0x5c4: {  	v5 =	vld.idx.msk [tilespmem:v54+s13+$0x0], $0xffff  }
0x5c5: {  	v55 =	vor.u32 $0x8, v47;
	_ =	sdelay $0x3  }
0x5c6: {  	[tilespmem:s31+$0x11920] =	vst v5  }
0x5c7: {  	v5 =	vld.idx.msk [tilespmem:v55+s13+$0x0], $0xffff  }
0x5c8: {  	v6 =	vor.u32 $0x9, v47;
	_ =	sdelay $0x3  }
0x5c9: {  	[tilespmem:s31+$0x12120] =	vst v5  }
0x5ca: {  	v5 =	vld.idx.msk [tilespmem:v6+s13+$0x0], $0xffff  }
0x5cb: {  	v4 =	vadd.s32 v1, v4;
	_ =	sdelay $0x3  }
0x5cc: {  	[tilespmem:s31+$0x12920] =	vst v5  }
0x5cd: {  	v5 =	vld.idx.msk [tilespmem:v4+s13+$0x0], $0xffff  }
0x5ce: {  	v56 =	vor.u32 $0x1, v4;
	_ =	sdelay $0x3  }
0x5cf: {  	[tilespmem:s31+$0xE130] =	vst v5  }
0x5d0: {  	v5 =	vld.idx.msk [tilespmem:v56+s13+$0x0], $0xffff  }
0x5d1: {  	v57 =	vor.u32 $0x2, v4;
	_ =	sdelay $0x3  }
0x5d2: {  	[tilespmem:s31+$0xE930] =	vst v5  }
0x5d3: {  	v5 =	vld.idx.msk [tilespmem:v57+s13+$0x0], $0xffff  }
0x5d4: {  	v58 =	vor.u32 $0x3, v4;
	_ =	sdelay $0x3  }
0x5d5: {  	[tilespmem:s31+$0xF130] =	vst v5  }
0x5d6: {  	v5 =	vld.idx.msk [tilespmem:v58+s13+$0x0], $0xffff  }
0x5d7: {  	v59 =	vor.u32 $0x4, v4;
	_ =	sdelay $0x3  }
0x5d8: {  	[tilespmem:s31+$0xF930] =	vst v5  }
0x5d9: {  	v5 =	vld.idx.msk [tilespmem:v59+s13+$0x0], $0xffff  }
0x5da: {  	v60 =	vor.u32 $0x5, v4;
	_ =	sdelay $0x3  }
0x5db: {  	[tilespmem:s31+$0x10130] =	vst v5  }
0x5dc: {  	v5 =	vld.idx.msk [tilespmem:v60+s13+$0x0], $0xffff  }
0x5dd: {  	v61 =	vor.u32 $0x6, v4;
	_ =	sdelay $0x3  }
0x5de: {  	[tilespmem:s31+$0x10930] =	vst v5  }
0x5df: {  	v5 =	vld.idx.msk [tilespmem:v61+s13+$0x0], $0xffff  }
0x5e0: {  	v62 =	vor.u32 $0x7, v4;
	_ =	sdelay $0x3  }
0x5e1: {  	[tilespmem:s31+$0x11130] =	vst v5  }
0x5e2: {  	v5 =	vld.idx.msk [tilespmem:v62+s13+$0x0], $0xffff  }
0x5e3: {  	v63 =	vor.u32 $0x8, v4;
	_ =	sdelay $0x3  }
0x5e4: {  	[tilespmem:s31+$0x11930] =	vst v5  }
0x5e5: {  	v5 =	vld.idx.msk [tilespmem:v63+s13+$0x0], $0xffff  }
0x5e6: {  	v4 =	vor.u32 $0x9, v4;
	_ =	sdelay $0x3  }
0x5e7: {  	[tilespmem:s31+$0x12130] =	vst v5  }
0x5e8: {  	v4 =	vld.idx.msk [tilespmem:v4+s13+$0x0], $0xffff;
	_ =	sdelay $0x2  }
0x5e9: {  	s21 =	sadd.s32 $0x1, s21  }
0x5ea: {  	p0 =	sne.s32 s21, s9  }
.Ltmp4:
0x5eb: {  	[tilespmem:s31+$0x12930] =	vst v4;
	(pc) =	sbr.rel @p0 .LBB2_1-.Ltmp4, $4  }
0x5ec: {  	[hbm4b:s8+s16] =	stream.strided.scatter [tilespmem:s18], [sflag:$0x3], $0x5000, s17, s16, $0x38;
	[tilespmem:$0x13100] =	vst v63  }
0x5ed: {  	_ =	swait.ge [sflag:s10], $0x5000  }
0x5ee: {  	[sflag:s10] =	ssyncset.done $0x0  }
0x5ef: {  	[sflag:s10] =	ssyncadd.s32 $0xFFFFB000  }
0x5f0: {  	_ =	sfence.sel $0x180000  }
0x5f1: {  	[bflag:$0x0] =	sbarrier.arrive $0xFFFF  }
0x5f2: {  	p0 =	sne.s32 s1, $0x0;
	_ =	strace $0x90000047  }
0x5f3: {  	s0 =	sadd.s32 @!p0 $0x100000, s0;
	[bflag:$0x2] =	sbarrier.arrive $0xFFFF  }
0x5f4: {  	[sflag:s0] =	ssyncadd.tile.s32 @!p0 $0x1;
	_ =	shalt  }
.Lfunc_end2:
_tile_overlayer_lowered:
.L_overlay_start_2:
0x5f5: {  	(tag) =	ssettag $0x2  }
0x5f6: {  	s0 =	rddreg [dreg:$0x0];
	s2 =	stileid.u32  }
0x5f7: {  	s1 =	rddreg [dreg:$0x1];
	p0 =	sne.s32 s2, $0x0  }
0x5f8: {  	s3 =	rddreg [dreg:$0x2];
	[bflag:$0x3] =	sbarrier.arrive $0xFFFF;
	s2 =	simm.s32 @!p0 $0x1C03  }
0x5f9: {  	[timem:s3], [sflag:s2] =	dma.local @!p0 [hbm:s0], s1  }
0x5fa: {  	s0 =	simm.s32 @!p0 $0x3  }
0x5fb: {  	_ =	swait.ge @!p0 [sflag:s0], s1  }
0x5fc: {  	s1 =	ssub.s32 @!p0 $0x0, s1;
	[sflag:s0] =	ssyncset.done @!p0 $0x0  }
0x5fd: {  	[sflag:s0] =	ssyncadd.s32 @!p0 s1  }
0x5fe: {  	[bflag:$0x3] =	sbarrier.arrive $0xFFFF  }
0x5ff: {  	_ =	shalt  }

</sc_bundles>
